<compile_context>
chip_gen: v7x
topology: tpu7x:2x2x1
jax: 0.10.2.dev20260603
libtpu: 0.0.44.dev20260713+nightly
codegen_flags: <defaults>
</compile_context>

<pallas_src>
import functools

import jax
import jax.numpy as jnp
from jax import lax
from jax.experimental import pallas as pl
from jax.experimental.pallas import tpu as pltpu
from jax.experimental.pallas import tpu_sc as plsc

_LANES = 16
_NBINS = 256



def _scores_matvec(x, w):
    B, T, D = x.shape
    N = B * T
    Tb = 4096
    H = D // 2

    def body(x_ref, w_ref, o_ref, s0, s1):
        xb = x_ref[...].astype(jnp.bfloat16)
        wv = w_ref[...].astype(jnp.bfloat16)
        s0[...] = lax.dot_general(wv[:, :H], xb[:, :H], (((1,), (1,)), ((), ())),
                                  preferred_element_type=jnp.float32)
        s1[...] = lax.dot_general(wv[:, H:], xb[:, H:], (((1,), (1,)), ((), ())),
                                  preferred_element_type=jnp.float32)
        o_ref[...] = s0[...] + s1[...]

    out = pl.pallas_call(
        body,
        grid=(N // Tb,),
        in_specs=[
            pl.BlockSpec((Tb, D), lambda t: (t, 0)),
            pl.BlockSpec((1, D), lambda t: (0, 0)),
        ],
        out_specs=pl.BlockSpec((1, Tb), lambda t: (0, t)),
        out_shape=jax.ShapeDtypeStruct((1, N), jnp.float32),
        scratch_shapes=[pltpu.VMEM((1, Tb), jnp.float32),
                        pltpu.VMEM((1, Tb), jnp.float32)],
    )(x.reshape(N, D), w)
    return out.reshape(B, T, 1)



def _topk_mask_sc(scores, K):
    B, T = scores.shape
    NV = T // _LANES

    mesh = plsc.VectorSubcoreMesh(core_axis_name="c", subcore_axis_name="s")

    @functools.partial(
        pl.kernel,
        mesh=mesh,
        compiler_params=pltpu.CompilerParams(needs_layout_passes=False),
        out_type=[
            jax.ShapeDtypeStruct((B, K), jnp.int32),
            jax.ShapeDtypeStruct((B, T), jnp.float32),
        ],
        scratch_types=[
            pltpu.VMEM((T,), jnp.float32),
            pltpu.VMEM((T + _LANES,), jnp.int32),
            pltpu.VMEM((T + _LANES,), jnp.int32),
            pltpu.VMEM((T + _LANES,), jnp.int32),
            pltpu.VMEM((T + _LANES,), jnp.int32),
            pltpu.VMEM((_NBINS * _LANES,), jnp.int32),
            pltpu.VMEM((T,), jnp.float32),
        ],
    )
    def sc_kernel(scores_hbm, idx_hbm, mask_hbm,
                  scores_v, key_a, val_a, key_b, val_b, hist, mask_v):
        wid = lax.axis_index("s") * 2 + lax.axis_index("c")
        lane = lax.iota(jnp.int32, _LANES)
        ones_i = jnp.ones((_LANES,), jnp.int32)
        ones_f = jnp.ones((_LANES,), jnp.float32)
        U = 8

        @pl.when(wid < B)
        def _():
            b = wid
            pltpu.sync_copy(scores_hbm.at[b], scores_v)

            def key_of(s):
                bits = plsc.bitcast(s, jnp.int32)
                sgn = lax.shift_right_arithmetic(bits, 31)
                flip = jnp.bitwise_and(jnp.bitwise_not(sgn), 0x7FFFFFFF)
                return jnp.bitwise_xor(bits, flip)

            def zero_hist():
                @plsc.parallel_loop(0, _NBINS, unroll=U)
                def _zb(j):
                    hist[pl.ds(j * _LANES, _LANES)] = jnp.zeros(
                        (_LANES,), jnp.int32)

            zero_hist()

            @plsc.parallel_loop(0, NV, unroll=U)
            def _h1body(i):
                s = scores_v[pl.ds(i * _LANES, _LANES)]
                k = key_of(s)
                d = lax.shift_right_logical(k, 24)
                plsc.addupdate_scatter(hist, [d * _LANES + lane], ones_i)

            def tbody(j, carry):
                cum, tau, ns = carry
                h = hist[pl.ds(j * _LANES, _LANES)]
                tot = jnp.sum(h)
                newcum = cum + tot
                below = cum < K
                tau = jnp.where(below, j, tau)
                ns = jnp.where(below, newcum, ns)
                return (newcum, tau, ns)
            _, tau, ns = lax.fori_loop(
                0, _NBINS, tbody,
                (jnp.int32(0), jnp.int32(0), jnp.int32(0)))

            def cbody(i, cnt):
                for u in range(U):
                    ii = i * U + u
                    s = scores_v[pl.ds(ii * _LANES, _LANES)]
                    k = key_of(s)
                    d = lax.shift_right_logical(k, 24)
                    m = d <= tau
                    mi = jnp.where(m, ones_i, 0)
                    incl = plsc.cumsum(mi)
                    slot = cnt + incl - 1
                    plsc.store_scatter(key_a, [slot], k, mask=m)
                    plsc.store_scatter(val_a, [slot], ii * _LANES + lane, mask=m)
                    cnt = cnt + jnp.sum(mi)
                return cnt
            cnt = lax.fori_loop(0, NV // U, cbody, jnp.int32(0))

            key_a[pl.ds(cnt, _LANES)] = jnp.full((_LANES,), -1, jnp.int32)
            val_a[pl.ds(cnt, _LANES)] = jnp.zeros((_LANES,), jnp.int32)
            nv2 = lax.shift_right_logical(cnt + (_LANES - 1), 4)

            def radix_pass(shift, key_in, val_in, key_out, val_out):
                zero_hist()

                @plsc.parallel_loop(0, nv2, unroll=1)
                def _hbody(i):
                    pos = lane * nv2 + i
                    k = plsc.load_gather(key_in, [pos])
                    d = jnp.bitwise_and(lax.shift_right_logical(k, shift), 0xFF)
                    plsc.addupdate_scatter(hist, [d * _LANES + lane], ones_i)

                def sbody(j, carry):
                    for u in range(U):
                        sl = pl.ds((j * U + u) * _LANES, _LANES)
                        h = hist[sl]
                        incl = plsc.cumsum(h)
                        hist[sl] = incl - h + carry
                        carry = carry + jnp.sum(h)
                    return carry
                lax.fori_loop(0, _NBINS // U, sbody, jnp.int32(0))

                def pbody(i, c):
                    pos = lane * nv2 + i
                    k = plsc.load_gather(key_in, [pos])
                    v = plsc.load_gather(val_in, [pos])
                    d = jnp.bitwise_and(lax.shift_right_logical(k, shift), 0xFF)
                    hidx = d * _LANES + lane
                    offs = plsc.load_gather(hist, [hidx])
                    plsc.store_scatter(key_out, [offs], k)
                    plsc.store_scatter(val_out, [offs], v)
                    plsc.addupdate_scatter(hist, [hidx], ones_i)
                    return c
                lax.fori_loop(0, nv2, pbody, 0)

            radix_pass(0, key_a, val_a, key_b, val_b)
            radix_pass(8, key_b, val_b, key_a, val_a)
            radix_pass(16, key_a, val_a, key_b, val_b)
            radix_pass(24, key_b, val_b, key_a, val_a)

            pltpu.sync_copy(val_a.at[pl.ds(0, K)], idx_hbm.at[b])

            @plsc.parallel_loop(0, NV, unroll=U)
            def _mzero(j):
                mask_v[pl.ds(j * _LANES, _LANES)] = jnp.zeros(
                    (_LANES,), jnp.float32)

            @plsc.parallel_loop(0, K // _LANES, unroll=U)
            def _mset(j):
                iv = val_a[pl.ds(j * _LANES, _LANES)]
                plsc.store_scatter(mask_v, [iv], ones_f)

            pltpu.sync_copy(mask_v, mask_hbm.at[b])

    return sc_kernel(scores)


def kernel(x, W, capacity_ratio):
    B, T, D = x.shape
    K = max(1, int(T * 0.125))
    scores3d = _scores_matvec(x, W)
    idx, mask2d = _topk_mask_sc(scores3d[..., 0], K)
    return (scores3d, mask2d[..., None], idx)

# --- scband reference (transcript-rebuilt; emitter-appended) ---
"""Pipeline reference for scband-mo-drouter-29351806500979 (READ-ONLY COPY).

The authoritative reference and input builder live on the scoring server;
editing this copy changes nothing except your own understanding.
"""

import jax, jax.numpy as jnp
import numpy as np


def setup_inputs(seed: int = 0) -> dict:
    key = jax.random.key(seed)
    kx, kw = jax.random.split(key)
    B, T, D = 4, 8192, 768
    x = jax.random.normal(kx, (B, T, D), dtype=jnp.float32)
    # scorer: nn.Linear(n_embd, 1, bias=False) -> weight shape (1, D)
    W = jax.random.normal(kw, (1, D), dtype=jnp.float32) * (1.0 / np.sqrt(D))
    return {"x": x, "W": W, "capacity_ratio": 0.125}


def reference(x, W, capacity_ratio):
    B, T, D = x.shape
    # scores = self.scorer(x) : (B, T, 1)
    scores = x @ W.T
    scores = scores + (capacity_ratio - capacity_ratio)
    K = max(1, int(T * 0.125))
    # topk over squeezed scores along dim=1 (tokens)
    _, indices = jax.lax.top_k(jnp.squeeze(scores, -1), K)  # (B, K)
    # mask scatter: zeros (B, T, 1), set selected token positions to 1.0
    mask = jnp.zeros((B, T, 1), dtype=x.dtype)
    batch_idx = jnp.arange(B)[:, None]
    mask = mask.at[batch_idx, indices, 0].set(1.0)
    return (scores, mask, indices)

if __name__ == "__main__":
    import jax
    _d = setup_inputs()
    print(jax.jit(kernel)(*tuple(_d.values())))

</pallas_src>

<mosaic_0001>
#map = affine_map<(d0, d1) -> (0, 0)>
module attributes {stable_mosaic.version = 14 : i64} {
  func.func @sc_kernel(%arg0: i32, %arg1: i32, %arg2: memref<4x8192xf32, #tpu.memory_space<hbm>>, %arg3: memref<4x1024xi32, #tpu.memory_space<hbm>>, %arg4: memref<4x8192xf32, #tpu.memory_space<hbm>>, %arg5: memref<8192xf32, #tpu.memory_space<vmem>>, %arg6: memref<8208xi32, #tpu.memory_space<vmem>>, %arg7: memref<8208xi32, #tpu.memory_space<vmem>>, %arg8: memref<8208xi32, #tpu.memory_space<vmem>>, %arg9: memref<8208xi32, #tpu.memory_space<vmem>>, %arg10: memref<4096xi32, #tpu.memory_space<vmem>>, %arg11: memref<8192xf32, #tpu.memory_space<vmem>>) attributes {dimension_semantics = [#tpu.dimension_semantics<core_parallel>, #tpu.dimension_semantics<subcore_parallel>], iteration_bounds = array<i64: 2, 16>, scalar_prefetch = 0 : i64, scratch_operands = 7 : i64, tpu.core_type = #tpu.core_type<sc_vector_subcore>, window_params = [{transform_indices = #map}, {transform_indices = #map}, {transform_indices = #map}]} {
    %mul3A = arith.constant 2 : i32
    %mul3A_0 = arith.muli %arg1, %mul3A : i32
    %add3A = arith.addi %mul3A_0, %arg0 : i32
    %iota3A = tpu.iota {dimensions = array<i32: 0>} : vector<16xi32>
    %broadcast_in_dim3A = arith.constant 1 : i32
    %broadcast_in_dim3A_1 = vector.broadcast %broadcast_in_dim3A : i32 to vector<16xi32>
    %broadcast_in_dim3A_2 = arith.constant 1.000000e+00 : f32
    %broadcast_in_dim3A_3 = vector.broadcast %broadcast_in_dim3A_2 : f32 to vector<16xf32>
    %lt3A = arith.constant 4 : i32
    %lt3A_4 = arith.cmpi slt, %add3A, %lt3A : i32
    %convert_element_type3A = arith.extui %lt3A_4 : i1 to i32
    %cond3A = arith.constant 0 : i32
    %cond3A_5 = arith.cmpi ne, %convert_element_type3A, %cond3A : i32
    scf.if %cond3A_5 {
      "tpu.region"() ({
        %run_scoped3A = tpu.sem_alloc : memref<!tpu.dma_semaphore, #tpu.memory_space<semaphore_mem>>
        %dma_start3A = arith.constant 0 : i32
        %dma_start3A_129 = tpu.memref_slice %arg2[%add3A, %dma_start3A] : memref<4x8192xf32, #tpu.memory_space<hbm>> -> memref<1x8192xf32, #tpu.memory_space<hbm>>
        %dma_start3A_130 = tpu.memref_squeeze %dma_start3A_129 : memref<1x8192xf32, #tpu.memory_space<hbm>> -> memref<8192xf32, #tpu.memory_space<hbm>>
        %dma_start3A_131 = arith.constant 0 : i32
        %dma_start3A_132 = tpu.memref_slice %arg2[%add3A, %dma_start3A_131] : memref<4x8192xf32, #tpu.memory_space<hbm>> -> memref<1x8192xf32, #tpu.memory_space<hbm>>
        %dma_start3A_133 = tpu.memref_squeeze %dma_start3A_132 : memref<1x8192xf32, #tpu.memory_space<hbm>> -> memref<8192xf32, #tpu.memory_space<hbm>>
        tpu.enqueue_dma source(%dma_start3A_133 : memref<8192xf32, #tpu.memory_space<hbm>>) target(%arg5 : memref<8192xf32, #tpu.memory_space<vmem>>) target_semaphore(%run_scoped3A : memref<!tpu.dma_semaphore, #tpu.memory_space<semaphore_mem>>)
        %dma_wait3A = arith.constant 0 : i32
        %dma_wait3A_134 = tpu.memref_slice %arg2[%add3A, %dma_wait3A] : memref<4x8192xf32, #tpu.memory_space<hbm>> -> memref<1x8192xf32, #tpu.memory_space<hbm>>
        %dma_wait3A_135 = tpu.memref_squeeze %dma_wait3A_134 : memref<1x8192xf32, #tpu.memory_space<hbm>> -> memref<8192xf32, #tpu.memory_space<hbm>>
        %dma_wait3A_136 = arith.constant 0 : i32
        %dma_wait3A_137 = tpu.memref_slice %arg2[%add3A, %dma_wait3A_136] : memref<4x8192xf32, #tpu.memory_space<hbm>> -> memref<1x8192xf32, #tpu.memory_space<hbm>>
        %dma_wait3A_138 = tpu.memref_squeeze %dma_wait3A_137 : memref<1x8192xf32, #tpu.memory_space<hbm>> -> memref<8192xf32, #tpu.memory_space<hbm>>
        tpu.wait_dma2 semaphore(%run_scoped3A : memref<!tpu.dma_semaphore, #tpu.memory_space<semaphore_mem>>) src(%dma_wait3A_138 : memref<8192xf32, #tpu.memory_space<hbm>>) dst(%arg5 : memref<8192xf32, #tpu.memory_space<vmem>>)
        tpu.yield
      }) : () -> ()
      %parallel_loop3A = arith.constant 0 : i32
      %parallel_loop3A_6 = arith.constant 256 : i32
      %parallel_loop3A_7 = arith.constant 1 : i32
      scf.for %parallel_loop3A_129 = %parallel_loop3A to %parallel_loop3A_6 step %parallel_loop3A_7  : i32 {
        %parallel_loop3A_130 = arith.constant 0 : i32
        %parallel_loop3A_131 = vector.broadcast %parallel_loop3A_130 : i32 to vector<16xi32>
        %parallel_loop3A_132 = arith.constant 16 : i32
        %parallel_loop3A_133 = arith.muli %parallel_loop3A_129, %parallel_loop3A_132 : i32
        %parallel_loop3A_134 = arith.index_cast %parallel_loop3A_133 : i32 to index
        %parallel_loop3A_135 = tpu.vector_load %arg10[%parallel_loop3A_134] {strides = array<i32>} : memref<4096xi32, #tpu.memory_space<vmem>>, vector<16xi32>,
        tpu.vector_store %arg10[%parallel_loop3A_134], %parallel_loop3A_131 {strides = array<i32>} : memref<4096xi32, #tpu.memory_space<vmem>>, vector<16xi32>,
      } {sc.loop_unroll_factor = 8 : i64, sc.parallel_access}
      %parallel_loop3A_8 = arith.constant 0 : i32
      %parallel_loop3A_9 = arith.constant 512 : i32
      %parallel_loop3A_10 = arith.constant 1 : i32
      scf.for %parallel_loop3A_129 = %parallel_loop3A_8 to %parallel_loop3A_9 step %parallel_loop3A_10  : i32 {
        %parallel_loop3A_130 = arith.constant 16 : i32
        %parallel_loop3A_131 = arith.muli %parallel_loop3A_129, %parallel_loop3A_130 : i32
        %parallel_loop3A_132 = arith.index_cast %parallel_loop3A_131 : i32 to index
        %parallel_loop3A_133 = tpu.vector_load %arg5[%parallel_loop3A_132] {strides = array<i32>} : memref<8192xf32, #tpu.memory_space<vmem>>, vector<16xf32>,
        %parallel_loop3A_134 = vector.bitcast %parallel_loop3A_133 : vector<16xf32> to vector<16xi32>
        %parallel_loop3A_135 = arith.constant 31 : i32
        %parallel_loop3A_136 = vector.broadcast %parallel_loop3A_135 : i32 to vector<16xi32>
        %parallel_loop3A_137 = arith.shrsi %parallel_loop3A_134, %parallel_loop3A_136 : vector<16xi32>
        %parallel_loop3A_138 = arith.constant dense<-1> : vector<16xi32>
        %parallel_loop3A_139 = arith.xori %parallel_loop3A_137, %parallel_loop3A_138 : vector<16xi32>
        %parallel_loop3A_140 = arith.constant 2147483647 : i32
        %parallel_loop3A_141 = vector.broadcast %parallel_loop3A_140 : i32 to vector<16xi32>
        %parallel_loop3A_142 = arith.andi %parallel_loop3A_139, %parallel_loop3A_141 : vector<16xi32>
        %parallel_loop3A_143 = arith.xori %parallel_loop3A_134, %parallel_loop3A_142 : vector<16xi32>
        %parallel_loop3A_144 = arith.constant 24 : i32
        %parallel_loop3A_145 = vector.broadcast %parallel_loop3A_144 : i32 to vector<16xi32>
        %parallel_loop3A_146 = arith.shrui %parallel_loop3A_143, %parallel_loop3A_145 : vector<16xi32>
        %parallel_loop3A_147 = arith.constant 16 : i32
        %parallel_loop3A_148 = vector.broadcast %parallel_loop3A_147 : i32 to vector<16xi32>
        %parallel_loop3A_149 = arith.muli %parallel_loop3A_146, %parallel_loop3A_148 : vector<16xi32>
        %parallel_loop3A_150 = arith.addi %parallel_loop3A_149, %iota3A : vector<16xi32>
        tpu.vector_store_idx %arg10[%parallel_loop3A_150], %broadcast_in_dim3A_1 {add = true} : memref<4096xi32, #tpu.memory_space<vmem>>[vector<16xi32>], vector<16xi32>,
      } {sc.loop_unroll_factor = 8 : i64, sc.parallel_access}
      %scan3A = arith.constant 0 : i32
      %scan3A_11 = arith.constant 0 : i32
      %scan3A_12 = arith.constant 0 : i32
      %scan3A_13 = arith.constant 0 : i32
      %scan3A_14 = arith.constant 256 : i32
      %scan3A_15 = arith.addi %scan3A_13, %scan3A_14 : i32
      %scan3A_16 = arith.constant 1 : i32
      %scan3A_17:3 = scf.for %scan3A_129 = %scan3A_13 to %scan3A_15 step %scan3A_16 iter_args(%scan3A_130 = %scan3A, %scan3A_131 = %scan3A_11, %scan3A_132 = %scan3A_12) -> (i32, i32, i32)  : i32 {
        %mul3A_133 = arith.constant 16 : i32
        %mul3A_134 = arith.muli %scan3A_129, %mul3A_133 : i32
        %get3A = arith.index_cast %mul3A_134 : i32 to index
        %get3A_135 = tpu.vector_load %arg10[%get3A] {strides = array<i32>} : memref<4096xi32, #tpu.memory_space<vmem>>, vector<16xi32>,
        %reduce_sum3A = arith.constant true
        %reduce_sum3A_136 = vector.broadcast %reduce_sum3A : i1 to vector<16xi1>
        %reduce_sum3A_137 = tpu.scan <sum>, %get3A_135 masked %reduce_sum3A_136 : vector<16xi32>, vector<16xi1> -> vector<16xi32>
        %reduce_sum3A_138 = vector.extract %reduce_sum3A_137[15] : i32 from vector<16xi32>
        %add3A_139 = arith.addi %scan3A_130, %reduce_sum3A_138 : i32
        %lt3A_140 = arith.constant 1024 : i32
        %lt3A_141 = arith.cmpi slt, %scan3A_130, %lt3A_140 : i32
        %select_n3A = arith.select %lt3A_141, %scan3A_129, %scan3A_131 : i32
        %select_n3A_142 = arith.select %lt3A_141, %add3A_139, %scan3A_132 : i32
        scf.yield %add3A_139, %select_n3A, %select_n3A_142 : i32, i32, i32
      }
      %scan3A_18 = arith.constant 256 : i32
      %scan3A_19 = arith.constant 0 : i32
      %scan3A_20 = arith.constant 0 : i32
      %scan3A_21 = arith.constant 64 : i32
      %scan3A_22 = arith.addi %scan3A_20, %scan3A_21 : i32
      %scan3A_23 = arith.constant 1 : i32
      %scan3A_24 = scf.for %scan3A_129 = %scan3A_20 to %scan3A_22 step %scan3A_23 iter_args(%scan3A_130 = %scan3A_19) -> (i32)  : i32 {
        %mul3A_131 = arith.constant 8 : i32
        %mul3A_132 = arith.muli %scan3A_129, %mul3A_131 : i32
        %add3A_133 = arith.constant 0 : i32
        %add3A_134 = arith.addi %mul3A_132, %add3A_133 : i32
        %mul3A_135 = arith.constant 16 : i32
        %mul3A_136 = arith.muli %add3A_134, %mul3A_135 : i32
        %get3A = arith.index_cast %mul3A_136 : i32 to index
        %get3A_137 = tpu.vector_load %arg5[%get3A] {strides = array<i32>} : memref<8192xf32, #tpu.memory_space<vmem>>, vector<16xf32>,
        %bitcast3A = vector.bitcast %get3A_137 : vector<16xf32> to vector<16xi32>
        %shift_right_arithmetic3A = arith.constant 31 : i32
        %shift_right_arithmetic3A_138 = vector.broadcast %shift_right_arithmetic3A : i32 to vector<16xi32>
        %shift_right_arithmetic3A_139 = arith.shrsi %bitcast3A, %shift_right_arithmetic3A_138 : vector<16xi32>
        %not3A = arith.constant dense<-1> : vector<16xi32>
        %not3A_140 = arith.xori %shift_right_arithmetic3A_139, %not3A : vector<16xi32>
        %and3A = arith.constant 2147483647 : i32
        %and3A_141 = vector.broadcast %and3A : i32 to vector<16xi32>
        %and3A_142 = arith.andi %not3A_140, %and3A_141 : vector<16xi32>
        %xor3A = arith.xori %bitcast3A, %and3A_142 : vector<16xi32>
        %shift_right_logical3A_143 = arith.constant 24 : i32
        %shift_right_logical3A_144 = vector.broadcast %shift_right_logical3A_143 : i32 to vector<16xi32>
        %shift_right_logical3A_145 = arith.shrui %xor3A, %shift_right_logical3A_144 : vector<16xi32>
        %le3A = vector.broadcast %scan3A_17#1 : i32 to vector<16xi32>
        %le3A_146 = arith.cmpi sle, %shift_right_logical3A_145, %le3A : vector<16xi32>
        %jit3A = arith.constant 0 : i32
        %broadcast_in_dim3A_147 = vector.broadcast %jit3A : i32 to vector<16xi32>
        %select_n3A = arith.select %le3A_146, %broadcast_in_dim3A_1, %broadcast_in_dim3A_147 : vector<16xi1>, vector<16xi32>
        %broadcast_in_dim3A_148 = arith.constant true
        %broadcast_in_dim3A_149 = vector.broadcast %broadcast_in_dim3A_148 : i1 to vector<16xi1>
        %masked_cumsum3A = tpu.scan <sum>, %select_n3A masked %broadcast_in_dim3A_149 : vector<16xi32>, vector<16xi1> -> vector<16xi32>
        %add3A_150 = vector.broadcast %scan3A_130 : i32 to vector<16xi32>
        %add3A_151 = arith.addi %add3A_150, %masked_cumsum3A : vector<16xi32>
        %sub3A = arith.constant 1 : i32
        %sub3A_152 = vector.broadcast %sub3A : i32 to vector<16xi32>
        %sub3A_153 = arith.subi %add3A_151, %sub3A_152 : vector<16xi32>
        tpu.vector_store_idx %arg6[%sub3A_153], %xor3A masked %le3A_146 : memref<8208xi32, #tpu.memory_space<vmem>>[vector<16xi32>], vector<16xi32>, vector<16xi1>
        %mul3A_154 = arith.constant 16 : i32
        %mul3A_155 = arith.muli %add3A_134, %mul3A_154 : i32
        %add3A_156 = vector.broadcast %mul3A_155 : i32 to vector<16xi32>
        %add3A_157 = arith.addi %add3A_156, %iota3A : vector<16xi32>
        tpu.vector_store_idx %arg7[%sub3A_153], %add3A_157 masked %le3A_146 : memref<8208xi32, #tpu.memory_space<vmem>>[vector<16xi32>], vector<16xi32>, vector<16xi1>
        %reduce_sum3A = arith.constant true
        %reduce_sum3A_158 = vector.broadcast %reduce_sum3A : i1 to vector<16xi1>
        %reduce_sum3A_159 = tpu.scan <sum>, %select_n3A masked %reduce_sum3A_158 : vector<16xi32>, vector<16xi1> -> vector<16xi32>
        %reduce_sum3A_160 = vector.extract %reduce_sum3A_159[15] : i32 from vector<16xi32>
        %add3A_161 = arith.addi %scan3A_130, %reduce_sum3A_160 : i32
        %mul3A_162 = arith.constant 8 : i32
        %mul3A_163 = arith.muli %scan3A_129, %mul3A_162 : i32
        %add3A_164 = arith.constant 1 : i32
        %add3A_165 = arith.addi %mul3A_163, %add3A_164 : i32
        %mul3A_166 = arith.constant 16 : i32
        %mul3A_167 = arith.muli %add3A_165, %mul3A_166 : i32
        %get3A_168 = arith.index_cast %mul3A_167 : i32 to index
        %get3A_169 = tpu.vector_load %arg5[%get3A_168] {strides = array<i32>} : memref<8192xf32, #tpu.memory_space<vmem>>, vector<16xf32>,
        %bitcast3A_170 = vector.bitcast %get3A_169 : vector<16xf32> to vector<16xi32>
        %shift_right_arithmetic3A_171 = arith.constant 31 : i32
        %shift_right_arithmetic3A_172 = vector.broadcast %shift_right_arithmetic3A_171 : i32 to vector<16xi32>
        %shift_right_arithmetic3A_173 = arith.shrsi %bitcast3A_170, %shift_right_arithmetic3A_172 : vector<16xi32>
        %not3A_174 = arith.constant dense<-1> : vector<16xi32>
        %not3A_175 = arith.xori %shift_right_arithmetic3A_173, %not3A_174 : vector<16xi32>
        %and3A_176 = arith.constant 2147483647 : i32
        %and3A_177 = vector.broadcast %and3A_176 : i32 to vector<16xi32>
        %and3A_178 = arith.andi %not3A_175, %and3A_177 : vector<16xi32>
        %xor3A_179 = arith.xori %bitcast3A_170, %and3A_178 : vector<16xi32>
        %shift_right_logical3A_180 = arith.constant 24 : i32
        %shift_right_logical3A_181 = vector.broadcast %shift_right_logical3A_180 : i32 to vector<16xi32>
        %shift_right_logical3A_182 = arith.shrui %xor3A_179, %shift_right_logical3A_181 : vector<16xi32>
        %le3A_183 = vector.broadcast %scan3A_17#1 : i32 to vector<16xi32>
        %le3A_184 = arith.cmpi sle, %shift_right_logical3A_182, %le3A_183 : vector<16xi32>
        %jit3A_185 = arith.constant 0 : i32
        %broadcast_in_dim3A_186 = vector.broadcast %jit3A_185 : i32 to vector<16xi32>
        %select_n3A_187 = arith.select %le3A_184, %broadcast_in_dim3A_1, %broadcast_in_dim3A_186 : vector<16xi1>, vector<16xi32>
        %broadcast_in_dim3A_188 = arith.constant true
        %broadcast_in_dim3A_189 = vector.broadcast %broadcast_in_dim3A_188 : i1 to vector<16xi1>
        %masked_cumsum3A_190 = tpu.scan <sum>, %select_n3A_187 masked %broadcast_in_dim3A_189 : vector<16xi32>, vector<16xi1> -> vector<16xi32>
        %add3A_191 = vector.broadcast %add3A_161 : i32 to vector<16xi32>
        %add3A_192 = arith.addi %add3A_191, %masked_cumsum3A_190 : vector<16xi32>
        %sub3A_193 = arith.constant 1 : i32
        %sub3A_194 = vector.broadcast %sub3A_193 : i32 to vector<16xi32>
        %sub3A_195 = arith.subi %add3A_192, %sub3A_194 : vector<16xi32>
        tpu.vector_store_idx %arg6[%sub3A_195], %xor3A_179 masked %le3A_184 : memref<8208xi32, #tpu.memory_space<vmem>>[vector<16xi32>], vector<16xi32>, vector<16xi1>
        %mul3A_196 = arith.constant 16 : i32
        %mul3A_197 = arith.muli %add3A_165, %mul3A_196 : i32
        %add3A_198 = vector.broadcast %mul3A_197 : i32 to vector<16xi32>
        %add3A_199 = arith.addi %add3A_198, %iota3A : vector<16xi32>
        tpu.vector_store_idx %arg7[%sub3A_195], %add3A_199 masked %le3A_184 : memref<8208xi32, #tpu.memory_space<vmem>>[vector<16xi32>], vector<16xi32>, vector<16xi1>
        %reduce_sum3A_200 = arith.constant true
        %reduce_sum3A_201 = vector.broadcast %reduce_sum3A_200 : i1 to vector<16xi1>
        %reduce_sum3A_202 = tpu.scan <sum>, %select_n3A_187 masked %reduce_sum3A_201 : vector<16xi32>, vector<16xi1> -> vector<16xi32>
        %reduce_sum3A_203 = vector.extract %reduce_sum3A_202[15] : i32 from vector<16xi32>
        %add3A_204 = arith.addi %add3A_161, %reduce_sum3A_203 : i32
        %mul3A_205 = arith.constant 8 : i32
        %mul3A_206 = arith.muli %scan3A_129, %mul3A_205 : i32
        %add3A_207 = arith.constant 2 : i32
        %add3A_208 = arith.addi %mul3A_206, %add3A_207 : i32
        %mul3A_209 = arith.constant 16 : i32
        %mul3A_210 = arith.muli %add3A_208, %mul3A_209 : i32
        %get3A_211 = arith.index_cast %mul3A_210 : i32 to index
        %get3A_212 = tpu.vector_load %arg5[%get3A_211] {strides = array<i32>} : memref<8192xf32, #tpu.memory_space<vmem>>, vector<16xf32>,
        %bitcast3A_213 = vector.bitcast %get3A_212 : vector<16xf32> to vector<16xi32>
        %shift_right_arithmetic3A_214 = arith.constant 31 : i32
        %shift_right_arithmetic3A_215 = vector.broadcast %shift_right_arithmetic3A_214 : i32 to vector<16xi32>
        %shift_right_arithmetic3A_216 = arith.shrsi %bitcast3A_213, %shift_right_arithmetic3A_215 : vector<16xi32>
        %not3A_217 = arith.constant dense<-1> : vector<16xi32>
        %not3A_218 = arith.xori %shift_right_arithmetic3A_216, %not3A_217 : vector<16xi32>
        %and3A_219 = arith.constant 2147483647 : i32
        %and3A_220 = vector.broadcast %and3A_219 : i32 to vector<16xi32>
        %and3A_221 = arith.andi %not3A_218, %and3A_220 : vector<16xi32>
        %xor3A_222 = arith.xori %bitcast3A_213, %and3A_221 : vector<16xi32>
        %shift_right_logical3A_223 = arith.constant 24 : i32
        %shift_right_logical3A_224 = vector.broadcast %shift_right_logical3A_223 : i32 to vector<16xi32>
        %shift_right_logical3A_225 = arith.shrui %xor3A_222, %shift_right_logical3A_224 : vector<16xi32>
        %le3A_226 = vector.broadcast %scan3A_17#1 : i32 to vector<16xi32>
        %le3A_227 = arith.cmpi sle, %shift_right_logical3A_225, %le3A_226 : vector<16xi32>
        %jit3A_228 = arith.constant 0 : i32
        %broadcast_in_dim3A_229 = vector.broadcast %jit3A_228 : i32 to vector<16xi32>
        %select_n3A_230 = arith.select %le3A_227, %broadcast_in_dim3A_1, %broadcast_in_dim3A_229 : vector<16xi1>, vector<16xi32>
        %broadcast_in_dim3A_231 = arith.constant true
        %broadcast_in_dim3A_232 = vector.broadcast %broadcast_in_dim3A_231 : i1 to vector<16xi1>
        %masked_cumsum3A_233 = tpu.scan <sum>, %select_n3A_230 masked %broadcast_in_dim3A_232 : vector<16xi32>, vector<16xi1> -> vector<16xi32>
        %add3A_234 = vector.broadcast %add3A_204 : i32 to vector<16xi32>
        %add3A_235 = arith.addi %add3A_234, %masked_cumsum3A_233 : vector<16xi32>
        %sub3A_236 = arith.constant 1 : i32
        %sub3A_237 = vector.broadcast %sub3A_236 : i32 to vector<16xi32>
        %sub3A_238 = arith.subi %add3A_235, %sub3A_237 : vector<16xi32>
        tpu.vector_store_idx %arg6[%sub3A_238], %xor3A_222 masked %le3A_227 : memref<8208xi32, #tpu.memory_space<vmem>>[vector<16xi32>], vector<16xi32>, vector<16xi1>
        %mul3A_239 = arith.constant 16 : i32
        %mul3A_240 = arith.muli %add3A_208, %mul3A_239 : i32
        %add3A_241 = vector.broadcast %mul3A_240 : i32 to vector<16xi32>
        %add3A_242 = arith.addi %add3A_241, %iota3A : vector<16xi32>
        tpu.vector_store_idx %arg7[%sub3A_238], %add3A_242 masked %le3A_227 : memref<8208xi32, #tpu.memory_space<vmem>>[vector<16xi32>], vector<16xi32>, vector<16xi1>
        %reduce_sum3A_243 = arith.constant true
        %reduce_sum3A_244 = vector.broadcast %reduce_sum3A_243 : i1 to vector<16xi1>
        %reduce_sum3A_245 = tpu.scan <sum>, %select_n3A_230 masked %reduce_sum3A_244 : vector<16xi32>, vector<16xi1> -> vector<16xi32>
        %reduce_sum3A_246 = vector.extract %reduce_sum3A_245[15] : i32 from vector<16xi32>
        %add3A_247 = arith.addi %add3A_204, %reduce_sum3A_246 : i32
        %mul3A_248 = arith.constant 8 : i32
        %mul3A_249 = arith.muli %scan3A_129, %mul3A_248 : i32
        %add3A_250 = arith.constant 3 : i32
        %add3A_251 = arith.addi %mul3A_249, %add3A_250 : i32
        %mul3A_252 = arith.constant 16 : i32
        %mul3A_253 = arith.muli %add3A_251, %mul3A_252 : i32
        %get3A_254 = arith.index_cast %mul3A_253 : i32 to index
        %get3A_255 = tpu.vector_load %arg5[%get3A_254] {strides = array<i32>} : memref<8192xf32, #tpu.memory_space<vmem>>, vector<16xf32>,
        %bitcast3A_256 = vector.bitcast %get3A_255 : vector<16xf32> to vector<16xi32>
        %shift_right_arithmetic3A_257 = arith.constant 31 : i32
        %shift_right_arithmetic3A_258 = vector.broadcast %shift_right_arithmetic3A_257 : i32 to vector<16xi32>
        %shift_right_arithmetic3A_259 = arith.shrsi %bitcast3A_256, %shift_right_arithmetic3A_258 : vector<16xi32>
        %not3A_260 = arith.constant dense<-1> : vector<16xi32>
        %not3A_261 = arith.xori %shift_right_arithmetic3A_259, %not3A_260 : vector<16xi32>
        %and3A_262 = arith.constant 2147483647 : i32
        %and3A_263 = vector.broadcast %and3A_262 : i32 to vector<16xi32>
        %and3A_264 = arith.andi %not3A_261, %and3A_263 : vector<16xi32>
        %xor3A_265 = arith.xori %bitcast3A_256, %and3A_264 : vector<16xi32>
        %shift_right_logical3A_266 = arith.constant 24 : i32
        %shift_right_logical3A_267 = vector.broadcast %shift_right_logical3A_266 : i32 to vector<16xi32>
        %shift_right_logical3A_268 = arith.shrui %xor3A_265, %shift_right_logical3A_267 : vector<16xi32>
        %le3A_269 = vector.broadcast %scan3A_17#1 : i32 to vector<16xi32>
        %le3A_270 = arith.cmpi sle, %shift_right_logical3A_268, %le3A_269 : vector<16xi32>
        %jit3A_271 = arith.constant 0 : i32
        %broadcast_in_dim3A_272 = vector.broadcast %jit3A_271 : i32 to vector<16xi32>
        %select_n3A_273 = arith.select %le3A_270, %broadcast_in_dim3A_1, %broadcast_in_dim3A_272 : vector<16xi1>, vector<16xi32>
        %broadcast_in_dim3A_274 = arith.constant true
        %broadcast_in_dim3A_275 = vector.broadcast %broadcast_in_dim3A_274 : i1 to vector<16xi1>
        %masked_cumsum3A_276 = tpu.scan <sum>, %select_n3A_273 masked %broadcast_in_dim3A_275 : vector<16xi32>, vector<16xi1> -> vector<16xi32>
        %add3A_277 = vector.broadcast %add3A_247 : i32 to vector<16xi32>
        %add3A_278 = arith.addi %add3A_277, %masked_cumsum3A_276 : vector<16xi32>
        %sub3A_279 = arith.constant 1 : i32
        %sub3A_280 = vector.broadcast %sub3A_279 : i32 to vector<16xi32>
        %sub3A_281 = arith.subi %add3A_278, %sub3A_280 : vector<16xi32>
        tpu.vector_store_idx %arg6[%sub3A_281], %xor3A_265 masked %le3A_270 : memref<8208xi32, #tpu.memory_space<vmem>>[vector<16xi32>], vector<16xi32>, vector<16xi1>
        %mul3A_282 = arith.constant 16 : i32
        %mul3A_283 = arith.muli %add3A_251, %mul3A_282 : i32
        %add3A_284 = vector.broadcast %mul3A_283 : i32 to vector<16xi32>
        %add3A_285 = arith.addi %add3A_284, %iota3A : vector<16xi32>
        tpu.vector_store_idx %arg7[%sub3A_281], %add3A_285 masked %le3A_270 : memref<8208xi32, #tpu.memory_space<vmem>>[vector<16xi32>], vector<16xi32>, vector<16xi1>
        %reduce_sum3A_286 = arith.constant true
        %reduce_sum3A_287 = vector.broadcast %reduce_sum3A_286 : i1 to vector<16xi1>
        %reduce_sum3A_288 = tpu.scan <sum>, %select_n3A_273 masked %reduce_sum3A_287 : vector<16xi32>, vector<16xi1> -> vector<16xi32>
        %reduce_sum3A_289 = vector.extract %reduce_sum3A_288[15] : i32 from vector<16xi32>
        %add3A_290 = arith.addi %add3A_247, %reduce_sum3A_289 : i32
        %mul3A_291 = arith.constant 8 : i32
        %mul3A_292 = arith.muli %scan3A_129, %mul3A_291 : i32
        %add3A_293 = arith.constant 4 : i32
        %add3A_294 = arith.addi %mul3A_292, %add3A_293 : i32
        %mul3A_295 = arith.constant 16 : i32
        %mul3A_296 = arith.muli %add3A_294, %mul3A_295 : i32
        %get3A_297 = arith.index_cast %mul3A_296 : i32 to index
        %get3A_298 = tpu.vector_load %arg5[%get3A_297] {strides = array<i32>} : memref<8192xf32, #tpu.memory_space<vmem>>, vector<16xf32>,
        %bitcast3A_299 = vector.bitcast %get3A_298 : vector<16xf32> to vector<16xi32>
        %shift_right_arithmetic3A_300 = arith.constant 31 : i32
        %shift_right_arithmetic3A_301 = vector.broadcast %shift_right_arithmetic3A_300 : i32 to vector<16xi32>
        %shift_right_arithmetic3A_302 = arith.shrsi %bitcast3A_299, %shift_right_arithmetic3A_301 : vector<16xi32>
        %not3A_303 = arith.constant dense<-1> : vector<16xi32>
        %not3A_304 = arith.xori %shift_right_arithmetic3A_302, %not3A_303 : vector<16xi32>
        %and3A_305 = arith.constant 2147483647 : i32
        %and3A_306 = vector.broadcast %and3A_305 : i32 to vector<16xi32>
        %and3A_307 = arith.andi %not3A_304, %and3A_306 : vector<16xi32>
        %xor3A_308 = arith.xori %bitcast3A_299, %and3A_307 : vector<16xi32>
        %shift_right_logical3A_309 = arith.constant 24 : i32
        %shift_right_logical3A_310 = vector.broadcast %shift_right_logical3A_309 : i32 to vector<16xi32>
        %shift_right_logical3A_311 = arith.shrui %xor3A_308, %shift_right_logical3A_310 : vector<16xi32>
        %le3A_312 = vector.broadcast %scan3A_17#1 : i32 to vector<16xi32>
        %le3A_313 = arith.cmpi sle, %shift_right_logical3A_311, %le3A_312 : vector<16xi32>
        %jit3A_314 = arith.constant 0 : i32
        %broadcast_in_dim3A_315 = vector.broadcast %jit3A_314 : i32 to vector<16xi32>
        %select_n3A_316 = arith.select %le3A_313, %broadcast_in_dim3A_1, %broadcast_in_dim3A_315 : vector<16xi1>, vector<16xi32>
        %broadcast_in_dim3A_317 = arith.constant true
        %broadcast_in_dim3A_318 = vector.broadcast %broadcast_in_dim3A_317 : i1 to vector<16xi1>
        %masked_cumsum3A_319 = tpu.scan <sum>, %select_n3A_316 masked %broadcast_in_dim3A_318 : vector<16xi32>, vector<16xi1> -> vector<16xi32>
        %add3A_320 = vector.broadcast %add3A_290 : i32 to vector<16xi32>
        %add3A_321 = arith.addi %add3A_320, %masked_cumsum3A_319 : vector<16xi32>
        %sub3A_322 = arith.constant 1 : i32
        %sub3A_323 = vector.broadcast %sub3A_322 : i32 to vector<16xi32>
        %sub3A_324 = arith.subi %add3A_321, %sub3A_323 : vector<16xi32>
        tpu.vector_store_idx %arg6[%sub3A_324], %xor3A_308 masked %le3A_313 : memref<8208xi32, #tpu.memory_space<vmem>>[vector<16xi32>], vector<16xi32>, vector<16xi1>
        %mul3A_325 = arith.constant 16 : i32
        %mul3A_326 = arith.muli %add3A_294, %mul3A_325 : i32
        %add3A_327 = vector.broadcast %mul3A_326 : i32 to vector<16xi32>
        %add3A_328 = arith.addi %add3A_327, %iota3A : vector<16xi32>
        tpu.vector_store_idx %arg7[%sub3A_324], %add3A_328 masked %le3A_313 : memref<8208xi32, #tpu.memory_space<vmem>>[vector<16xi32>], vector<16xi32>, vector<16xi1>
        %reduce_sum3A_329 = arith.constant true
        %reduce_sum3A_330 = vector.broadcast %reduce_sum3A_329 : i1 to vector<16xi1>
        %reduce_sum3A_331 = tpu.scan <sum>, %select_n3A_316 masked %reduce_sum3A_330 : vector<16xi32>, vector<16xi1> -> vector<16xi32>
        %reduce_sum3A_332 = vector.extract %reduce_sum3A_331[15] : i32 from vector<16xi32>
        %add3A_333 = arith.addi %add3A_290, %reduce_sum3A_332 : i32
        %mul3A_334 = arith.constant 8 : i32
        %mul3A_335 = arith.muli %scan3A_129, %mul3A_334 : i32
        %add3A_336 = arith.constant 5 : i32
        %add3A_337 = arith.addi %mul3A_335, %add3A_336 : i32
        %mul3A_338 = arith.constant 16 : i32
        %mul3A_339 = arith.muli %add3A_337, %mul3A_338 : i32
        %get3A_340 = arith.index_cast %mul3A_339 : i32 to index
        %get3A_341 = tpu.vector_load %arg5[%get3A_340] {strides = array<i32>} : memref<8192xf32, #tpu.memory_space<vmem>>, vector<16xf32>,
        %bitcast3A_342 = vector.bitcast %get3A_341 : vector<16xf32> to vector<16xi32>
        %shift_right_arithmetic3A_343 = arith.constant 31 : i32
        %shift_right_arithmetic3A_344 = vector.broadcast %shift_right_arithmetic3A_343 : i32 to vector<16xi32>
        %shift_right_arithmetic3A_345 = arith.shrsi %bitcast3A_342, %shift_right_arithmetic3A_344 : vector<16xi32>
        %not3A_346 = arith.constant dense<-1> : vector<16xi32>
        %not3A_347 = arith.xori %shift_right_arithmetic3A_345, %not3A_346 : vector<16xi32>
        %and3A_348 = arith.constant 2147483647 : i32
        %and3A_349 = vector.broadcast %and3A_348 : i32 to vector<16xi32>
        %and3A_350 = arith.andi %not3A_347, %and3A_349 : vector<16xi32>
        %xor3A_351 = arith.xori %bitcast3A_342, %and3A_350 : vector<16xi32>
        %shift_right_logical3A_352 = arith.constant 24 : i32
        %shift_right_logical3A_353 = vector.broadcast %shift_right_logical3A_352 : i32 to vector<16xi32>
        %shift_right_logical3A_354 = arith.shrui %xor3A_351, %shift_right_logical3A_353 : vector<16xi32>
        %le3A_355 = vector.broadcast %scan3A_17#1 : i32 to vector<16xi32>
        %le3A_356 = arith.cmpi sle, %shift_right_logical3A_354, %le3A_355 : vector<16xi32>
        %jit3A_357 = arith.constant 0 : i32
        %broadcast_in_dim3A_358 = vector.broadcast %jit3A_357 : i32 to vector<16xi32>
        %select_n3A_359 = arith.select %le3A_356, %broadcast_in_dim3A_1, %broadcast_in_dim3A_358 : vector<16xi1>, vector<16xi32>
        %broadcast_in_dim3A_360 = arith.constant true
        %broadcast_in_dim3A_361 = vector.broadcast %broadcast_in_dim3A_360 : i1 to vector<16xi1>
        %masked_cumsum3A_362 = tpu.scan <sum>, %select_n3A_359 masked %broadcast_in_dim3A_361 : vector<16xi32>, vector<16xi1> -> vector<16xi32>
        %add3A_363 = vector.broadcast %add3A_333 : i32 to vector<16xi32>
        %add3A_364 = arith.addi %add3A_363, %masked_cumsum3A_362 : vector<16xi32>
        %sub3A_365 = arith.constant 1 : i32
        %sub3A_366 = vector.broadcast %sub3A_365 : i32 to vector<16xi32>
        %sub3A_367 = arith.subi %add3A_364, %sub3A_366 : vector<16xi32>
        tpu.vector_store_idx %arg6[%sub3A_367], %xor3A_351 masked %le3A_356 : memref<8208xi32, #tpu.memory_space<vmem>>[vector<16xi32>], vector<16xi32>, vector<16xi1>
        %mul3A_368 = arith.constant 16 : i32
        %mul3A_369 = arith.muli %add3A_337, %mul3A_368 : i32
        %add3A_370 = vector.broadcast %mul3A_369 : i32 to vector<16xi32>
        %add3A_371 = arith.addi %add3A_370, %iota3A : vector<16xi32>
        tpu.vector_store_idx %arg7[%sub3A_367], %add3A_371 masked %le3A_356 : memref<8208xi32, #tpu.memory_space<vmem>>[vector<16xi32>], vector<16xi32>, vector<16xi1>
        %reduce_sum3A_372 = arith.constant true
        %reduce_sum3A_373 = vector.broadcast %reduce_sum3A_372 : i1 to vector<16xi1>
        %reduce_sum3A_374 = tpu.scan <sum>, %select_n3A_359 masked %reduce_sum3A_373 : vector<16xi32>, vector<16xi1> -> vector<16xi32>
        %reduce_sum3A_375 = vector.extract %reduce_sum3A_374[15] : i32 from vector<16xi32>
        %add3A_376 = arith.addi %add3A_333, %reduce_sum3A_375 : i32
        %mul3A_377 = arith.constant 8 : i32
        %mul3A_378 = arith.muli %scan3A_129, %mul3A_377 : i32
        %add3A_379 = arith.constant 6 : i32
        %add3A_380 = arith.addi %mul3A_378, %add3A_379 : i32
        %mul3A_381 = arith.constant 16 : i32
        %mul3A_382 = arith.muli %add3A_380, %mul3A_381 : i32
        %get3A_383 = arith.index_cast %mul3A_382 : i32 to index
        %get3A_384 = tpu.vector_load %arg5[%get3A_383] {strides = array<i32>} : memref<8192xf32, #tpu.memory_space<vmem>>, vector<16xf32>,
        %bitcast3A_385 = vector.bitcast %get3A_384 : vector<16xf32> to vector<16xi32>
        %shift_right_arithmetic3A_386 = arith.constant 31 : i32
        %shift_right_arithmetic3A_387 = vector.broadcast %shift_right_arithmetic3A_386 : i32 to vector<16xi32>
        %shift_right_arithmetic3A_388 = arith.shrsi %bitcast3A_385, %shift_right_arithmetic3A_387 : vector<16xi32>
        %not3A_389 = arith.constant dense<-1> : vector<16xi32>
        %not3A_390 = arith.xori %shift_right_arithmetic3A_388, %not3A_389 : vector<16xi32>
        %and3A_391 = arith.constant 2147483647 : i32
        %and3A_392 = vector.broadcast %and3A_391 : i32 to vector<16xi32>
        %and3A_393 = arith.andi %not3A_390, %and3A_392 : vector<16xi32>
        %xor3A_394 = arith.xori %bitcast3A_385, %and3A_393 : vector<16xi32>
        %shift_right_logical3A_395 = arith.constant 24 : i32
        %shift_right_logical3A_396 = vector.broadcast %shift_right_logical3A_395 : i32 to vector<16xi32>
        %shift_right_logical3A_397 = arith.shrui %xor3A_394, %shift_right_logical3A_396 : vector<16xi32>
        %le3A_398 = vector.broadcast %scan3A_17#1 : i32 to vector<16xi32>
        %le3A_399 = arith.cmpi sle, %shift_right_logical3A_397, %le3A_398 : vector<16xi32>
        %jit3A_400 = arith.constant 0 : i32
        %broadcast_in_dim3A_401 = vector.broadcast %jit3A_400 : i32 to vector<16xi32>
        %select_n3A_402 = arith.select %le3A_399, %broadcast_in_dim3A_1, %broadcast_in_dim3A_401 : vector<16xi1>, vector<16xi32>
        %broadcast_in_dim3A_403 = arith.constant true
        %broadcast_in_dim3A_404 = vector.broadcast %broadcast_in_dim3A_403 : i1 to vector<16xi1>
        %masked_cumsum3A_405 = tpu.scan <sum>, %select_n3A_402 masked %broadcast_in_dim3A_404 : vector<16xi32>, vector<16xi1> -> vector<16xi32>
        %add3A_406 = vector.broadcast %add3A_376 : i32 to vector<16xi32>
        %add3A_407 = arith.addi %add3A_406, %masked_cumsum3A_405 : vector<16xi32>
        %sub3A_408 = arith.constant 1 : i32
        %sub3A_409 = vector.broadcast %sub3A_408 : i32 to vector<16xi32>
        %sub3A_410 = arith.subi %add3A_407, %sub3A_409 : vector<16xi32>
        tpu.vector_store_idx %arg6[%sub3A_410], %xor3A_394 masked %le3A_399 : memref<8208xi32, #tpu.memory_space<vmem>>[vector<16xi32>], vector<16xi32>, vector<16xi1>
        %mul3A_411 = arith.constant 16 : i32
        %mul3A_412 = arith.muli %add3A_380, %mul3A_411 : i32
        %add3A_413 = vector.broadcast %mul3A_412 : i32 to vector<16xi32>
        %add3A_414 = arith.addi %add3A_413, %iota3A : vector<16xi32>
        tpu.vector_store_idx %arg7[%sub3A_410], %add3A_414 masked %le3A_399 : memref<8208xi32, #tpu.memory_space<vmem>>[vector<16xi32>], vector<16xi32>, vector<16xi1>
        %reduce_sum3A_415 = arith.constant true
        %reduce_sum3A_416 = vector.broadcast %reduce_sum3A_415 : i1 to vector<16xi1>
        %reduce_sum3A_417 = tpu.scan <sum>, %select_n3A_402 masked %reduce_sum3A_416 : vector<16xi32>, vector<16xi1> -> vector<16xi32>
        %reduce_sum3A_418 = vector.extract %reduce_sum3A_417[15] : i32 from vector<16xi32>
        %add3A_419 = arith.addi %add3A_376, %reduce_sum3A_418 : i32
        %mul3A_420 = arith.constant 8 : i32
        %mul3A_421 = arith.muli %scan3A_129, %mul3A_420 : i32
        %add3A_422 = arith.constant 7 : i32
        %add3A_423 = arith.addi %mul3A_421, %add3A_422 : i32
        %mul3A_424 = arith.constant 16 : i32
        %mul3A_425 = arith.muli %add3A_423, %mul3A_424 : i32
        %get3A_426 = arith.index_cast %mul3A_425 : i32 to index
        %get3A_427 = tpu.vector_load %arg5[%get3A_426] {strides = array<i32>} : memref<8192xf32, #tpu.memory_space<vmem>>, vector<16xf32>,
        %bitcast3A_428 = vector.bitcast %get3A_427 : vector<16xf32> to vector<16xi32>
        %shift_right_arithmetic3A_429 = arith.constant 31 : i32
        %shift_right_arithmetic3A_430 = vector.broadcast %shift_right_arithmetic3A_429 : i32 to vector<16xi32>
        %shift_right_arithmetic3A_431 = arith.shrsi %bitcast3A_428, %shift_right_arithmetic3A_430 : vector<16xi32>
        %not3A_432 = arith.constant dense<-1> : vector<16xi32>
        %not3A_433 = arith.xori %shift_right_arithmetic3A_431, %not3A_432 : vector<16xi32>
        %and3A_434 = arith.constant 2147483647 : i32
        %and3A_435 = vector.broadcast %and3A_434 : i32 to vector<16xi32>
        %and3A_436 = arith.andi %not3A_433, %and3A_435 : vector<16xi32>
        %xor3A_437 = arith.xori %bitcast3A_428, %and3A_436 : vector<16xi32>
        %shift_right_logical3A_438 = arith.constant 24 : i32
        %shift_right_logical3A_439 = vector.broadcast %shift_right_logical3A_438 : i32 to vector<16xi32>
        %shift_right_logical3A_440 = arith.shrui %xor3A_437, %shift_right_logical3A_439 : vector<16xi32>
        %le3A_441 = vector.broadcast %scan3A_17#1 : i32 to vector<16xi32>
        %le3A_442 = arith.cmpi sle, %shift_right_logical3A_440, %le3A_441 : vector<16xi32>
        %jit3A_443 = arith.constant 0 : i32
        %broadcast_in_dim3A_444 = vector.broadcast %jit3A_443 : i32 to vector<16xi32>
        %select_n3A_445 = arith.select %le3A_442, %broadcast_in_dim3A_1, %broadcast_in_dim3A_444 : vector<16xi1>, vector<16xi32>
        %broadcast_in_dim3A_446 = arith.constant true
        %broadcast_in_dim3A_447 = vector.broadcast %broadcast_in_dim3A_446 : i1 to vector<16xi1>
        %masked_cumsum3A_448 = tpu.scan <sum>, %select_n3A_445 masked %broadcast_in_dim3A_447 : vector<16xi32>, vector<16xi1> -> vector<16xi32>
        %add3A_449 = vector.broadcast %add3A_419 : i32 to vector<16xi32>
        %add3A_450 = arith.addi %add3A_449, %masked_cumsum3A_448 : vector<16xi32>
        %sub3A_451 = arith.constant 1 : i32
        %sub3A_452 = vector.broadcast %sub3A_451 : i32 to vector<16xi32>
        %sub3A_453 = arith.subi %add3A_450, %sub3A_452 : vector<16xi32>
        tpu.vector_store_idx %arg6[%sub3A_453], %xor3A_437 masked %le3A_442 : memref<8208xi32, #tpu.memory_space<vmem>>[vector<16xi32>], vector<16xi32>, vector<16xi1>
        %mul3A_454 = arith.constant 16 : i32
        %mul3A_455 = arith.muli %add3A_423, %mul3A_454 : i32
        %add3A_456 = vector.broadcast %mul3A_455 : i32 to vector<16xi32>
        %add3A_457 = arith.addi %add3A_456, %iota3A : vector<16xi32>
        tpu.vector_store_idx %arg7[%sub3A_453], %add3A_457 masked %le3A_442 : memref<8208xi32, #tpu.memory_space<vmem>>[vector<16xi32>], vector<16xi32>, vector<16xi1>
        %reduce_sum3A_458 = arith.constant true
        %reduce_sum3A_459 = vector.broadcast %reduce_sum3A_458 : i1 to vector<16xi1>
        %reduce_sum3A_460 = tpu.scan <sum>, %select_n3A_445 masked %reduce_sum3A_459 : vector<16xi32>, vector<16xi1> -> vector<16xi32>
        %reduce_sum3A_461 = vector.extract %reduce_sum3A_460[15] : i32 from vector<16xi32>
        %add3A_462 = arith.addi %add3A_419, %reduce_sum3A_461 : i32
        scf.yield %add3A_462 : i32
      }
      %scan3A_25 = arith.constant 64 : i32
      %broadcast_in_dim3A_26 = arith.constant -1 : i32
      %broadcast_in_dim3A_27 = vector.broadcast %broadcast_in_dim3A_26 : i32 to vector<16xi32>
      %swap3A = arith.index_cast %scan3A_24 : i32 to index
      %swap3A_28 = tpu.vector_load %arg6[%swap3A] {strides = array<i32>} : memref<8208xi32, #tpu.memory_space<vmem>>, vector<16xi32>,
      tpu.vector_store %arg6[%swap3A], %broadcast_in_dim3A_27 {strides = array<i32>} : memref<8208xi32, #tpu.memory_space<vmem>>, vector<16xi32>,
      %broadcast_in_dim3A_29 = arith.constant 0 : i32
      %broadcast_in_dim3A_30 = vector.broadcast %broadcast_in_dim3A_29 : i32 to vector<16xi32>
      %swap3A_31 = arith.index_cast %scan3A_24 : i32 to index
      %swap3A_32 = tpu.vector_load %arg7[%swap3A_31] {strides = array<i32>} : memref<8208xi32, #tpu.memory_space<vmem>>, vector<16xi32>,
      tpu.vector_store %arg7[%swap3A_31], %broadcast_in_dim3A_30 {strides = array<i32>} : memref<8208xi32, #tpu.memory_space<vmem>>, vector<16xi32>,
      %add3A_33 = arith.constant 15 : i32
      %add3A_34 = arith.addi %scan3A_24, %add3A_33 : i32
      %shift_right_logical3A = arith.constant 4 : i32
      %shift_right_logical3A_35 = arith.shrui %add3A_34, %shift_right_logical3A : i32
      %parallel_loop3A_36 = arith.constant 0 : i32
      %parallel_loop3A_37 = arith.constant 256 : i32
      %parallel_loop3A_38 = arith.constant 1 : i32
      scf.for %parallel_loop3A_129 = %parallel_loop3A_36 to %parallel_loop3A_37 step %parallel_loop3A_38  : i32 {
        %parallel_loop3A_130 = arith.constant 0 : i32
        %parallel_loop3A_131 = vector.broadcast %parallel_loop3A_130 : i32 to vector<16xi32>
        %parallel_loop3A_132 = arith.constant 16 : i32
        %parallel_loop3A_133 = arith.muli %parallel_loop3A_129, %parallel_loop3A_132 : i32
        %parallel_loop3A_134 = arith.index_cast %parallel_loop3A_133 : i32 to index
        %parallel_loop3A_135 = tpu.vector_load %arg10[%parallel_loop3A_134] {strides = array<i32>} : memref<4096xi32, #tpu.memory_space<vmem>>, vector<16xi32>,
        tpu.vector_store %arg10[%parallel_loop3A_134], %parallel_loop3A_131 {strides = array<i32>} : memref<4096xi32, #tpu.memory_space<vmem>>, vector<16xi32>,
      } {sc.loop_unroll_factor = 8 : i64, sc.parallel_access}
      %parallel_loop3A_39 = arith.constant 0 : i32
      %parallel_loop3A_40 = arith.constant 1 : i32
      scf.for %parallel_loop3A_129 = %parallel_loop3A_39 to %shift_right_logical3A_35 step %parallel_loop3A_40  : i32 {
        %parallel_loop3A_130 = vector.broadcast %shift_right_logical3A_35 : i32 to vector<16xi32>
        %parallel_loop3A_131 = arith.muli %iota3A, %parallel_loop3A_130 : vector<16xi32>
        %parallel_loop3A_132 = vector.broadcast %parallel_loop3A_129 : i32 to vector<16xi32>
        %parallel_loop3A_133 = arith.addi %parallel_loop3A_131, %parallel_loop3A_132 : vector<16xi32>
        %parallel_loop3A_134 = tpu.vector_load_idx %arg6[%parallel_loop3A_133] : memref<8208xi32, #tpu.memory_space<vmem>>[vector<16xi32>], vector<16xi32>,
        %parallel_loop3A_135 = arith.constant 0 : i32
        %parallel_loop3A_136 = vector.broadcast %parallel_loop3A_135 : i32 to vector<16xi32>
        %parallel_loop3A_137 = arith.shrui %parallel_loop3A_134, %parallel_loop3A_136 : vector<16xi32>
        %parallel_loop3A_138 = arith.constant 255 : i32
        %parallel_loop3A_139 = vector.broadcast %parallel_loop3A_138 : i32 to vector<16xi32>
        %parallel_loop3A_140 = arith.andi %parallel_loop3A_137, %parallel_loop3A_139 : vector<16xi32>
        %parallel_loop3A_141 = arith.constant 16 : i32
        %parallel_loop3A_142 = vector.broadcast %parallel_loop3A_141 : i32 to vector<16xi32>
        %parallel_loop3A_143 = arith.muli %parallel_loop3A_140, %parallel_loop3A_142 : vector<16xi32>
        %parallel_loop3A_144 = arith.addi %parallel_loop3A_143, %iota3A : vector<16xi32>
        tpu.vector_store_idx %arg10[%parallel_loop3A_144], %broadcast_in_dim3A_1 {add = true} : memref<4096xi32, #tpu.memory_space<vmem>>[vector<16xi32>], vector<16xi32>,
      } {sc.loop_unroll_factor = 1 : i64, sc.parallel_access}
      %scan3A_41 = arith.constant 0 : i32
      %scan3A_42 = arith.constant 0 : i32
      %scan3A_43 = arith.constant 32 : i32
      %scan3A_44 = arith.addi %scan3A_42, %scan3A_43 : i32
      %scan3A_45 = arith.constant 1 : i32
      %scan3A_46 = scf.for %scan3A_129 = %scan3A_42 to %scan3A_44 step %scan3A_45 iter_args(%scan3A_130 = %scan3A_41) -> (i32)  : i32 {
        %mul3A_131 = arith.constant 8 : i32
        %mul3A_132 = arith.muli %scan3A_129, %mul3A_131 : i32
        %add3A_133 = arith.constant 0 : i32
        %add3A_134 = arith.addi %mul3A_132, %add3A_133 : i32
        %mul3A_135 = arith.constant 16 : i32
        %mul3A_136 = arith.muli %add3A_134, %mul3A_135 : i32
        %get3A = arith.index_cast %mul3A_136 : i32 to index
        %get3A_137 = tpu.vector_load %arg10[%get3A] {strides = array<i32>} : memref<4096xi32, #tpu.memory_space<vmem>>, vector<16xi32>,
        %broadcast_in_dim3A_138 = arith.constant true
        %broadcast_in_dim3A_139 = vector.broadcast %broadcast_in_dim3A_138 : i1 to vector<16xi1>
        %masked_cumsum3A = tpu.scan <sum>, %get3A_137 masked %broadcast_in_dim3A_139 : vector<16xi32>, vector<16xi1> -> vector<16xi32>
        %sub3A = arith.subi %masked_cumsum3A, %get3A_137 : vector<16xi32>
        %add3A_140 = vector.broadcast %scan3A_130 : i32 to vector<16xi32>
        %add3A_141 = arith.addi %sub3A, %add3A_140 : vector<16xi32>
        %swap3A_142 = arith.index_cast %mul3A_136 : i32 to index
        %swap3A_143 = tpu.vector_load %arg10[%swap3A_142] {strides = array<i32>} : memref<4096xi32, #tpu.memory_space<vmem>>, vector<16xi32>,
        tpu.vector_store %arg10[%swap3A_142], %add3A_141 {strides = array<i32>} : memref<4096xi32, #tpu.memory_space<vmem>>, vector<16xi32>,
        %reduce_sum3A = arith.constant true
        %reduce_sum3A_144 = vector.broadcast %reduce_sum3A : i1 to vector<16xi1>
        %reduce_sum3A_145 = tpu.scan <sum>, %get3A_137 masked %reduce_sum3A_144 : vector<16xi32>, vector<16xi1> -> vector<16xi32>
        %reduce_sum3A_146 = vector.extract %reduce_sum3A_145[15] : i32 from vector<16xi32>
        %add3A_147 = arith.addi %scan3A_130, %reduce_sum3A_146 : i32
        %mul3A_148 = arith.constant 8 : i32
        %mul3A_149 = arith.muli %scan3A_129, %mul3A_148 : i32
        %add3A_150 = arith.constant 1 : i32
        %add3A_151 = arith.addi %mul3A_149, %add3A_150 : i32
        %mul3A_152 = arith.constant 16 : i32
        %mul3A_153 = arith.muli %add3A_151, %mul3A_152 : i32
        %get3A_154 = arith.index_cast %mul3A_153 : i32 to index
        %get3A_155 = tpu.vector_load %arg10[%get3A_154] {strides = array<i32>} : memref<4096xi32, #tpu.memory_space<vmem>>, vector<16xi32>,
        %broadcast_in_dim3A_156 = arith.constant true
        %broadcast_in_dim3A_157 = vector.broadcast %broadcast_in_dim3A_156 : i1 to vector<16xi1>
        %masked_cumsum3A_158 = tpu.scan <sum>, %get3A_155 masked %broadcast_in_dim3A_157 : vector<16xi32>, vector<16xi1> -> vector<16xi32>
        %sub3A_159 = arith.subi %masked_cumsum3A_158, %get3A_155 : vector<16xi32>
        %add3A_160 = vector.broadcast %add3A_147 : i32 to vector<16xi32>
        %add3A_161 = arith.addi %sub3A_159, %add3A_160 : vector<16xi32>
        %swap3A_162 = arith.index_cast %mul3A_153 : i32 to index
        %swap3A_163 = tpu.vector_load %arg10[%swap3A_162] {strides = array<i32>} : memref<4096xi32, #tpu.memory_space<vmem>>, vector<16xi32>,
        tpu.vector_store %arg10[%swap3A_162], %add3A_161 {strides = array<i32>} : memref<4096xi32, #tpu.memory_space<vmem>>, vector<16xi32>,
        %reduce_sum3A_164 = arith.constant true
        %reduce_sum3A_165 = vector.broadcast %reduce_sum3A_164 : i1 to vector<16xi1>
        %reduce_sum3A_166 = tpu.scan <sum>, %get3A_155 masked %reduce_sum3A_165 : vector<16xi32>, vector<16xi1> -> vector<16xi32>
        %reduce_sum3A_167 = vector.extract %reduce_sum3A_166[15] : i32 from vector<16xi32>
        %add3A_168 = arith.addi %add3A_147, %reduce_sum3A_167 : i32
        %mul3A_169 = arith.constant 8 : i32
        %mul3A_170 = arith.muli %scan3A_129, %mul3A_169 : i32
        %add3A_171 = arith.constant 2 : i32
        %add3A_172 = arith.addi %mul3A_170, %add3A_171 : i32
        %mul3A_173 = arith.constant 16 : i32
        %mul3A_174 = arith.muli %add3A_172, %mul3A_173 : i32
        %get3A_175 = arith.index_cast %mul3A_174 : i32 to index
        %get3A_176 = tpu.vector_load %arg10[%get3A_175] {strides = array<i32>} : memref<4096xi32, #tpu.memory_space<vmem>>, vector<16xi32>,
        %broadcast_in_dim3A_177 = arith.constant true
        %broadcast_in_dim3A_178 = vector.broadcast %broadcast_in_dim3A_177 : i1 to vector<16xi1>
        %masked_cumsum3A_179 = tpu.scan <sum>, %get3A_176 masked %broadcast_in_dim3A_178 : vector<16xi32>, vector<16xi1> -> vector<16xi32>
        %sub3A_180 = arith.subi %masked_cumsum3A_179, %get3A_176 : vector<16xi32>
        %add3A_181 = vector.broadcast %add3A_168 : i32 to vector<16xi32>
        %add3A_182 = arith.addi %sub3A_180, %add3A_181 : vector<16xi32>
        %swap3A_183 = arith.index_cast %mul3A_174 : i32 to index
        %swap3A_184 = tpu.vector_load %arg10[%swap3A_183] {strides = array<i32>} : memref<4096xi32, #tpu.memory_space<vmem>>, vector<16xi32>,
        tpu.vector_store %arg10[%swap3A_183], %add3A_182 {strides = array<i32>} : memref<4096xi32, #tpu.memory_space<vmem>>, vector<16xi32>,
        %reduce_sum3A_185 = arith.constant true
        %reduce_sum3A_186 = vector.broadcast %reduce_sum3A_185 : i1 to vector<16xi1>
        %reduce_sum3A_187 = tpu.scan <sum>, %get3A_176 masked %reduce_sum3A_186 : vector<16xi32>, vector<16xi1> -> vector<16xi32>
        %reduce_sum3A_188 = vector.extract %reduce_sum3A_187[15] : i32 from vector<16xi32>
        %add3A_189 = arith.addi %add3A_168, %reduce_sum3A_188 : i32
        %mul3A_190 = arith.constant 8 : i32
        %mul3A_191 = arith.muli %scan3A_129, %mul3A_190 : i32
        %add3A_192 = arith.constant 3 : i32
        %add3A_193 = arith.addi %mul3A_191, %add3A_192 : i32
        %mul3A_194 = arith.constant 16 : i32
        %mul3A_195 = arith.muli %add3A_193, %mul3A_194 : i32
        %get3A_196 = arith.index_cast %mul3A_195 : i32 to index
        %get3A_197 = tpu.vector_load %arg10[%get3A_196] {strides = array<i32>} : memref<4096xi32, #tpu.memory_space<vmem>>, vector<16xi32>,
        %broadcast_in_dim3A_198 = arith.constant true
        %broadcast_in_dim3A_199 = vector.broadcast %broadcast_in_dim3A_198 : i1 to vector<16xi1>
        %masked_cumsum3A_200 = tpu.scan <sum>, %get3A_197 masked %broadcast_in_dim3A_199 : vector<16xi32>, vector<16xi1> -> vector<16xi32>
        %sub3A_201 = arith.subi %masked_cumsum3A_200, %get3A_197 : vector<16xi32>
        %add3A_202 = vector.broadcast %add3A_189 : i32 to vector<16xi32>
        %add3A_203 = arith.addi %sub3A_201, %add3A_202 : vector<16xi32>
        %swap3A_204 = arith.index_cast %mul3A_195 : i32 to index
        %swap3A_205 = tpu.vector_load %arg10[%swap3A_204] {strides = array<i32>} : memref<4096xi32, #tpu.memory_space<vmem>>, vector<16xi32>,
        tpu.vector_store %arg10[%swap3A_204], %add3A_203 {strides = array<i32>} : memref<4096xi32, #tpu.memory_space<vmem>>, vector<16xi32>,
        %reduce_sum3A_206 = arith.constant true
        %reduce_sum3A_207 = vector.broadcast %reduce_sum3A_206 : i1 to vector<16xi1>
        %reduce_sum3A_208 = tpu.scan <sum>, %get3A_197 masked %reduce_sum3A_207 : vector<16xi32>, vector<16xi1> -> vector<16xi32>
        %reduce_sum3A_209 = vector.extract %reduce_sum3A_208[15] : i32 from vector<16xi32>
        %add3A_210 = arith.addi %add3A_189, %reduce_sum3A_209 : i32
        %mul3A_211 = arith.constant 8 : i32
        %mul3A_212 = arith.muli %scan3A_129, %mul3A_211 : i32
        %add3A_213 = arith.constant 4 : i32
        %add3A_214 = arith.addi %mul3A_212, %add3A_213 : i32
        %mul3A_215 = arith.constant 16 : i32
        %mul3A_216 = arith.muli %add3A_214, %mul3A_215 : i32
        %get3A_217 = arith.index_cast %mul3A_216 : i32 to index
        %get3A_218 = tpu.vector_load %arg10[%get3A_217] {strides = array<i32>} : memref<4096xi32, #tpu.memory_space<vmem>>, vector<16xi32>,
        %broadcast_in_dim3A_219 = arith.constant true
        %broadcast_in_dim3A_220 = vector.broadcast %broadcast_in_dim3A_219 : i1 to vector<16xi1>
        %masked_cumsum3A_221 = tpu.scan <sum>, %get3A_218 masked %broadcast_in_dim3A_220 : vector<16xi32>, vector<16xi1> -> vector<16xi32>
        %sub3A_222 = arith.subi %masked_cumsum3A_221, %get3A_218 : vector<16xi32>
        %add3A_223 = vector.broadcast %add3A_210 : i32 to vector<16xi32>
        %add3A_224 = arith.addi %sub3A_222, %add3A_223 : vector<16xi32>
        %swap3A_225 = arith.index_cast %mul3A_216 : i32 to index
        %swap3A_226 = tpu.vector_load %arg10[%swap3A_225] {strides = array<i32>} : memref<4096xi32, #tpu.memory_space<vmem>>, vector<16xi32>,
        tpu.vector_store %arg10[%swap3A_225], %add3A_224 {strides = array<i32>} : memref<4096xi32, #tpu.memory_space<vmem>>, vector<16xi32>,
        %reduce_sum3A_227 = arith.constant true
        %reduce_sum3A_228 = vector.broadcast %reduce_sum3A_227 : i1 to vector<16xi1>
        %reduce_sum3A_229 = tpu.scan <sum>, %get3A_218 masked %reduce_sum3A_228 : vector<16xi32>, vector<16xi1> -> vector<16xi32>
        %reduce_sum3A_230 = vector.extract %reduce_sum3A_229[15] : i32 from vector<16xi32>
        %add3A_231 = arith.addi %add3A_210, %reduce_sum3A_230 : i32
        %mul3A_232 = arith.constant 8 : i32
        %mul3A_233 = arith.muli %scan3A_129, %mul3A_232 : i32
        %add3A_234 = arith.constant 5 : i32
        %add3A_235 = arith.addi %mul3A_233, %add3A_234 : i32
        %mul3A_236 = arith.constant 16 : i32
        %mul3A_237 = arith.muli %add3A_235, %mul3A_236 : i32
        %get3A_238 = arith.index_cast %mul3A_237 : i32 to index
        %get3A_239 = tpu.vector_load %arg10[%get3A_238] {strides = array<i32>} : memref<4096xi32, #tpu.memory_space<vmem>>, vector<16xi32>,
        %broadcast_in_dim3A_240 = arith.constant true
        %broadcast_in_dim3A_241 = vector.broadcast %broadcast_in_dim3A_240 : i1 to vector<16xi1>
        %masked_cumsum3A_242 = tpu.scan <sum>, %get3A_239 masked %broadcast_in_dim3A_241 : vector<16xi32>, vector<16xi1> -> vector<16xi32>
        %sub3A_243 = arith.subi %masked_cumsum3A_242, %get3A_239 : vector<16xi32>
        %add3A_244 = vector.broadcast %add3A_231 : i32 to vector<16xi32>
        %add3A_245 = arith.addi %sub3A_243, %add3A_244 : vector<16xi32>
        %swap3A_246 = arith.index_cast %mul3A_237 : i32 to index
        %swap3A_247 = tpu.vector_load %arg10[%swap3A_246] {strides = array<i32>} : memref<4096xi32, #tpu.memory_space<vmem>>, vector<16xi32>,
        tpu.vector_store %arg10[%swap3A_246], %add3A_245 {strides = array<i32>} : memref<4096xi32, #tpu.memory_space<vmem>>, vector<16xi32>,
        %reduce_sum3A_248 = arith.constant true
        %reduce_sum3A_249 = vector.broadcast %reduce_sum3A_248 : i1 to vector<16xi1>
        %reduce_sum3A_250 = tpu.scan <sum>, %get3A_239 masked %reduce_sum3A_249 : vector<16xi32>, vector<16xi1> -> vector<16xi32>
        %reduce_sum3A_251 = vector.extract %reduce_sum3A_250[15] : i32 from vector<16xi32>
        %add3A_252 = arith.addi %add3A_231, %reduce_sum3A_251 : i32
        %mul3A_253 = arith.constant 8 : i32
        %mul3A_254 = arith.muli %scan3A_129, %mul3A_253 : i32
        %add3A_255 = arith.constant 6 : i32
        %add3A_256 = arith.addi %mul3A_254, %add3A_255 : i32
        %mul3A_257 = arith.constant 16 : i32
        %mul3A_258 = arith.muli %add3A_256, %mul3A_257 : i32
        %get3A_259 = arith.index_cast %mul3A_258 : i32 to index
        %get3A_260 = tpu.vector_load %arg10[%get3A_259] {strides = array<i32>} : memref<4096xi32, #tpu.memory_space<vmem>>, vector<16xi32>,
        %broadcast_in_dim3A_261 = arith.constant true
        %broadcast_in_dim3A_262 = vector.broadcast %broadcast_in_dim3A_261 : i1 to vector<16xi1>
        %masked_cumsum3A_263 = tpu.scan <sum>, %get3A_260 masked %broadcast_in_dim3A_262 : vector<16xi32>, vector<16xi1> -> vector<16xi32>
        %sub3A_264 = arith.subi %masked_cumsum3A_263, %get3A_260 : vector<16xi32>
        %add3A_265 = vector.broadcast %add3A_252 : i32 to vector<16xi32>
        %add3A_266 = arith.addi %sub3A_264, %add3A_265 : vector<16xi32>
        %swap3A_267 = arith.index_cast %mul3A_258 : i32 to index
        %swap3A_268 = tpu.vector_load %arg10[%swap3A_267] {strides = array<i32>} : memref<4096xi32, #tpu.memory_space<vmem>>, vector<16xi32>,
        tpu.vector_store %arg10[%swap3A_267], %add3A_266 {strides = array<i32>} : memref<4096xi32, #tpu.memory_space<vmem>>, vector<16xi32>,
        %reduce_sum3A_269 = arith.constant true
        %reduce_sum3A_270 = vector.broadcast %reduce_sum3A_269 : i1 to vector<16xi1>
        %reduce_sum3A_271 = tpu.scan <sum>, %get3A_260 masked %reduce_sum3A_270 : vector<16xi32>, vector<16xi1> -> vector<16xi32>
        %reduce_sum3A_272 = vector.extract %reduce_sum3A_271[15] : i32 from vector<16xi32>
        %add3A_273 = arith.addi %add3A_252, %reduce_sum3A_272 : i32
        %mul3A_274 = arith.constant 8 : i32
        %mul3A_275 = arith.muli %scan3A_129, %mul3A_274 : i32
        %add3A_276 = arith.constant 7 : i32
        %add3A_277 = arith.addi %mul3A_275, %add3A_276 : i32
        %mul3A_278 = arith.constant 16 : i32
        %mul3A_279 = arith.muli %add3A_277, %mul3A_278 : i32
        %get3A_280 = arith.index_cast %mul3A_279 : i32 to index
        %get3A_281 = tpu.vector_load %arg10[%get3A_280] {strides = array<i32>} : memref<4096xi32, #tpu.memory_space<vmem>>, vector<16xi32>,
        %broadcast_in_dim3A_282 = arith.constant true
        %broadcast_in_dim3A_283 = vector.broadcast %broadcast_in_dim3A_282 : i1 to vector<16xi1>
        %masked_cumsum3A_284 = tpu.scan <sum>, %get3A_281 masked %broadcast_in_dim3A_283 : vector<16xi32>, vector<16xi1> -> vector<16xi32>
        %sub3A_285 = arith.subi %masked_cumsum3A_284, %get3A_281 : vector<16xi32>
        %add3A_286 = vector.broadcast %add3A_273 : i32 to vector<16xi32>
        %add3A_287 = arith.addi %sub3A_285, %add3A_286 : vector<16xi32>
        %swap3A_288 = arith.index_cast %mul3A_279 : i32 to index
        %swap3A_289 = tpu.vector_load %arg10[%swap3A_288] {strides = array<i32>} : memref<4096xi32, #tpu.memory_space<vmem>>, vector<16xi32>,
        tpu.vector_store %arg10[%swap3A_288], %add3A_287 {strides = array<i32>} : memref<4096xi32, #tpu.memory_space<vmem>>, vector<16xi32>,
        %reduce_sum3A_290 = arith.constant true
        %reduce_sum3A_291 = vector.broadcast %reduce_sum3A_290 : i1 to vector<16xi1>
        %reduce_sum3A_292 = tpu.scan <sum>, %get3A_281 masked %reduce_sum3A_291 : vector<16xi32>, vector<16xi1> -> vector<16xi32>
        %reduce_sum3A_293 = vector.extract %reduce_sum3A_292[15] : i32 from vector<16xi32>
        %add3A_294 = arith.addi %add3A_273, %reduce_sum3A_293 : i32
        scf.yield %add3A_294 : i32
      }
      %scan3A_47 = arith.constant 32 : i32
      %while3A = arith.constant 0 : i32
      %while3A_48 = arith.constant 0 : i32
      %while3A_49 = arith.subi %shift_right_logical3A_35, %while3A_48 : i32
      %while3A_50 = arith.addi %while3A_48, %while3A_49 : i32
      %while3A_51 = arith.constant 1 : i32
      %while3A_52 = arith.divsi %while3A_49, %while3A_51 : i32
      %while3A_53 = arith.muli %while3A_52, %while3A_51 : i32
      %while3A_54 = arith.addi %while3A_48, %while3A_53 : i32
      %while3A_55 = arith.constant 1 : i32
      scf.for %while3A_129 = %while3A_48 to %while3A_54 step %while3A_55  : i32 {
        %mul3A_130 = vector.broadcast %shift_right_logical3A_35 : i32 to vector<16xi32>
        %mul3A_131 = arith.muli %iota3A, %mul3A_130 : vector<16xi32>
        %add3A_132 = vector.broadcast %while3A_129 : i32 to vector<16xi32>
        %add3A_133 = arith.addi %mul3A_131, %add3A_132 : vector<16xi32>
        %gather3A = tpu.vector_load_idx %arg6[%add3A_133] : memref<8208xi32, #tpu.memory_space<vmem>>[vector<16xi32>], vector<16xi32>,
        %gather3A_134 = tpu.vector_load_idx %arg7[%add3A_133] : memref<8208xi32, #tpu.memory_space<vmem>>[vector<16xi32>], vector<16xi32>,
        %shift_right_logical3A_135 = arith.constant 0 : i32
        %shift_right_logical3A_136 = vector.broadcast %shift_right_logical3A_135 : i32 to vector<16xi32>
        %shift_right_logical3A_137 = arith.shrui %gather3A, %shift_right_logical3A_136 : vector<16xi32>
        %and3A = arith.constant 255 : i32
        %and3A_138 = vector.broadcast %and3A : i32 to vector<16xi32>
        %and3A_139 = arith.andi %shift_right_logical3A_137, %and3A_138 : vector<16xi32>
        %mul3A_140 = arith.constant 16 : i32
        %mul3A_141 = vector.broadcast %mul3A_140 : i32 to vector<16xi32>
        %mul3A_142 = arith.muli %and3A_139, %mul3A_141 : vector<16xi32>
        %add3A_143 = arith.addi %mul3A_142, %iota3A : vector<16xi32>
        %gather3A_144 = tpu.vector_load_idx %arg10[%add3A_143] : memref<4096xi32, #tpu.memory_space<vmem>>[vector<16xi32>], vector<16xi32>,
        tpu.vector_store_idx %arg8[%gather3A_144], %gather3A : memref<8208xi32, #tpu.memory_space<vmem>>[vector<16xi32>], vector<16xi32>,
        tpu.vector_store_idx %arg9[%gather3A_144], %gather3A_134 : memref<8208xi32, #tpu.memory_space<vmem>>[vector<16xi32>], vector<16xi32>,
        tpu.vector_store_idx %arg10[%add3A_143], %broadcast_in_dim3A_1 {add = true} : memref<4096xi32, #tpu.memory_space<vmem>>[vector<16xi32>], vector<16xi32>,
      }
      %while3A_56 = arith.constant 1 : i32
      scf.for %while3A_129 = %while3A_54 to %while3A_50 step %while3A_56  : i32 {
        %mul3A_130 = vector.broadcast %shift_right_logical3A_35 : i32 to vector<16xi32>
        %mul3A_131 = arith.muli %iota3A, %mul3A_130 : vector<16xi32>
        %add3A_132 = vector.broadcast %while3A_129 : i32 to vector<16xi32>
        %add3A_133 = arith.addi %mul3A_131, %add3A_132 : vector<16xi32>
        %gather3A = tpu.vector_load_idx %arg6[%add3A_133] : memref<8208xi32, #tpu.memory_space<vmem>>[vector<16xi32>], vector<16xi32>,
        %gather3A_134 = tpu.vector_load_idx %arg7[%add3A_133] : memref<8208xi32, #tpu.memory_space<vmem>>[vector<16xi32>], vector<16xi32>,
        %shift_right_logical3A_135 = arith.constant 0 : i32
        %shift_right_logical3A_136 = vector.broadcast %shift_right_logical3A_135 : i32 to vector<16xi32>
        %shift_right_logical3A_137 = arith.shrui %gather3A, %shift_right_logical3A_136 : vector<16xi32>
        %and3A = arith.constant 255 : i32
        %and3A_138 = vector.broadcast %and3A : i32 to vector<16xi32>
        %and3A_139 = arith.andi %shift_right_logical3A_137, %and3A_138 : vector<16xi32>
        %mul3A_140 = arith.constant 16 : i32
        %mul3A_141 = vector.broadcast %mul3A_140 : i32 to vector<16xi32>
        %mul3A_142 = arith.muli %and3A_139, %mul3A_141 : vector<16xi32>
        %add3A_143 = arith.addi %mul3A_142, %iota3A : vector<16xi32>
        %gather3A_144 = tpu.vector_load_idx %arg10[%add3A_143] : memref<4096xi32, #tpu.memory_space<vmem>>[vector<16xi32>], vector<16xi32>,
        tpu.vector_store_idx %arg8[%gather3A_144], %gather3A : memref<8208xi32, #tpu.memory_space<vmem>>[vector<16xi32>], vector<16xi32>,
        tpu.vector_store_idx %arg9[%gather3A_144], %gather3A_134 : memref<8208xi32, #tpu.memory_space<vmem>>[vector<16xi32>], vector<16xi32>,
        tpu.vector_store_idx %arg10[%add3A_143], %broadcast_in_dim3A_1 {add = true} : memref<4096xi32, #tpu.memory_space<vmem>>[vector<16xi32>], vector<16xi32>,
      }
      %parallel_loop3A_57 = arith.constant 0 : i32
      %parallel_loop3A_58 = arith.constant 256 : i32
      %parallel_loop3A_59 = arith.constant 1 : i32
      scf.for %parallel_loop3A_129 = %parallel_loop3A_57 to %parallel_loop3A_58 step %parallel_loop3A_59  : i32 {
        %parallel_loop3A_130 = arith.constant 0 : i32
        %parallel_loop3A_131 = vector.broadcast %parallel_loop3A_130 : i32 to vector<16xi32>
        %parallel_loop3A_132 = arith.constant 16 : i32
        %parallel_loop3A_133 = arith.muli %parallel_loop3A_129, %parallel_loop3A_132 : i32
        %parallel_loop3A_134 = arith.index_cast %parallel_loop3A_133 : i32 to index
        %parallel_loop3A_135 = tpu.vector_load %arg10[%parallel_loop3A_134] {strides = array<i32>} : memref<4096xi32, #tpu.memory_space<vmem>>, vector<16xi32>,
        tpu.vector_store %arg10[%parallel_loop3A_134], %parallel_loop3A_131 {strides = array<i32>} : memref<4096xi32, #tpu.memory_space<vmem>>, vector<16xi32>,
      } {sc.loop_unroll_factor = 8 : i64, sc.parallel_access}
      %parallel_loop3A_60 = arith.constant 0 : i32
      %parallel_loop3A_61 = arith.constant 1 : i32
      scf.for %parallel_loop3A_129 = %parallel_loop3A_60 to %shift_right_logical3A_35 step %parallel_loop3A_61  : i32 {
        %parallel_loop3A_130 = vector.broadcast %shift_right_logical3A_35 : i32 to vector<16xi32>
        %parallel_loop3A_131 = arith.muli %iota3A, %parallel_loop3A_130 : vector<16xi32>
        %parallel_loop3A_132 = vector.broadcast %parallel_loop3A_129 : i32 to vector<16xi32>
        %parallel_loop3A_133 = arith.addi %parallel_loop3A_131, %parallel_loop3A_132 : vector<16xi32>
        %parallel_loop3A_134 = tpu.vector_load_idx %arg8[%parallel_loop3A_133] : memref<8208xi32, #tpu.memory_space<vmem>>[vector<16xi32>], vector<16xi32>,
        %parallel_loop3A_135 = arith.constant 8 : i32
        %parallel_loop3A_136 = vector.broadcast %parallel_loop3A_135 : i32 to vector<16xi32>
        %parallel_loop3A_137 = arith.shrui %parallel_loop3A_134, %parallel_loop3A_136 : vector<16xi32>
        %parallel_loop3A_138 = arith.constant 255 : i32
        %parallel_loop3A_139 = vector.broadcast %parallel_loop3A_138 : i32 to vector<16xi32>
        %parallel_loop3A_140 = arith.andi %parallel_loop3A_137, %parallel_loop3A_139 : vector<16xi32>
        %parallel_loop3A_141 = arith.constant 16 : i32
        %parallel_loop3A_142 = vector.broadcast %parallel_loop3A_141 : i32 to vector<16xi32>
        %parallel_loop3A_143 = arith.muli %parallel_loop3A_140, %parallel_loop3A_142 : vector<16xi32>
        %parallel_loop3A_144 = arith.addi %parallel_loop3A_143, %iota3A : vector<16xi32>
        tpu.vector_store_idx %arg10[%parallel_loop3A_144], %broadcast_in_dim3A_1 {add = true} : memref<4096xi32, #tpu.memory_space<vmem>>[vector<16xi32>], vector<16xi32>,
      } {sc.loop_unroll_factor = 1 : i64, sc.parallel_access}
      %scan3A_62 = arith.constant 0 : i32
      %scan3A_63 = arith.constant 0 : i32
      %scan3A_64 = arith.constant 32 : i32
      %scan3A_65 = arith.addi %scan3A_63, %scan3A_64 : i32
      %scan3A_66 = arith.constant 1 : i32
      %scan3A_67 = scf.for %scan3A_129 = %scan3A_63 to %scan3A_65 step %scan3A_66 iter_args(%scan3A_130 = %scan3A_62) -> (i32)  : i32 {
        %mul3A_131 = arith.constant 8 : i32
        %mul3A_132 = arith.muli %scan3A_129, %mul3A_131 : i32
        %add3A_133 = arith.constant 0 : i32
        %add3A_134 = arith.addi %mul3A_132, %add3A_133 : i32
        %mul3A_135 = arith.constant 16 : i32
        %mul3A_136 = arith.muli %add3A_134, %mul3A_135 : i32
        %get3A = arith.index_cast %mul3A_136 : i32 to index
        %get3A_137 = tpu.vector_load %arg10[%get3A] {strides = array<i32>} : memref<4096xi32, #tpu.memory_space<vmem>>, vector<16xi32>,
        %broadcast_in_dim3A_138 = arith.constant true
        %broadcast_in_dim3A_139 = vector.broadcast %broadcast_in_dim3A_138 : i1 to vector<16xi1>
        %masked_cumsum3A = tpu.scan <sum>, %get3A_137 masked %broadcast_in_dim3A_139 : vector<16xi32>, vector<16xi1> -> vector<16xi32>
        %sub3A = arith.subi %masked_cumsum3A, %get3A_137 : vector<16xi32>
        %add3A_140 = vector.broadcast %scan3A_130 : i32 to vector<16xi32>
        %add3A_141 = arith.addi %sub3A, %add3A_140 : vector<16xi32>
        %swap3A_142 = arith.index_cast %mul3A_136 : i32 to index
        %swap3A_143 = tpu.vector_load %arg10[%swap3A_142] {strides = array<i32>} : memref<4096xi32, #tpu.memory_space<vmem>>, vector<16xi32>,
        tpu.vector_store %arg10[%swap3A_142], %add3A_141 {strides = array<i32>} : memref<4096xi32, #tpu.memory_space<vmem>>, vector<16xi32>,
        %reduce_sum3A = arith.constant true
        %reduce_sum3A_144 = vector.broadcast %reduce_sum3A : i1 to vector<16xi1>
        %reduce_sum3A_145 = tpu.scan <sum>, %get3A_137 masked %reduce_sum3A_144 : vector<16xi32>, vector<16xi1> -> vector<16xi32>
        %reduce_sum3A_146 = vector.extract %reduce_sum3A_145[15] : i32 from vector<16xi32>
        %add3A_147 = arith.addi %scan3A_130, %reduce_sum3A_146 : i32
        %mul3A_148 = arith.constant 8 : i32
        %mul3A_149 = arith.muli %scan3A_129, %mul3A_148 : i32
        %add3A_150 = arith.constant 1 : i32
        %add3A_151 = arith.addi %mul3A_149, %add3A_150 : i32
        %mul3A_152 = arith.constant 16 : i32
        %mul3A_153 = arith.muli %add3A_151, %mul3A_152 : i32
        %get3A_154 = arith.index_cast %mul3A_153 : i32 to index
        %get3A_155 = tpu.vector_load %arg10[%get3A_154] {strides = array<i32>} : memref<4096xi32, #tpu.memory_space<vmem>>, vector<16xi32>,
        %broadcast_in_dim3A_156 = arith.constant true
        %broadcast_in_dim3A_157 = vector.broadcast %broadcast_in_dim3A_156 : i1 to vector<16xi1>
        %masked_cumsum3A_158 = tpu.scan <sum>, %get3A_155 masked %broadcast_in_dim3A_157 : vector<16xi32>, vector<16xi1> -> vector<16xi32>
        %sub3A_159 = arith.subi %masked_cumsum3A_158, %get3A_155 : vector<16xi32>
        %add3A_160 = vector.broadcast %add3A_147 : i32 to vector<16xi32>
        %add3A_161 = arith.addi %sub3A_159, %add3A_160 : vector<16xi32>
        %swap3A_162 = arith.index_cast %mul3A_153 : i32 to index
        %swap3A_163 = tpu.vector_load %arg10[%swap3A_162] {strides = array<i32>} : memref<4096xi32, #tpu.memory_space<vmem>>, vector<16xi32>,
        tpu.vector_store %arg10[%swap3A_162], %add3A_161 {strides = array<i32>} : memref<4096xi32, #tpu.memory_space<vmem>>, vector<16xi32>,
        %reduce_sum3A_164 = arith.constant true
        %reduce_sum3A_165 = vector.broadcast %reduce_sum3A_164 : i1 to vector<16xi1>
        %reduce_sum3A_166 = tpu.scan <sum>, %get3A_155 masked %reduce_sum3A_165 : vector<16xi32>, vector<16xi1> -> vector<16xi32>
        %reduce_sum3A_167 = vector.extract %reduce_sum3A_166[15] : i32 from vector<16xi32>
        %add3A_168 = arith.addi %add3A_147, %reduce_sum3A_167 : i32
        %mul3A_169 = arith.constant 8 : i32
        %mul3A_170 = arith.muli %scan3A_129, %mul3A_169 : i32
        %add3A_171 = arith.constant 2 : i32
        %add3A_172 = arith.addi %mul3A_170, %add3A_171 : i32
        %mul3A_173 = arith.constant 16 : i32
        %mul3A_174 = arith.muli %add3A_172, %mul3A_173 : i32
        %get3A_175 = arith.index_cast %mul3A_174 : i32 to index
        %get3A_176 = tpu.vector_load %arg10[%get3A_175] {strides = array<i32>} : memref<4096xi32, #tpu.memory_space<vmem>>, vector<16xi32>,
        %broadcast_in_dim3A_177 = arith.constant true
        %broadcast_in_dim3A_178 = vector.broadcast %broadcast_in_dim3A_177 : i1 to vector<16xi1>
        %masked_cumsum3A_179 = tpu.scan <sum>, %get3A_176 masked %broadcast_in_dim3A_178 : vector<16xi32>, vector<16xi1> -> vector<16xi32>
        %sub3A_180 = arith.subi %masked_cumsum3A_179, %get3A_176 : vector<16xi32>
        %add3A_181 = vector.broadcast %add3A_168 : i32 to vector<16xi32>
        %add3A_182 = arith.addi %sub3A_180, %add3A_181 : vector<16xi32>
        %swap3A_183 = arith.index_cast %mul3A_174 : i32 to index
        %swap3A_184 = tpu.vector_load %arg10[%swap3A_183] {strides = array<i32>} : memref<4096xi32, #tpu.memory_space<vmem>>, vector<16xi32>,
        tpu.vector_store %arg10[%swap3A_183], %add3A_182 {strides = array<i32>} : memref<4096xi32, #tpu.memory_space<vmem>>, vector<16xi32>,
        %reduce_sum3A_185 = arith.constant true
        %reduce_sum3A_186 = vector.broadcast %reduce_sum3A_185 : i1 to vector<16xi1>
        %reduce_sum3A_187 = tpu.scan <sum>, %get3A_176 masked %reduce_sum3A_186 : vector<16xi32>, vector<16xi1> -> vector<16xi32>
        %reduce_sum3A_188 = vector.extract %reduce_sum3A_187[15] : i32 from vector<16xi32>
        %add3A_189 = arith.addi %add3A_168, %reduce_sum3A_188 : i32
        %mul3A_190 = arith.constant 8 : i32
        %mul3A_191 = arith.muli %scan3A_129, %mul3A_190 : i32
        %add3A_192 = arith.constant 3 : i32
        %add3A_193 = arith.addi %mul3A_191, %add3A_192 : i32
        %mul3A_194 = arith.constant 16 : i32
        %mul3A_195 = arith.muli %add3A_193, %mul3A_194 : i32
        %get3A_196 = arith.index_cast %mul3A_195 : i32 to index
        %get3A_197 = tpu.vector_load %arg10[%get3A_196] {strides = array<i32>} : memref<4096xi32, #tpu.memory_space<vmem>>, vector<16xi32>,
        %broadcast_in_dim3A_198 = arith.constant true
        %broadcast_in_dim3A_199 = vector.broadcast %broadcast_in_dim3A_198 : i1 to vector<16xi1>
        %masked_cumsum3A_200 = tpu.scan <sum>, %get3A_197 masked %broadcast_in_dim3A_199 : vector<16xi32>, vector<16xi1> -> vector<16xi32>
        %sub3A_201 = arith.subi %masked_cumsum3A_200, %get3A_197 : vector<16xi32>
        %add3A_202 = vector.broadcast %add3A_189 : i32 to vector<16xi32>
        %add3A_203 = arith.addi %sub3A_201, %add3A_202 : vector<16xi32>
        %swap3A_204 = arith.index_cast %mul3A_195 : i32 to index
        %swap3A_205 = tpu.vector_load %arg10[%swap3A_204] {strides = array<i32>} : memref<4096xi32, #tpu.memory_space<vmem>>, vector<16xi32>,
        tpu.vector_store %arg10[%swap3A_204], %add3A_203 {strides = array<i32>} : memref<4096xi32, #tpu.memory_space<vmem>>, vector<16xi32>,
        %reduce_sum3A_206 = arith.constant true
        %reduce_sum3A_207 = vector.broadcast %reduce_sum3A_206 : i1 to vector<16xi1>
        %reduce_sum3A_208 = tpu.scan <sum>, %get3A_197 masked %reduce_sum3A_207 : vector<16xi32>, vector<16xi1> -> vector<16xi32>
        %reduce_sum3A_209 = vector.extract %reduce_sum3A_208[15] : i32 from vector<16xi32>
        %add3A_210 = arith.addi %add3A_189, %reduce_sum3A_209 : i32
        %mul3A_211 = arith.constant 8 : i32
        %mul3A_212 = arith.muli %scan3A_129, %mul3A_211 : i32
        %add3A_213 = arith.constant 4 : i32
        %add3A_214 = arith.addi %mul3A_212, %add3A_213 : i32
        %mul3A_215 = arith.constant 16 : i32
        %mul3A_216 = arith.muli %add3A_214, %mul3A_215 : i32
        %get3A_217 = arith.index_cast %mul3A_216 : i32 to index
        %get3A_218 = tpu.vector_load %arg10[%get3A_217] {strides = array<i32>} : memref<4096xi32, #tpu.memory_space<vmem>>, vector<16xi32>,
        %broadcast_in_dim3A_219 = arith.constant true
        %broadcast_in_dim3A_220 = vector.broadcast %broadcast_in_dim3A_219 : i1 to vector<16xi1>
        %masked_cumsum3A_221 = tpu.scan <sum>, %get3A_218 masked %broadcast_in_dim3A_220 : vector<16xi32>, vector<16xi1> -> vector<16xi32>
        %sub3A_222 = arith.subi %masked_cumsum3A_221, %get3A_218 : vector<16xi32>
        %add3A_223 = vector.broadcast %add3A_210 : i32 to vector<16xi32>
        %add3A_224 = arith.addi %sub3A_222, %add3A_223 : vector<16xi32>
        %swap3A_225 = arith.index_cast %mul3A_216 : i32 to index
        %swap3A_226 = tpu.vector_load %arg10[%swap3A_225] {strides = array<i32>} : memref<4096xi32, #tpu.memory_space<vmem>>, vector<16xi32>,
        tpu.vector_store %arg10[%swap3A_225], %add3A_224 {strides = array<i32>} : memref<4096xi32, #tpu.memory_space<vmem>>, vector<16xi32>,
        %reduce_sum3A_227 = arith.constant true
        %reduce_sum3A_228 = vector.broadcast %reduce_sum3A_227 : i1 to vector<16xi1>
        %reduce_sum3A_229 = tpu.scan <sum>, %get3A_218 masked %reduce_sum3A_228 : vector<16xi32>, vector<16xi1> -> vector<16xi32>
        %reduce_sum3A_230 = vector.extract %reduce_sum3A_229[15] : i32 from vector<16xi32>
        %add3A_231 = arith.addi %add3A_210, %reduce_sum3A_230 : i32
        %mul3A_232 = arith.constant 8 : i32
        %mul3A_233 = arith.muli %scan3A_129, %mul3A_232 : i32
        %add3A_234 = arith.constant 5 : i32
        %add3A_235 = arith.addi %mul3A_233, %add3A_234 : i32
        %mul3A_236 = arith.constant 16 : i32
        %mul3A_237 = arith.muli %add3A_235, %mul3A_236 : i32
        %get3A_238 = arith.index_cast %mul3A_237 : i32 to index
        %get3A_239 = tpu.vector_load %arg10[%get3A_238] {strides = array<i32>} : memref<4096xi32, #tpu.memory_space<vmem>>, vector<16xi32>,
        %broadcast_in_dim3A_240 = arith.constant true
        %broadcast_in_dim3A_241 = vector.broadcast %broadcast_in_dim3A_240 : i1 to vector<16xi1>
        %masked_cumsum3A_242 = tpu.scan <sum>, %get3A_239 masked %broadcast_in_dim3A_241 : vector<16xi32>, vector<16xi1> -> vector<16xi32>
        %sub3A_243 = arith.subi %masked_cumsum3A_242, %get3A_239 : vector<16xi32>
        %add3A_244 = vector.broadcast %add3A_231 : i32 to vector<16xi32>
        %add3A_245 = arith.addi %sub3A_243, %add3A_244 : vector<16xi32>
        %swap3A_246 = arith.index_cast %mul3A_237 : i32 to index
        %swap3A_247 = tpu.vector_load %arg10[%swap3A_246] {strides = array<i32>} : memref<4096xi32, #tpu.memory_space<vmem>>, vector<16xi32>,
        tpu.vector_store %arg10[%swap3A_246], %add3A_245 {strides = array<i32>} : memref<4096xi32, #tpu.memory_space<vmem>>, vector<16xi32>,
        %reduce_sum3A_248 = arith.constant true
        %reduce_sum3A_249 = vector.broadcast %reduce_sum3A_248 : i1 to vector<16xi1>
        %reduce_sum3A_250 = tpu.scan <sum>, %get3A_239 masked %reduce_sum3A_249 : vector<16xi32>, vector<16xi1> -> vector<16xi32>
        %reduce_sum3A_251 = vector.extract %reduce_sum3A_250[15] : i32 from vector<16xi32>
        %add3A_252 = arith.addi %add3A_231, %reduce_sum3A_251 : i32
        %mul3A_253 = arith.constant 8 : i32
        %mul3A_254 = arith.muli %scan3A_129, %mul3A_253 : i32
        %add3A_255 = arith.constant 6 : i32
        %add3A_256 = arith.addi %mul3A_254, %add3A_255 : i32
        %mul3A_257 = arith.constant 16 : i32
        %mul3A_258 = arith.muli %add3A_256, %mul3A_257 : i32
        %get3A_259 = arith.index_cast %mul3A_258 : i32 to index
        %get3A_260 = tpu.vector_load %arg10[%get3A_259] {strides = array<i32>} : memref<4096xi32, #tpu.memory_space<vmem>>, vector<16xi32>,
        %broadcast_in_dim3A_261 = arith.constant true
        %broadcast_in_dim3A_262 = vector.broadcast %broadcast_in_dim3A_261 : i1 to vector<16xi1>
        %masked_cumsum3A_263 = tpu.scan <sum>, %get3A_260 masked %broadcast_in_dim3A_262 : vector<16xi32>, vector<16xi1> -> vector<16xi32>
        %sub3A_264 = arith.subi %masked_cumsum3A_263, %get3A_260 : vector<16xi32>
        %add3A_265 = vector.broadcast %add3A_252 : i32 to vector<16xi32>
        %add3A_266 = arith.addi %sub3A_264, %add3A_265 : vector<16xi32>
        %swap3A_267 = arith.index_cast %mul3A_258 : i32 to index
        %swap3A_268 = tpu.vector_load %arg10[%swap3A_267] {strides = array<i32>} : memref<4096xi32, #tpu.memory_space<vmem>>, vector<16xi32>,
        tpu.vector_store %arg10[%swap3A_267], %add3A_266 {strides = array<i32>} : memref<4096xi32, #tpu.memory_space<vmem>>, vector<16xi32>,
        %reduce_sum3A_269 = arith.constant true
        %reduce_sum3A_270 = vector.broadcast %reduce_sum3A_269 : i1 to vector<16xi1>
        %reduce_sum3A_271 = tpu.scan <sum>, %get3A_260 masked %reduce_sum3A_270 : vector<16xi32>, vector<16xi1> -> vector<16xi32>
        %reduce_sum3A_272 = vector.extract %reduce_sum3A_271[15] : i32 from vector<16xi32>
        %add3A_273 = arith.addi %add3A_252, %reduce_sum3A_272 : i32
        %mul3A_274 = arith.constant 8 : i32
        %mul3A_275 = arith.muli %scan3A_129, %mul3A_274 : i32
        %add3A_276 = arith.constant 7 : i32
        %add3A_277 = arith.addi %mul3A_275, %add3A_276 : i32
        %mul3A_278 = arith.constant 16 : i32
        %mul3A_279 = arith.muli %add3A_277, %mul3A_278 : i32
        %get3A_280 = arith.index_cast %mul3A_279 : i32 to index
        %get3A_281 = tpu.vector_load %arg10[%get3A_280] {strides = array<i32>} : memref<4096xi32, #tpu.memory_space<vmem>>, vector<16xi32>,
        %broadcast_in_dim3A_282 = arith.constant true
        %broadcast_in_dim3A_283 = vector.broadcast %broadcast_in_dim3A_282 : i1 to vector<16xi1>
        %masked_cumsum3A_284 = tpu.scan <sum>, %get3A_281 masked %broadcast_in_dim3A_283 : vector<16xi32>, vector<16xi1> -> vector<16xi32>
        %sub3A_285 = arith.subi %masked_cumsum3A_284, %get3A_281 : vector<16xi32>
        %add3A_286 = vector.broadcast %add3A_273 : i32 to vector<16xi32>
        %add3A_287 = arith.addi %sub3A_285, %add3A_286 : vector<16xi32>
        %swap3A_288 = arith.index_cast %mul3A_279 : i32 to index
        %swap3A_289 = tpu.vector_load %arg10[%swap3A_288] {strides = array<i32>} : memref<4096xi32, #tpu.memory_space<vmem>>, vector<16xi32>,
        tpu.vector_store %arg10[%swap3A_288], %add3A_287 {strides = array<i32>} : memref<4096xi32, #tpu.memory_space<vmem>>, vector<16xi32>,
        %reduce_sum3A_290 = arith.constant true
        %reduce_sum3A_291 = vector.broadcast %reduce_sum3A_290 : i1 to vector<16xi1>
        %reduce_sum3A_292 = tpu.scan <sum>, %get3A_281 masked %reduce_sum3A_291 : vector<16xi32>, vector<16xi1> -> vector<16xi32>
        %reduce_sum3A_293 = vector.extract %reduce_sum3A_292[15] : i32 from vector<16xi32>
        %add3A_294 = arith.addi %add3A_273, %reduce_sum3A_293 : i32
        scf.yield %add3A_294 : i32
      }
      %scan3A_68 = arith.constant 32 : i32
      %while3A_69 = arith.constant 0 : i32
      %while3A_70 = arith.constant 0 : i32
      %while3A_71 = arith.subi %shift_right_logical3A_35, %while3A_70 : i32
      %while3A_72 = arith.addi %while3A_70, %while3A_71 : i32
      %while3A_73 = arith.constant 1 : i32
      %while3A_74 = arith.divsi %while3A_71, %while3A_73 : i32
      %while3A_75 = arith.muli %while3A_74, %while3A_73 : i32
      %while3A_76 = arith.addi %while3A_70, %while3A_75 : i32
      %while3A_77 = arith.constant 1 : i32
      scf.for %while3A_129 = %while3A_70 to %while3A_76 step %while3A_77  : i32 {
        %mul3A_130 = vector.broadcast %shift_right_logical3A_35 : i32 to vector<16xi32>
        %mul3A_131 = arith.muli %iota3A, %mul3A_130 : vector<16xi32>
        %add3A_132 = vector.broadcast %while3A_129 : i32 to vector<16xi32>
        %add3A_133 = arith.addi %mul3A_131, %add3A_132 : vector<16xi32>
        %gather3A = tpu.vector_load_idx %arg8[%add3A_133] : memref<8208xi32, #tpu.memory_space<vmem>>[vector<16xi32>], vector<16xi32>,
        %gather3A_134 = tpu.vector_load_idx %arg9[%add3A_133] : memref<8208xi32, #tpu.memory_space<vmem>>[vector<16xi32>], vector<16xi32>,
        %shift_right_logical3A_135 = arith.constant 8 : i32
        %shift_right_logical3A_136 = vector.broadcast %shift_right_logical3A_135 : i32 to vector<16xi32>
        %shift_right_logical3A_137 = arith.shrui %gather3A, %shift_right_logical3A_136 : vector<16xi32>
        %and3A = arith.constant 255 : i32
        %and3A_138 = vector.broadcast %and3A : i32 to vector<16xi32>
        %and3A_139 = arith.andi %shift_right_logical3A_137, %and3A_138 : vector<16xi32>
        %mul3A_140 = arith.constant 16 : i32
        %mul3A_141 = vector.broadcast %mul3A_140 : i32 to vector<16xi32>
        %mul3A_142 = arith.muli %and3A_139, %mul3A_141 : vector<16xi32>
        %add3A_143 = arith.addi %mul3A_142, %iota3A : vector<16xi32>
        %gather3A_144 = tpu.vector_load_idx %arg10[%add3A_143] : memref<4096xi32, #tpu.memory_space<vmem>>[vector<16xi32>], vector<16xi32>,
        tpu.vector_store_idx %arg6[%gather3A_144], %gather3A : memref<8208xi32, #tpu.memory_space<vmem>>[vector<16xi32>], vector<16xi32>,
        tpu.vector_store_idx %arg7[%gather3A_144], %gather3A_134 : memref<8208xi32, #tpu.memory_space<vmem>>[vector<16xi32>], vector<16xi32>,
        tpu.vector_store_idx %arg10[%add3A_143], %broadcast_in_dim3A_1 {add = true} : memref<4096xi32, #tpu.memory_space<vmem>>[vector<16xi32>], vector<16xi32>,
      }
      %while3A_78 = arith.constant 1 : i32
      scf.for %while3A_129 = %while3A_76 to %while3A_72 step %while3A_78  : i32 {
        %mul3A_130 = vector.broadcast %shift_right_logical3A_35 : i32 to vector<16xi32>
        %mul3A_131 = arith.muli %iota3A, %mul3A_130 : vector<16xi32>
        %add3A_132 = vector.broadcast %while3A_129 : i32 to vector<16xi32>
        %add3A_133 = arith.addi %mul3A_131, %add3A_132 : vector<16xi32>
        %gather3A = tpu.vector_load_idx %arg8[%add3A_133] : memref<8208xi32, #tpu.memory_space<vmem>>[vector<16xi32>], vector<16xi32>,
        %gather3A_134 = tpu.vector_load_idx %arg9[%add3A_133] : memref<8208xi32, #tpu.memory_space<vmem>>[vector<16xi32>], vector<16xi32>,
        %shift_right_logical3A_135 = arith.constant 8 : i32
        %shift_right_logical3A_136 = vector.broadcast %shift_right_logical3A_135 : i32 to vector<16xi32>
        %shift_right_logical3A_137 = arith.shrui %gather3A, %shift_right_logical3A_136 : vector<16xi32>
        %and3A = arith.constant 255 : i32
        %and3A_138 = vector.broadcast %and3A : i32 to vector<16xi32>
        %and3A_139 = arith.andi %shift_right_logical3A_137, %and3A_138 : vector<16xi32>
        %mul3A_140 = arith.constant 16 : i32
        %mul3A_141 = vector.broadcast %mul3A_140 : i32 to vector<16xi32>
        %mul3A_142 = arith.muli %and3A_139, %mul3A_141 : vector<16xi32>
        %add3A_143 = arith.addi %mul3A_142, %iota3A : vector<16xi32>
        %gather3A_144 = tpu.vector_load_idx %arg10[%add3A_143] : memref<4096xi32, #tpu.memory_space<vmem>>[vector<16xi32>], vector<16xi32>,
        tpu.vector_store_idx %arg6[%gather3A_144], %gather3A : memref<8208xi32, #tpu.memory_space<vmem>>[vector<16xi32>], vector<16xi32>,
        tpu.vector_store_idx %arg7[%gather3A_144], %gather3A_134 : memref<8208xi32, #tpu.memory_space<vmem>>[vector<16xi32>], vector<16xi32>,
        tpu.vector_store_idx %arg10[%add3A_143], %broadcast_in_dim3A_1 {add = true} : memref<4096xi32, #tpu.memory_space<vmem>>[vector<16xi32>], vector<16xi32>,
      }
      %parallel_loop3A_79 = arith.constant 0 : i32
      %parallel_loop3A_80 = arith.constant 256 : i32
      %parallel_loop3A_81 = arith.constant 1 : i32
      scf.for %parallel_loop3A_129 = %parallel_loop3A_79 to %parallel_loop3A_80 step %parallel_loop3A_81  : i32 {
        %parallel_loop3A_130 = arith.constant 0 : i32
        %parallel_loop3A_131 = vector.broadcast %parallel_loop3A_130 : i32 to vector<16xi32>
        %parallel_loop3A_132 = arith.constant 16 : i32
        %parallel_loop3A_133 = arith.muli %parallel_loop3A_129, %parallel_loop3A_132 : i32
        %parallel_loop3A_134 = arith.index_cast %parallel_loop3A_133 : i32 to index
        %parallel_loop3A_135 = tpu.vector_load %arg10[%parallel_loop3A_134] {strides = array<i32>} : memref<4096xi32, #tpu.memory_space<vmem>>, vector<16xi32>,
        tpu.vector_store %arg10[%parallel_loop3A_134], %parallel_loop3A_131 {strides = array<i32>} : memref<4096xi32, #tpu.memory_space<vmem>>, vector<16xi32>,
      } {sc.loop_unroll_factor = 8 : i64, sc.parallel_access}
      %parallel_loop3A_82 = arith.constant 0 : i32
      %parallel_loop3A_83 = arith.constant 1 : i32
      scf.for %parallel_loop3A_129 = %parallel_loop3A_82 to %shift_right_logical3A_35 step %parallel_loop3A_83  : i32 {
        %parallel_loop3A_130 = vector.broadcast %shift_right_logical3A_35 : i32 to vector<16xi32>
        %parallel_loop3A_131 = arith.muli %iota3A, %parallel_loop3A_130 : vector<16xi32>
        %parallel_loop3A_132 = vector.broadcast %parallel_loop3A_129 : i32 to vector<16xi32>
        %parallel_loop3A_133 = arith.addi %parallel_loop3A_131, %parallel_loop3A_132 : vector<16xi32>
        %parallel_loop3A_134 = tpu.vector_load_idx %arg6[%parallel_loop3A_133] : memref<8208xi32, #tpu.memory_space<vmem>>[vector<16xi32>], vector<16xi32>,
        %parallel_loop3A_135 = arith.constant 16 : i32
        %parallel_loop3A_136 = vector.broadcast %parallel_loop3A_135 : i32 to vector<16xi32>
        %parallel_loop3A_137 = arith.shrui %parallel_loop3A_134, %parallel_loop3A_136 : vector<16xi32>
        %parallel_loop3A_138 = arith.constant 255 : i32
        %parallel_loop3A_139 = vector.broadcast %parallel_loop3A_138 : i32 to vector<16xi32>
        %parallel_loop3A_140 = arith.andi %parallel_loop3A_137, %parallel_loop3A_139 : vector<16xi32>
        %parallel_loop3A_141 = arith.constant 16 : i32
        %parallel_loop3A_142 = vector.broadcast %parallel_loop3A_141 : i32 to vector<16xi32>
        %parallel_loop3A_143 = arith.muli %parallel_loop3A_140, %parallel_loop3A_142 : vector<16xi32>
        %parallel_loop3A_144 = arith.addi %parallel_loop3A_143, %iota3A : vector<16xi32>
        tpu.vector_store_idx %arg10[%parallel_loop3A_144], %broadcast_in_dim3A_1 {add = true} : memref<4096xi32, #tpu.memory_space<vmem>>[vector<16xi32>], vector<16xi32>,
      } {sc.loop_unroll_factor = 1 : i64, sc.parallel_access}
      %scan3A_84 = arith.constant 0 : i32
      %scan3A_85 = arith.constant 0 : i32
      %scan3A_86 = arith.constant 32 : i32
      %scan3A_87 = arith.addi %scan3A_85, %scan3A_86 : i32
      %scan3A_88 = arith.constant 1 : i32
      %scan3A_89 = scf.for %scan3A_129 = %scan3A_85 to %scan3A_87 step %scan3A_88 iter_args(%scan3A_130 = %scan3A_84) -> (i32)  : i32 {
        %mul3A_131 = arith.constant 8 : i32
        %mul3A_132 = arith.muli %scan3A_129, %mul3A_131 : i32
        %add3A_133 = arith.constant 0 : i32
        %add3A_134 = arith.addi %mul3A_132, %add3A_133 : i32
        %mul3A_135 = arith.constant 16 : i32
        %mul3A_136 = arith.muli %add3A_134, %mul3A_135 : i32
        %get3A = arith.index_cast %mul3A_136 : i32 to index
        %get3A_137 = tpu.vector_load %arg10[%get3A] {strides = array<i32>} : memref<4096xi32, #tpu.memory_space<vmem>>, vector<16xi32>,
        %broadcast_in_dim3A_138 = arith.constant true
        %broadcast_in_dim3A_139 = vector.broadcast %broadcast_in_dim3A_138 : i1 to vector<16xi1>
        %masked_cumsum3A = tpu.scan <sum>, %get3A_137 masked %broadcast_in_dim3A_139 : vector<16xi32>, vector<16xi1> -> vector<16xi32>
        %sub3A = arith.subi %masked_cumsum3A, %get3A_137 : vector<16xi32>
        %add3A_140 = vector.broadcast %scan3A_130 : i32 to vector<16xi32>
        %add3A_141 = arith.addi %sub3A, %add3A_140 : vector<16xi32>
        %swap3A_142 = arith.index_cast %mul3A_136 : i32 to index
        %swap3A_143 = tpu.vector_load %arg10[%swap3A_142] {strides = array<i32>} : memref<4096xi32, #tpu.memory_space<vmem>>, vector<16xi32>,
        tpu.vector_store %arg10[%swap3A_142], %add3A_141 {strides = array<i32>} : memref<4096xi32, #tpu.memory_space<vmem>>, vector<16xi32>,
        %reduce_sum3A = arith.constant true
        %reduce_sum3A_144 = vector.broadcast %reduce_sum3A : i1 to vector<16xi1>
        %reduce_sum3A_145 = tpu.scan <sum>, %get3A_137 masked %reduce_sum3A_144 : vector<16xi32>, vector<16xi1> -> vector<16xi32>
        %reduce_sum3A_146 = vector.extract %reduce_sum3A_145[15] : i32 from vector<16xi32>
        %add3A_147 = arith.addi %scan3A_130, %reduce_sum3A_146 : i32
        %mul3A_148 = arith.constant 8 : i32
        %mul3A_149 = arith.muli %scan3A_129, %mul3A_148 : i32
        %add3A_150 = arith.constant 1 : i32
        %add3A_151 = arith.addi %mul3A_149, %add3A_150 : i32
        %mul3A_152 = arith.constant 16 : i32
        %mul3A_153 = arith.muli %add3A_151, %mul3A_152 : i32
        %get3A_154 = arith.index_cast %mul3A_153 : i32 to index
        %get3A_155 = tpu.vector_load %arg10[%get3A_154] {strides = array<i32>} : memref<4096xi32, #tpu.memory_space<vmem>>, vector<16xi32>,
        %broadcast_in_dim3A_156 = arith.constant true
        %broadcast_in_dim3A_157 = vector.broadcast %broadcast_in_dim3A_156 : i1 to vector<16xi1>
        %masked_cumsum3A_158 = tpu.scan <sum>, %get3A_155 masked %broadcast_in_dim3A_157 : vector<16xi32>, vector<16xi1> -> vector<16xi32>
        %sub3A_159 = arith.subi %masked_cumsum3A_158, %get3A_155 : vector<16xi32>
        %add3A_160 = vector.broadcast %add3A_147 : i32 to vector<16xi32>
        %add3A_161 = arith.addi %sub3A_159, %add3A_160 : vector<16xi32>
        %swap3A_162 = arith.index_cast %mul3A_153 : i32 to index
        %swap3A_163 = tpu.vector_load %arg10[%swap3A_162] {strides = array<i32>} : memref<4096xi32, #tpu.memory_space<vmem>>, vector<16xi32>,
        tpu.vector_store %arg10[%swap3A_162], %add3A_161 {strides = array<i32>} : memref<4096xi32, #tpu.memory_space<vmem>>, vector<16xi32>,
        %reduce_sum3A_164 = arith.constant true
        %reduce_sum3A_165 = vector.broadcast %reduce_sum3A_164 : i1 to vector<16xi1>
        %reduce_sum3A_166 = tpu.scan <sum>, %get3A_155 masked %reduce_sum3A_165 : vector<16xi32>, vector<16xi1> -> vector<16xi32>
        %reduce_sum3A_167 = vector.extract %reduce_sum3A_166[15] : i32 from vector<16xi32>
        %add3A_168 = arith.addi %add3A_147, %reduce_sum3A_167 : i32
        %mul3A_169 = arith.constant 8 : i32
        %mul3A_170 = arith.muli %scan3A_129, %mul3A_169 : i32
        %add3A_171 = arith.constant 2 : i32
        %add3A_172 = arith.addi %mul3A_170, %add3A_171 : i32
        %mul3A_173 = arith.constant 16 : i32
        %mul3A_174 = arith.muli %add3A_172, %mul3A_173 : i32
        %get3A_175 = arith.index_cast %mul3A_174 : i32 to index
        %get3A_176 = tpu.vector_load %arg10[%get3A_175] {strides = array<i32>} : memref<4096xi32, #tpu.memory_space<vmem>>, vector<16xi32>,
        %broadcast_in_dim3A_177 = arith.constant true
        %broadcast_in_dim3A_178 = vector.broadcast %broadcast_in_dim3A_177 : i1 to vector<16xi1>
        %masked_cumsum3A_179 = tpu.scan <sum>, %get3A_176 masked %broadcast_in_dim3A_178 : vector<16xi32>, vector<16xi1> -> vector<16xi32>
        %sub3A_180 = arith.subi %masked_cumsum3A_179, %get3A_176 : vector<16xi32>
        %add3A_181 = vector.broadcast %add3A_168 : i32 to vector<16xi32>
        %add3A_182 = arith.addi %sub3A_180, %add3A_181 : vector<16xi32>
        %swap3A_183 = arith.index_cast %mul3A_174 : i32 to index
        %swap3A_184 = tpu.vector_load %arg10[%swap3A_183] {strides = array<i32>} : memref<4096xi32, #tpu.memory_space<vmem>>, vector<16xi32>,
        tpu.vector_store %arg10[%swap3A_183], %add3A_182 {strides = array<i32>} : memref<4096xi32, #tpu.memory_space<vmem>>, vector<16xi32>,
        %reduce_sum3A_185 = arith.constant true
        %reduce_sum3A_186 = vector.broadcast %reduce_sum3A_185 : i1 to vector<16xi1>
        %reduce_sum3A_187 = tpu.scan <sum>, %get3A_176 masked %reduce_sum3A_186 : vector<16xi32>, vector<16xi1> -> vector<16xi32>
        %reduce_sum3A_188 = vector.extract %reduce_sum3A_187[15] : i32 from vector<16xi32>
        %add3A_189 = arith.addi %add3A_168, %reduce_sum3A_188 : i32
        %mul3A_190 = arith.constant 8 : i32
        %mul3A_191 = arith.muli %scan3A_129, %mul3A_190 : i32
        %add3A_192 = arith.constant 3 : i32
        %add3A_193 = arith.addi %mul3A_191, %add3A_192 : i32
        %mul3A_194 = arith.constant 16 : i32
        %mul3A_195 = arith.muli %add3A_193, %mul3A_194 : i32
        %get3A_196 = arith.index_cast %mul3A_195 : i32 to index
        %get3A_197 = tpu.vector_load %arg10[%get3A_196] {strides = array<i32>} : memref<4096xi32, #tpu.memory_space<vmem>>, vector<16xi32>,
        %broadcast_in_dim3A_198 = arith.constant true
        %broadcast_in_dim3A_199 = vector.broadcast %broadcast_in_dim3A_198 : i1 to vector<16xi1>
        %masked_cumsum3A_200 = tpu.scan <sum>, %get3A_197 masked %broadcast_in_dim3A_199 : vector<16xi32>, vector<16xi1> -> vector<16xi32>
        %sub3A_201 = arith.subi %masked_cumsum3A_200, %get3A_197 : vector<16xi32>
        %add3A_202 = vector.broadcast %add3A_189 : i32 to vector<16xi32>
        %add3A_203 = arith.addi %sub3A_201, %add3A_202 : vector<16xi32>
        %swap3A_204 = arith.index_cast %mul3A_195 : i32 to index
        %swap3A_205 = tpu.vector_load %arg10[%swap3A_204] {strides = array<i32>} : memref<4096xi32, #tpu.memory_space<vmem>>, vector<16xi32>,
        tpu.vector_store %arg10[%swap3A_204], %add3A_203 {strides = array<i32>} : memref<4096xi32, #tpu.memory_space<vmem>>, vector<16xi32>,
        %reduce_sum3A_206 = arith.constant true
        %reduce_sum3A_207 = vector.broadcast %reduce_sum3A_206 : i1 to vector<16xi1>
        %reduce_sum3A_208 = tpu.scan <sum>, %get3A_197 masked %reduce_sum3A_207 : vector<16xi32>, vector<16xi1> -> vector<16xi32>
        %reduce_sum3A_209 = vector.extract %reduce_sum3A_208[15] : i32 from vector<16xi32>
        %add3A_210 = arith.addi %add3A_189, %reduce_sum3A_209 : i32
        %mul3A_211 = arith.constant 8 : i32
        %mul3A_212 = arith.muli %scan3A_129, %mul3A_211 : i32
        %add3A_213 = arith.constant 4 : i32
        %add3A_214 = arith.addi %mul3A_212, %add3A_213 : i32
        %mul3A_215 = arith.constant 16 : i32
        %mul3A_216 = arith.muli %add3A_214, %mul3A_215 : i32
        %get3A_217 = arith.index_cast %mul3A_216 : i32 to index
        %get3A_218 = tpu.vector_load %arg10[%get3A_217] {strides = array<i32>} : memref<4096xi32, #tpu.memory_space<vmem>>, vector<16xi32>,
        %broadcast_in_dim3A_219 = arith.constant true
        %broadcast_in_dim3A_220 = vector.broadcast %broadcast_in_dim3A_219 : i1 to vector<16xi1>
        %masked_cumsum3A_221 = tpu.scan <sum>, %get3A_218 masked %broadcast_in_dim3A_220 : vector<16xi32>, vector<16xi1> -> vector<16xi32>
        %sub3A_222 = arith.subi %masked_cumsum3A_221, %get3A_218 : vector<16xi32>
        %add3A_223 = vector.broadcast %add3A_210 : i32 to vector<16xi32>
        %add3A_224 = arith.addi %sub3A_222, %add3A_223 : vector<16xi32>
        %swap3A_225 = arith.index_cast %mul3A_216 : i32 to index
        %swap3A_226 = tpu.vector_load %arg10[%swap3A_225] {strides = array<i32>} : memref<4096xi32, #tpu.memory_space<vmem>>, vector<16xi32>,
        tpu.vector_store %arg10[%swap3A_225], %add3A_224 {strides = array<i32>} : memref<4096xi32, #tpu.memory_space<vmem>>, vector<16xi32>,
        %reduce_sum3A_227 = arith.constant true
        %reduce_sum3A_228 = vector.broadcast %reduce_sum3A_227 : i1 to vector<16xi1>
        %reduce_sum3A_229 = tpu.scan <sum>, %get3A_218 masked %reduce_sum3A_228 : vector<16xi32>, vector<16xi1> -> vector<16xi32>
        %reduce_sum3A_230 = vector.extract %reduce_sum3A_229[15] : i32 from vector<16xi32>
        %add3A_231 = arith.addi %add3A_210, %reduce_sum3A_230 : i32
        %mul3A_232 = arith.constant 8 : i32
        %mul3A_233 = arith.muli %scan3A_129, %mul3A_232 : i32
        %add3A_234 = arith.constant 5 : i32
        %add3A_235 = arith.addi %mul3A_233, %add3A_234 : i32
        %mul3A_236 = arith.constant 16 : i32
        %mul3A_237 = arith.muli %add3A_235, %mul3A_236 : i32
        %get3A_238 = arith.index_cast %mul3A_237 : i32 to index
        %get3A_239 = tpu.vector_load %arg10[%get3A_238] {strides = array<i32>} : memref<4096xi32, #tpu.memory_space<vmem>>, vector<16xi32>,
        %broadcast_in_dim3A_240 = arith.constant true
        %broadcast_in_dim3A_241 = vector.broadcast %broadcast_in_dim3A_240 : i1 to vector<16xi1>
        %masked_cumsum3A_242 = tpu.scan <sum>, %get3A_239 masked %broadcast_in_dim3A_241 : vector<16xi32>, vector<16xi1> -> vector<16xi32>
        %sub3A_243 = arith.subi %masked_cumsum3A_242, %get3A_239 : vector<16xi32>
        %add3A_244 = vector.broadcast %add3A_231 : i32 to vector<16xi32>
        %add3A_245 = arith.addi %sub3A_243, %add3A_244 : vector<16xi32>
        %swap3A_246 = arith.index_cast %mul3A_237 : i32 to index
        %swap3A_247 = tpu.vector_load %arg10[%swap3A_246] {strides = array<i32>} : memref<4096xi32, #tpu.memory_space<vmem>>, vector<16xi32>,
        tpu.vector_store %arg10[%swap3A_246], %add3A_245 {strides = array<i32>} : memref<4096xi32, #tpu.memory_space<vmem>>, vector<16xi32>,
        %reduce_sum3A_248 = arith.constant true
        %reduce_sum3A_249 = vector.broadcast %reduce_sum3A_248 : i1 to vector<16xi1>
        %reduce_sum3A_250 = tpu.scan <sum>, %get3A_239 masked %reduce_sum3A_249 : vector<16xi32>, vector<16xi1> -> vector<16xi32>
        %reduce_sum3A_251 = vector.extract %reduce_sum3A_250[15] : i32 from vector<16xi32>
        %add3A_252 = arith.addi %add3A_231, %reduce_sum3A_251 : i32
        %mul3A_253 = arith.constant 8 : i32
        %mul3A_254 = arith.muli %scan3A_129, %mul3A_253 : i32
        %add3A_255 = arith.constant 6 : i32
        %add3A_256 = arith.addi %mul3A_254, %add3A_255 : i32
        %mul3A_257 = arith.constant 16 : i32
        %mul3A_258 = arith.muli %add3A_256, %mul3A_257 : i32
        %get3A_259 = arith.index_cast %mul3A_258 : i32 to index
        %get3A_260 = tpu.vector_load %arg10[%get3A_259] {strides = array<i32>} : memref<4096xi32, #tpu.memory_space<vmem>>, vector<16xi32>,
        %broadcast_in_dim3A_261 = arith.constant true
        %broadcast_in_dim3A_262 = vector.broadcast %broadcast_in_dim3A_261 : i1 to vector<16xi1>
        %masked_cumsum3A_263 = tpu.scan <sum>, %get3A_260 masked %broadcast_in_dim3A_262 : vector<16xi32>, vector<16xi1> -> vector<16xi32>
        %sub3A_264 = arith.subi %masked_cumsum3A_263, %get3A_260 : vector<16xi32>
        %add3A_265 = vector.broadcast %add3A_252 : i32 to vector<16xi32>
        %add3A_266 = arith.addi %sub3A_264, %add3A_265 : vector<16xi32>
        %swap3A_267 = arith.index_cast %mul3A_258 : i32 to index
        %swap3A_268 = tpu.vector_load %arg10[%swap3A_267] {strides = array<i32>} : memref<4096xi32, #tpu.memory_space<vmem>>, vector<16xi32>,
        tpu.vector_store %arg10[%swap3A_267], %add3A_266 {strides = array<i32>} : memref<4096xi32, #tpu.memory_space<vmem>>, vector<16xi32>,
        %reduce_sum3A_269 = arith.constant true
        %reduce_sum3A_270 = vector.broadcast %reduce_sum3A_269 : i1 to vector<16xi1>
        %reduce_sum3A_271 = tpu.scan <sum>, %get3A_260 masked %reduce_sum3A_270 : vector<16xi32>, vector<16xi1> -> vector<16xi32>
        %reduce_sum3A_272 = vector.extract %reduce_sum3A_271[15] : i32 from vector<16xi32>
        %add3A_273 = arith.addi %add3A_252, %reduce_sum3A_272 : i32
        %mul3A_274 = arith.constant 8 : i32
        %mul3A_275 = arith.muli %scan3A_129, %mul3A_274 : i32
        %add3A_276 = arith.constant 7 : i32
        %add3A_277 = arith.addi %mul3A_275, %add3A_276 : i32
        %mul3A_278 = arith.constant 16 : i32
        %mul3A_279 = arith.muli %add3A_277, %mul3A_278 : i32
        %get3A_280 = arith.index_cast %mul3A_279 : i32 to index
        %get3A_281 = tpu.vector_load %arg10[%get3A_280] {strides = array<i32>} : memref<4096xi32, #tpu.memory_space<vmem>>, vector<16xi32>,
        %broadcast_in_dim3A_282 = arith.constant true
        %broadcast_in_dim3A_283 = vector.broadcast %broadcast_in_dim3A_282 : i1 to vector<16xi1>
        %masked_cumsum3A_284 = tpu.scan <sum>, %get3A_281 masked %broadcast_in_dim3A_283 : vector<16xi32>, vector<16xi1> -> vector<16xi32>
        %sub3A_285 = arith.subi %masked_cumsum3A_284, %get3A_281 : vector<16xi32>
        %add3A_286 = vector.broadcast %add3A_273 : i32 to vector<16xi32>
        %add3A_287 = arith.addi %sub3A_285, %add3A_286 : vector<16xi32>
        %swap3A_288 = arith.index_cast %mul3A_279 : i32 to index
        %swap3A_289 = tpu.vector_load %arg10[%swap3A_288] {strides = array<i32>} : memref<4096xi32, #tpu.memory_space<vmem>>, vector<16xi32>,
        tpu.vector_store %arg10[%swap3A_288], %add3A_287 {strides = array<i32>} : memref<4096xi32, #tpu.memory_space<vmem>>, vector<16xi32>,
        %reduce_sum3A_290 = arith.constant true
        %reduce_sum3A_291 = vector.broadcast %reduce_sum3A_290 : i1 to vector<16xi1>
        %reduce_sum3A_292 = tpu.scan <sum>, %get3A_281 masked %reduce_sum3A_291 : vector<16xi32>, vector<16xi1> -> vector<16xi32>
        %reduce_sum3A_293 = vector.extract %reduce_sum3A_292[15] : i32 from vector<16xi32>
        %add3A_294 = arith.addi %add3A_273, %reduce_sum3A_293 : i32
        scf.yield %add3A_294 : i32
      }
      %scan3A_90 = arith.constant 32 : i32
      %while3A_91 = arith.constant 0 : i32
      %while3A_92 = arith.constant 0 : i32
      %while3A_93 = arith.subi %shift_right_logical3A_35, %while3A_92 : i32
      %while3A_94 = arith.addi %while3A_92, %while3A_93 : i32
      %while3A_95 = arith.constant 1 : i32
      %while3A_96 = arith.divsi %while3A_93, %while3A_95 : i32
      %while3A_97 = arith.muli %while3A_96, %while3A_95 : i32
      %while3A_98 = arith.addi %while3A_92, %while3A_97 : i32
      %while3A_99 = arith.constant 1 : i32
      scf.for %while3A_129 = %while3A_92 to %while3A_98 step %while3A_99  : i32 {
        %mul3A_130 = vector.broadcast %shift_right_logical3A_35 : i32 to vector<16xi32>
        %mul3A_131 = arith.muli %iota3A, %mul3A_130 : vector<16xi32>
        %add3A_132 = vector.broadcast %while3A_129 : i32 to vector<16xi32>
        %add3A_133 = arith.addi %mul3A_131, %add3A_132 : vector<16xi32>
        %gather3A = tpu.vector_load_idx %arg6[%add3A_133] : memref<8208xi32, #tpu.memory_space<vmem>>[vector<16xi32>], vector<16xi32>,
        %gather3A_134 = tpu.vector_load_idx %arg7[%add3A_133] : memref<8208xi32, #tpu.memory_space<vmem>>[vector<16xi32>], vector<16xi32>,
        %shift_right_logical3A_135 = arith.constant 16 : i32
        %shift_right_logical3A_136 = vector.broadcast %shift_right_logical3A_135 : i32 to vector<16xi32>
        %shift_right_logical3A_137 = arith.shrui %gather3A, %shift_right_logical3A_136 : vector<16xi32>
        %and3A = arith.constant 255 : i32
        %and3A_138 = vector.broadcast %and3A : i32 to vector<16xi32>
        %and3A_139 = arith.andi %shift_right_logical3A_137, %and3A_138 : vector<16xi32>
        %mul3A_140 = arith.constant 16 : i32
        %mul3A_141 = vector.broadcast %mul3A_140 : i32 to vector<16xi32>
        %mul3A_142 = arith.muli %and3A_139, %mul3A_141 : vector<16xi32>
        %add3A_143 = arith.addi %mul3A_142, %iota3A : vector<16xi32>
        %gather3A_144 = tpu.vector_load_idx %arg10[%add3A_143] : memref<4096xi32, #tpu.memory_space<vmem>>[vector<16xi32>], vector<16xi32>,
        tpu.vector_store_idx %arg8[%gather3A_144], %gather3A : memref<8208xi32, #tpu.memory_space<vmem>>[vector<16xi32>], vector<16xi32>,
        tpu.vector_store_idx %arg9[%gather3A_144], %gather3A_134 : memref<8208xi32, #tpu.memory_space<vmem>>[vector<16xi32>], vector<16xi32>,
        tpu.vector_store_idx %arg10[%add3A_143], %broadcast_in_dim3A_1 {add = true} : memref<4096xi32, #tpu.memory_space<vmem>>[vector<16xi32>], vector<16xi32>,
      }
      %while3A_100 = arith.constant 1 : i32
      scf.for %while3A_129 = %while3A_98 to %while3A_94 step %while3A_100  : i32 {
        %mul3A_130 = vector.broadcast %shift_right_logical3A_35 : i32 to vector<16xi32>
        %mul3A_131 = arith.muli %iota3A, %mul3A_130 : vector<16xi32>
        %add3A_132 = vector.broadcast %while3A_129 : i32 to vector<16xi32>
        %add3A_133 = arith.addi %mul3A_131, %add3A_132 : vector<16xi32>
        %gather3A = tpu.vector_load_idx %arg6[%add3A_133] : memref<8208xi32, #tpu.memory_space<vmem>>[vector<16xi32>], vector<16xi32>,
        %gather3A_134 = tpu.vector_load_idx %arg7[%add3A_133] : memref<8208xi32, #tpu.memory_space<vmem>>[vector<16xi32>], vector<16xi32>,
        %shift_right_logical3A_135 = arith.constant 16 : i32
        %shift_right_logical3A_136 = vector.broadcast %shift_right_logical3A_135 : i32 to vector<16xi32>
        %shift_right_logical3A_137 = arith.shrui %gather3A, %shift_right_logical3A_136 : vector<16xi32>
        %and3A = arith.constant 255 : i32
        %and3A_138 = vector.broadcast %and3A : i32 to vector<16xi32>
        %and3A_139 = arith.andi %shift_right_logical3A_137, %and3A_138 : vector<16xi32>
        %mul3A_140 = arith.constant 16 : i32
        %mul3A_141 = vector.broadcast %mul3A_140 : i32 to vector<16xi32>
        %mul3A_142 = arith.muli %and3A_139, %mul3A_141 : vector<16xi32>
        %add3A_143 = arith.addi %mul3A_142, %iota3A : vector<16xi32>
        %gather3A_144 = tpu.vector_load_idx %arg10[%add3A_143] : memref<4096xi32, #tpu.memory_space<vmem>>[vector<16xi32>], vector<16xi32>,
        tpu.vector_store_idx %arg8[%gather3A_144], %gather3A : memref<8208xi32, #tpu.memory_space<vmem>>[vector<16xi32>], vector<16xi32>,
        tpu.vector_store_idx %arg9[%gather3A_144], %gather3A_134 : memref<8208xi32, #tpu.memory_space<vmem>>[vector<16xi32>], vector<16xi32>,
        tpu.vector_store_idx %arg10[%add3A_143], %broadcast_in_dim3A_1 {add = true} : memref<4096xi32, #tpu.memory_space<vmem>>[vector<16xi32>], vector<16xi32>,
      }
      %parallel_loop3A_101 = arith.constant 0 : i32
      %parallel_loop3A_102 = arith.constant 256 : i32
      %parallel_loop3A_103 = arith.constant 1 : i32
      scf.for %parallel_loop3A_129 = %parallel_loop3A_101 to %parallel_loop3A_102 step %parallel_loop3A_103  : i32 {
        %parallel_loop3A_130 = arith.constant 0 : i32
        %parallel_loop3A_131 = vector.broadcast %parallel_loop3A_130 : i32 to vector<16xi32>
        %parallel_loop3A_132 = arith.constant 16 : i32
        %parallel_loop3A_133 = arith.muli %parallel_loop3A_129, %parallel_loop3A_132 : i32
        %parallel_loop3A_134 = arith.index_cast %parallel_loop3A_133 : i32 to index
        %parallel_loop3A_135 = tpu.vector_load %arg10[%parallel_loop3A_134] {strides = array<i32>} : memref<4096xi32, #tpu.memory_space<vmem>>, vector<16xi32>,
        tpu.vector_store %arg10[%parallel_loop3A_134], %parallel_loop3A_131 {strides = array<i32>} : memref<4096xi32, #tpu.memory_space<vmem>>, vector<16xi32>,
      } {sc.loop_unroll_factor = 8 : i64, sc.parallel_access}
      %parallel_loop3A_104 = arith.constant 0 : i32
      %parallel_loop3A_105 = arith.constant 1 : i32
      scf.for %parallel_loop3A_129 = %parallel_loop3A_104 to %shift_right_logical3A_35 step %parallel_loop3A_105  : i32 {
        %parallel_loop3A_130 = vector.broadcast %shift_right_logical3A_35 : i32 to vector<16xi32>
        %parallel_loop3A_131 = arith.muli %iota3A, %parallel_loop3A_130 : vector<16xi32>
        %parallel_loop3A_132 = vector.broadcast %parallel_loop3A_129 : i32 to vector<16xi32>
        %parallel_loop3A_133 = arith.addi %parallel_loop3A_131, %parallel_loop3A_132 : vector<16xi32>
        %parallel_loop3A_134 = tpu.vector_load_idx %arg8[%parallel_loop3A_133] : memref<8208xi32, #tpu.memory_space<vmem>>[vector<16xi32>], vector<16xi32>,
        %parallel_loop3A_135 = arith.constant 24 : i32
        %parallel_loop3A_136 = vector.broadcast %parallel_loop3A_135 : i32 to vector<16xi32>
        %parallel_loop3A_137 = arith.shrui %parallel_loop3A_134, %parallel_loop3A_136 : vector<16xi32>
        %parallel_loop3A_138 = arith.constant 255 : i32
        %parallel_loop3A_139 = vector.broadcast %parallel_loop3A_138 : i32 to vector<16xi32>
        %parallel_loop3A_140 = arith.andi %parallel_loop3A_137, %parallel_loop3A_139 : vector<16xi32>
        %parallel_loop3A_141 = arith.constant 16 : i32
        %parallel_loop3A_142 = vector.broadcast %parallel_loop3A_141 : i32 to vector<16xi32>
        %parallel_loop3A_143 = arith.muli %parallel_loop3A_140, %parallel_loop3A_142 : vector<16xi32>
        %parallel_loop3A_144 = arith.addi %parallel_loop3A_143, %iota3A : vector<16xi32>
        tpu.vector_store_idx %arg10[%parallel_loop3A_144], %broadcast_in_dim3A_1 {add = true} : memref<4096xi32, #tpu.memory_space<vmem>>[vector<16xi32>], vector<16xi32>,
      } {sc.loop_unroll_factor = 1 : i64, sc.parallel_access}
      %scan3A_106 = arith.constant 0 : i32
      %scan3A_107 = arith.constant 0 : i32
      %scan3A_108 = arith.constant 32 : i32
      %scan3A_109 = arith.addi %scan3A_107, %scan3A_108 : i32
      %scan3A_110 = arith.constant 1 : i32
      %scan3A_111 = scf.for %scan3A_129 = %scan3A_107 to %scan3A_109 step %scan3A_110 iter_args(%scan3A_130 = %scan3A_106) -> (i32)  : i32 {
        %mul3A_131 = arith.constant 8 : i32
        %mul3A_132 = arith.muli %scan3A_129, %mul3A_131 : i32
        %add3A_133 = arith.constant 0 : i32
        %add3A_134 = arith.addi %mul3A_132, %add3A_133 : i32
        %mul3A_135 = arith.constant 16 : i32
        %mul3A_136 = arith.muli %add3A_134, %mul3A_135 : i32
        %get3A = arith.index_cast %mul3A_136 : i32 to index
        %get3A_137 = tpu.vector_load %arg10[%get3A] {strides = array<i32>} : memref<4096xi32, #tpu.memory_space<vmem>>, vector<16xi32>,
        %broadcast_in_dim3A_138 = arith.constant true
        %broadcast_in_dim3A_139 = vector.broadcast %broadcast_in_dim3A_138 : i1 to vector<16xi1>
        %masked_cumsum3A = tpu.scan <sum>, %get3A_137 masked %broadcast_in_dim3A_139 : vector<16xi32>, vector<16xi1> -> vector<16xi32>
        %sub3A = arith.subi %masked_cumsum3A, %get3A_137 : vector<16xi32>
        %add3A_140 = vector.broadcast %scan3A_130 : i32 to vector<16xi32>
        %add3A_141 = arith.addi %sub3A, %add3A_140 : vector<16xi32>
        %swap3A_142 = arith.index_cast %mul3A_136 : i32 to index
        %swap3A_143 = tpu.vector_load %arg10[%swap3A_142] {strides = array<i32>} : memref<4096xi32, #tpu.memory_space<vmem>>, vector<16xi32>,
        tpu.vector_store %arg10[%swap3A_142], %add3A_141 {strides = array<i32>} : memref<4096xi32, #tpu.memory_space<vmem>>, vector<16xi32>,
        %reduce_sum3A = arith.constant true
        %reduce_sum3A_144 = vector.broadcast %reduce_sum3A : i1 to vector<16xi1>
        %reduce_sum3A_145 = tpu.scan <sum>, %get3A_137 masked %reduce_sum3A_144 : vector<16xi32>, vector<16xi1> -> vector<16xi32>
        %reduce_sum3A_146 = vector.extract %reduce_sum3A_145[15] : i32 from vector<16xi32>
        %add3A_147 = arith.addi %scan3A_130, %reduce_sum3A_146 : i32
        %mul3A_148 = arith.constant 8 : i32
        %mul3A_149 = arith.muli %scan3A_129, %mul3A_148 : i32
        %add3A_150 = arith.constant 1 : i32
        %add3A_151 = arith.addi %mul3A_149, %add3A_150 : i32
        %mul3A_152 = arith.constant 16 : i32
        %mul3A_153 = arith.muli %add3A_151, %mul3A_152 : i32
        %get3A_154 = arith.index_cast %mul3A_153 : i32 to index
        %get3A_155 = tpu.vector_load %arg10[%get3A_154] {strides = array<i32>} : memref<4096xi32, #tpu.memory_space<vmem>>, vector<16xi32>,
        %broadcast_in_dim3A_156 = arith.constant true
        %broadcast_in_dim3A_157 = vector.broadcast %broadcast_in_dim3A_156 : i1 to vector<16xi1>
        %masked_cumsum3A_158 = tpu.scan <sum>, %get3A_155 masked %broadcast_in_dim3A_157 : vector<16xi32>, vector<16xi1> -> vector<16xi32>
        %sub3A_159 = arith.subi %masked_cumsum3A_158, %get3A_155 : vector<16xi32>
        %add3A_160 = vector.broadcast %add3A_147 : i32 to vector<16xi32>
        %add3A_161 = arith.addi %sub3A_159, %add3A_160 : vector<16xi32>
        %swap3A_162 = arith.index_cast %mul3A_153 : i32 to index
        %swap3A_163 = tpu.vector_load %arg10[%swap3A_162] {strides = array<i32>} : memref<4096xi32, #tpu.memory_space<vmem>>, vector<16xi32>,
        tpu.vector_store %arg10[%swap3A_162], %add3A_161 {strides = array<i32>} : memref<4096xi32, #tpu.memory_space<vmem>>, vector<16xi32>,
        %reduce_sum3A_164 = arith.constant true
        %reduce_sum3A_165 = vector.broadcast %reduce_sum3A_164 : i1 to vector<16xi1>
        %reduce_sum3A_166 = tpu.scan <sum>, %get3A_155 masked %reduce_sum3A_165 : vector<16xi32>, vector<16xi1> -> vector<16xi32>
        %reduce_sum3A_167 = vector.extract %reduce_sum3A_166[15] : i32 from vector<16xi32>
        %add3A_168 = arith.addi %add3A_147, %reduce_sum3A_167 : i32
        %mul3A_169 = arith.constant 8 : i32
        %mul3A_170 = arith.muli %scan3A_129, %mul3A_169 : i32
        %add3A_171 = arith.constant 2 : i32
        %add3A_172 = arith.addi %mul3A_170, %add3A_171 : i32
        %mul3A_173 = arith.constant 16 : i32
        %mul3A_174 = arith.muli %add3A_172, %mul3A_173 : i32
        %get3A_175 = arith.index_cast %mul3A_174 : i32 to index
        %get3A_176 = tpu.vector_load %arg10[%get3A_175] {strides = array<i32>} : memref<4096xi32, #tpu.memory_space<vmem>>, vector<16xi32>,
        %broadcast_in_dim3A_177 = arith.constant true
        %broadcast_in_dim3A_178 = vector.broadcast %broadcast_in_dim3A_177 : i1 to vector<16xi1>
        %masked_cumsum3A_179 = tpu.scan <sum>, %get3A_176 masked %broadcast_in_dim3A_178 : vector<16xi32>, vector<16xi1> -> vector<16xi32>
        %sub3A_180 = arith.subi %masked_cumsum3A_179, %get3A_176 : vector<16xi32>
        %add3A_181 = vector.broadcast %add3A_168 : i32 to vector<16xi32>
        %add3A_182 = arith.addi %sub3A_180, %add3A_181 : vector<16xi32>
        %swap3A_183 = arith.index_cast %mul3A_174 : i32 to index
        %swap3A_184 = tpu.vector_load %arg10[%swap3A_183] {strides = array<i32>} : memref<4096xi32, #tpu.memory_space<vmem>>, vector<16xi32>,
        tpu.vector_store %arg10[%swap3A_183], %add3A_182 {strides = array<i32>} : memref<4096xi32, #tpu.memory_space<vmem>>, vector<16xi32>,
        %reduce_sum3A_185 = arith.constant true
        %reduce_sum3A_186 = vector.broadcast %reduce_sum3A_185 : i1 to vector<16xi1>
        %reduce_sum3A_187 = tpu.scan <sum>, %get3A_176 masked %reduce_sum3A_186 : vector<16xi32>, vector<16xi1> -> vector<16xi32>
        %reduce_sum3A_188 = vector.extract %reduce_sum3A_187[15] : i32 from vector<16xi32>
        %add3A_189 = arith.addi %add3A_168, %reduce_sum3A_188 : i32
        %mul3A_190 = arith.constant 8 : i32
        %mul3A_191 = arith.muli %scan3A_129, %mul3A_190 : i32
        %add3A_192 = arith.constant 3 : i32
        %add3A_193 = arith.addi %mul3A_191, %add3A_192 : i32
        %mul3A_194 = arith.constant 16 : i32
        %mul3A_195 = arith.muli %add3A_193, %mul3A_194 : i32
        %get3A_196 = arith.index_cast %mul3A_195 : i32 to index
        %get3A_197 = tpu.vector_load %arg10[%get3A_196] {strides = array<i32>} : memref<4096xi32, #tpu.memory_space<vmem>>, vector<16xi32>,
        %broadcast_in_dim3A_198 = arith.constant true
        %broadcast_in_dim3A_199 = vector.broadcast %broadcast_in_dim3A_198 : i1 to vector<16xi1>
        %masked_cumsum3A_200 = tpu.scan <sum>, %get3A_197 masked %broadcast_in_dim3A_199 : vector<16xi32>, vector<16xi1> -> vector<16xi32>
        %sub3A_201 = arith.subi %masked_cumsum3A_200, %get3A_197 : vector<16xi32>
        %add3A_202 = vector.broadcast %add3A_189 : i32 to vector<16xi32>
        %add3A_203 = arith.addi %sub3A_201, %add3A_202 : vector<16xi32>
        %swap3A_204 = arith.index_cast %mul3A_195 : i32 to index
        %swap3A_205 = tpu.vector_load %arg10[%swap3A_204] {strides = array<i32>} : memref<4096xi32, #tpu.memory_space<vmem>>, vector<16xi32>,
        tpu.vector_store %arg10[%swap3A_204], %add3A_203 {strides = array<i32>} : memref<4096xi32, #tpu.memory_space<vmem>>, vector<16xi32>,
        %reduce_sum3A_206 = arith.constant true
        %reduce_sum3A_207 = vector.broadcast %reduce_sum3A_206 : i1 to vector<16xi1>
        %reduce_sum3A_208 = tpu.scan <sum>, %get3A_197 masked %reduce_sum3A_207 : vector<16xi32>, vector<16xi1> -> vector<16xi32>
        %reduce_sum3A_209 = vector.extract %reduce_sum3A_208[15] : i32 from vector<16xi32>
        %add3A_210 = arith.addi %add3A_189, %reduce_sum3A_209 : i32
        %mul3A_211 = arith.constant 8 : i32
        %mul3A_212 = arith.muli %scan3A_129, %mul3A_211 : i32
        %add3A_213 = arith.constant 4 : i32
        %add3A_214 = arith.addi %mul3A_212, %add3A_213 : i32
        %mul3A_215 = arith.constant 16 : i32
        %mul3A_216 = arith.muli %add3A_214, %mul3A_215 : i32
        %get3A_217 = arith.index_cast %mul3A_216 : i32 to index
        %get3A_218 = tpu.vector_load %arg10[%get3A_217] {strides = array<i32>} : memref<4096xi32, #tpu.memory_space<vmem>>, vector<16xi32>,
        %broadcast_in_dim3A_219 = arith.constant true
        %broadcast_in_dim3A_220 = vector.broadcast %broadcast_in_dim3A_219 : i1 to vector<16xi1>
        %masked_cumsum3A_221 = tpu.scan <sum>, %get3A_218 masked %broadcast_in_dim3A_220 : vector<16xi32>, vector<16xi1> -> vector<16xi32>
        %sub3A_222 = arith.subi %masked_cumsum3A_221, %get3A_218 : vector<16xi32>
        %add3A_223 = vector.broadcast %add3A_210 : i32 to vector<16xi32>
        %add3A_224 = arith.addi %sub3A_222, %add3A_223 : vector<16xi32>
        %swap3A_225 = arith.index_cast %mul3A_216 : i32 to index
        %swap3A_226 = tpu.vector_load %arg10[%swap3A_225] {strides = array<i32>} : memref<4096xi32, #tpu.memory_space<vmem>>, vector<16xi32>,
        tpu.vector_store %arg10[%swap3A_225], %add3A_224 {strides = array<i32>} : memref<4096xi32, #tpu.memory_space<vmem>>, vector<16xi32>,
        %reduce_sum3A_227 = arith.constant true
        %reduce_sum3A_228 = vector.broadcast %reduce_sum3A_227 : i1 to vector<16xi1>
        %reduce_sum3A_229 = tpu.scan <sum>, %get3A_218 masked %reduce_sum3A_228 : vector<16xi32>, vector<16xi1> -> vector<16xi32>
        %reduce_sum3A_230 = vector.extract %reduce_sum3A_229[15] : i32 from vector<16xi32>
        %add3A_231 = arith.addi %add3A_210, %reduce_sum3A_230 : i32
        %mul3A_232 = arith.constant 8 : i32
        %mul3A_233 = arith.muli %scan3A_129, %mul3A_232 : i32
        %add3A_234 = arith.constant 5 : i32
        %add3A_235 = arith.addi %mul3A_233, %add3A_234 : i32
        %mul3A_236 = arith.constant 16 : i32
        %mul3A_237 = arith.muli %add3A_235, %mul3A_236 : i32
        %get3A_238 = arith.index_cast %mul3A_237 : i32 to index
        %get3A_239 = tpu.vector_load %arg10[%get3A_238] {strides = array<i32>} : memref<4096xi32, #tpu.memory_space<vmem>>, vector<16xi32>,
        %broadcast_in_dim3A_240 = arith.constant true
        %broadcast_in_dim3A_241 = vector.broadcast %broadcast_in_dim3A_240 : i1 to vector<16xi1>
        %masked_cumsum3A_242 = tpu.scan <sum>, %get3A_239 masked %broadcast_in_dim3A_241 : vector<16xi32>, vector<16xi1> -> vector<16xi32>
        %sub3A_243 = arith.subi %masked_cumsum3A_242, %get3A_239 : vector<16xi32>
        %add3A_244 = vector.broadcast %add3A_231 : i32 to vector<16xi32>
        %add3A_245 = arith.addi %sub3A_243, %add3A_244 : vector<16xi32>
        %swap3A_246 = arith.index_cast %mul3A_237 : i32 to index
        %swap3A_247 = tpu.vector_load %arg10[%swap3A_246] {strides = array<i32>} : memref<4096xi32, #tpu.memory_space<vmem>>, vector<16xi32>,
        tpu.vector_store %arg10[%swap3A_246], %add3A_245 {strides = array<i32>} : memref<4096xi32, #tpu.memory_space<vmem>>, vector<16xi32>,
        %reduce_sum3A_248 = arith.constant true
        %reduce_sum3A_249 = vector.broadcast %reduce_sum3A_248 : i1 to vector<16xi1>
        %reduce_sum3A_250 = tpu.scan <sum>, %get3A_239 masked %reduce_sum3A_249 : vector<16xi32>, vector<16xi1> -> vector<16xi32>
        %reduce_sum3A_251 = vector.extract %reduce_sum3A_250[15] : i32 from vector<16xi32>
        %add3A_252 = arith.addi %add3A_231, %reduce_sum3A_251 : i32
        %mul3A_253 = arith.constant 8 : i32
        %mul3A_254 = arith.muli %scan3A_129, %mul3A_253 : i32
        %add3A_255 = arith.constant 6 : i32
        %add3A_256 = arith.addi %mul3A_254, %add3A_255 : i32
        %mul3A_257 = arith.constant 16 : i32
        %mul3A_258 = arith.muli %add3A_256, %mul3A_257 : i32
        %get3A_259 = arith.index_cast %mul3A_258 : i32 to index
        %get3A_260 = tpu.vector_load %arg10[%get3A_259] {strides = array<i32>} : memref<4096xi32, #tpu.memory_space<vmem>>, vector<16xi32>,
        %broadcast_in_dim3A_261 = arith.constant true
        %broadcast_in_dim3A_262 = vector.broadcast %broadcast_in_dim3A_261 : i1 to vector<16xi1>
        %masked_cumsum3A_263 = tpu.scan <sum>, %get3A_260 masked %broadcast_in_dim3A_262 : vector<16xi32>, vector<16xi1> -> vector<16xi32>
        %sub3A_264 = arith.subi %masked_cumsum3A_263, %get3A_260 : vector<16xi32>
        %add3A_265 = vector.broadcast %add3A_252 : i32 to vector<16xi32>
        %add3A_266 = arith.addi %sub3A_264, %add3A_265 : vector<16xi32>
        %swap3A_267 = arith.index_cast %mul3A_258 : i32 to index
        %swap3A_268 = tpu.vector_load %arg10[%swap3A_267] {strides = array<i32>} : memref<4096xi32, #tpu.memory_space<vmem>>, vector<16xi32>,
        tpu.vector_store %arg10[%swap3A_267], %add3A_266 {strides = array<i32>} : memref<4096xi32, #tpu.memory_space<vmem>>, vector<16xi32>,
        %reduce_sum3A_269 = arith.constant true
        %reduce_sum3A_270 = vector.broadcast %reduce_sum3A_269 : i1 to vector<16xi1>
        %reduce_sum3A_271 = tpu.scan <sum>, %get3A_260 masked %reduce_sum3A_270 : vector<16xi32>, vector<16xi1> -> vector<16xi32>
        %reduce_sum3A_272 = vector.extract %reduce_sum3A_271[15] : i32 from vector<16xi32>
        %add3A_273 = arith.addi %add3A_252, %reduce_sum3A_272 : i32
        %mul3A_274 = arith.constant 8 : i32
        %mul3A_275 = arith.muli %scan3A_129, %mul3A_274 : i32
        %add3A_276 = arith.constant 7 : i32
        %add3A_277 = arith.addi %mul3A_275, %add3A_276 : i32
        %mul3A_278 = arith.constant 16 : i32
        %mul3A_279 = arith.muli %add3A_277, %mul3A_278 : i32
        %get3A_280 = arith.index_cast %mul3A_279 : i32 to index
        %get3A_281 = tpu.vector_load %arg10[%get3A_280] {strides = array<i32>} : memref<4096xi32, #tpu.memory_space<vmem>>, vector<16xi32>,
        %broadcast_in_dim3A_282 = arith.constant true
        %broadcast_in_dim3A_283 = vector.broadcast %broadcast_in_dim3A_282 : i1 to vector<16xi1>
        %masked_cumsum3A_284 = tpu.scan <sum>, %get3A_281 masked %broadcast_in_dim3A_283 : vector<16xi32>, vector<16xi1> -> vector<16xi32>
        %sub3A_285 = arith.subi %masked_cumsum3A_284, %get3A_281 : vector<16xi32>
        %add3A_286 = vector.broadcast %add3A_273 : i32 to vector<16xi32>
        %add3A_287 = arith.addi %sub3A_285, %add3A_286 : vector<16xi32>
        %swap3A_288 = arith.index_cast %mul3A_279 : i32 to index
        %swap3A_289 = tpu.vector_load %arg10[%swap3A_288] {strides = array<i32>} : memref<4096xi32, #tpu.memory_space<vmem>>, vector<16xi32>,
        tpu.vector_store %arg10[%swap3A_288], %add3A_287 {strides = array<i32>} : memref<4096xi32, #tpu.memory_space<vmem>>, vector<16xi32>,
        %reduce_sum3A_290 = arith.constant true
        %reduce_sum3A_291 = vector.broadcast %reduce_sum3A_290 : i1 to vector<16xi1>
        %reduce_sum3A_292 = tpu.scan <sum>, %get3A_281 masked %reduce_sum3A_291 : vector<16xi32>, vector<16xi1> -> vector<16xi32>
        %reduce_sum3A_293 = vector.extract %reduce_sum3A_292[15] : i32 from vector<16xi32>
        %add3A_294 = arith.addi %add3A_273, %reduce_sum3A_293 : i32
        scf.yield %add3A_294 : i32
      }
      %scan3A_112 = arith.constant 32 : i32
      %while3A_113 = arith.constant 0 : i32
      %while3A_114 = arith.constant 0 : i32
      %while3A_115 = arith.subi %shift_right_logical3A_35, %while3A_114 : i32
      %while3A_116 = arith.addi %while3A_114, %while3A_115 : i32
      %while3A_117 = arith.constant 1 : i32
      %while3A_118 = arith.divsi %while3A_115, %while3A_117 : i32
      %while3A_119 = arith.muli %while3A_118, %while3A_117 : i32
      %while3A_120 = arith.addi %while3A_114, %while3A_119 : i32
      %while3A_121 = arith.constant 1 : i32
      scf.for %while3A_129 = %while3A_114 to %while3A_120 step %while3A_121  : i32 {
        %mul3A_130 = vector.broadcast %shift_right_logical3A_35 : i32 to vector<16xi32>
        %mul3A_131 = arith.muli %iota3A, %mul3A_130 : vector<16xi32>
        %add3A_132 = vector.broadcast %while3A_129 : i32 to vector<16xi32>
        %add3A_133 = arith.addi %mul3A_131, %add3A_132 : vector<16xi32>
        %gather3A = tpu.vector_load_idx %arg8[%add3A_133] : memref<8208xi32, #tpu.memory_space<vmem>>[vector<16xi32>], vector<16xi32>,
        %gather3A_134 = tpu.vector_load_idx %arg9[%add3A_133] : memref<8208xi32, #tpu.memory_space<vmem>>[vector<16xi32>], vector<16xi32>,
        %shift_right_logical3A_135 = arith.constant 24 : i32
        %shift_right_logical3A_136 = vector.broadcast %shift_right_logical3A_135 : i32 to vector<16xi32>
        %shift_right_logical3A_137 = arith.shrui %gather3A, %shift_right_logical3A_136 : vector<16xi32>
        %and3A = arith.constant 255 : i32
        %and3A_138 = vector.broadcast %and3A : i32 to vector<16xi32>
        %and3A_139 = arith.andi %shift_right_logical3A_137, %and3A_138 : vector<16xi32>
        %mul3A_140 = arith.constant 16 : i32
        %mul3A_141 = vector.broadcast %mul3A_140 : i32 to vector<16xi32>
        %mul3A_142 = arith.muli %and3A_139, %mul3A_141 : vector<16xi32>
        %add3A_143 = arith.addi %mul3A_142, %iota3A : vector<16xi32>
        %gather3A_144 = tpu.vector_load_idx %arg10[%add3A_143] : memref<4096xi32, #tpu.memory_space<vmem>>[vector<16xi32>], vector<16xi32>,
        tpu.vector_store_idx %arg6[%gather3A_144], %gather3A : memref<8208xi32, #tpu.memory_space<vmem>>[vector<16xi32>], vector<16xi32>,
        tpu.vector_store_idx %arg7[%gather3A_144], %gather3A_134 : memref<8208xi32, #tpu.memory_space<vmem>>[vector<16xi32>], vector<16xi32>,
        tpu.vector_store_idx %arg10[%add3A_143], %broadcast_in_dim3A_1 {add = true} : memref<4096xi32, #tpu.memory_space<vmem>>[vector<16xi32>], vector<16xi32>,
      }
      %while3A_122 = arith.constant 1 : i32
      scf.for %while3A_129 = %while3A_120 to %while3A_116 step %while3A_122  : i32 {
        %mul3A_130 = vector.broadcast %shift_right_logical3A_35 : i32 to vector<16xi32>
        %mul3A_131 = arith.muli %iota3A, %mul3A_130 : vector<16xi32>
        %add3A_132 = vector.broadcast %while3A_129 : i32 to vector<16xi32>
        %add3A_133 = arith.addi %mul3A_131, %add3A_132 : vector<16xi32>
        %gather3A = tpu.vector_load_idx %arg8[%add3A_133] : memref<8208xi32, #tpu.memory_space<vmem>>[vector<16xi32>], vector<16xi32>,
        %gather3A_134 = tpu.vector_load_idx %arg9[%add3A_133] : memref<8208xi32, #tpu.memory_space<vmem>>[vector<16xi32>], vector<16xi32>,
        %shift_right_logical3A_135 = arith.constant 24 : i32
        %shift_right_logical3A_136 = vector.broadcast %shift_right_logical3A_135 : i32 to vector<16xi32>
        %shift_right_logical3A_137 = arith.shrui %gather3A, %shift_right_logical3A_136 : vector<16xi32>
        %and3A = arith.constant 255 : i32
        %and3A_138 = vector.broadcast %and3A : i32 to vector<16xi32>
        %and3A_139 = arith.andi %shift_right_logical3A_137, %and3A_138 : vector<16xi32>
        %mul3A_140 = arith.constant 16 : i32
        %mul3A_141 = vector.broadcast %mul3A_140 : i32 to vector<16xi32>
        %mul3A_142 = arith.muli %and3A_139, %mul3A_141 : vector<16xi32>
        %add3A_143 = arith.addi %mul3A_142, %iota3A : vector<16xi32>
        %gather3A_144 = tpu.vector_load_idx %arg10[%add3A_143] : memref<4096xi32, #tpu.memory_space<vmem>>[vector<16xi32>], vector<16xi32>,
        tpu.vector_store_idx %arg6[%gather3A_144], %gather3A : memref<8208xi32, #tpu.memory_space<vmem>>[vector<16xi32>], vector<16xi32>,
        tpu.vector_store_idx %arg7[%gather3A_144], %gather3A_134 : memref<8208xi32, #tpu.memory_space<vmem>>[vector<16xi32>], vector<16xi32>,
        tpu.vector_store_idx %arg10[%add3A_143], %broadcast_in_dim3A_1 {add = true} : memref<4096xi32, #tpu.memory_space<vmem>>[vector<16xi32>], vector<16xi32>,
      }
      "tpu.region"() ({
        %run_scoped3A = tpu.sem_alloc : memref<!tpu.dma_semaphore, #tpu.memory_space<semaphore_mem>>
        %dma_start3A = arith.constant 0 : i32
        %dma_start3A_129 = tpu.memref_slice %arg7[%dma_start3A] : memref<8208xi32, #tpu.memory_space<vmem>> -> memref<1024xi32, #tpu.memory_space<vmem>>
        %dma_start3A_130 = arith.constant 0 : i32
        %dma_start3A_131 = tpu.memref_slice %arg3[%add3A, %dma_start3A_130] : memref<4x1024xi32, #tpu.memory_space<hbm>> -> memref<1x1024xi32, #tpu.memory_space<hbm>>
        %dma_start3A_132 = tpu.memref_squeeze %dma_start3A_131 : memref<1x1024xi32, #tpu.memory_space<hbm>> -> memref<1024xi32, #tpu.memory_space<hbm>>
        %dma_start3A_133 = arith.constant 0 : i32
        %dma_start3A_134 = tpu.memref_slice %arg3[%add3A, %dma_start3A_133] : memref<4x1024xi32, #tpu.memory_space<hbm>> -> memref<1x1024xi32, #tpu.memory_space<hbm>>
        %dma_start3A_135 = tpu.memref_squeeze %dma_start3A_134 : memref<1x1024xi32, #tpu.memory_space<hbm>> -> memref<1024xi32, #tpu.memory_space<hbm>>
        %dma_start3A_136 = arith.constant 0 : i32
        %dma_start3A_137 = tpu.memref_slice %arg7[%dma_start3A_136] : memref<8208xi32, #tpu.memory_space<vmem>> -> memref<1024xi32, #tpu.memory_space<vmem>>
        tpu.enqueue_dma source(%dma_start3A_137 : memref<1024xi32, #tpu.memory_space<vmem>>) target(%dma_start3A_135 : memref<1024xi32, #tpu.memory_space<hbm>>) target_semaphore(%run_scoped3A : memref<!tpu.dma_semaphore, #tpu.memory_space<semaphore_mem>>)
        %dma_wait3A = arith.constant 0 : i32
        %dma_wait3A_138 = tpu.memref_slice %arg7[%dma_wait3A] : memref<8208xi32, #tpu.memory_space<vmem>> -> memref<1024xi32, #tpu.memory_space<vmem>>
        %dma_wait3A_139 = arith.constant 0 : i32
        %dma_wait3A_140 = tpu.memref_slice %arg3[%add3A, %dma_wait3A_139] : memref<4x1024xi32, #tpu.memory_space<hbm>> -> memref<1x1024xi32, #tpu.memory_space<hbm>>
        %dma_wait3A_141 = tpu.memref_squeeze %dma_wait3A_140 : memref<1x1024xi32, #tpu.memory_space<hbm>> -> memref<1024xi32, #tpu.memory_space<hbm>>
        %dma_wait3A_142 = arith.constant 0 : i32
        %dma_wait3A_143 = tpu.memref_slice %arg3[%add3A, %dma_wait3A_142] : memref<4x1024xi32, #tpu.memory_space<hbm>> -> memref<1x1024xi32, #tpu.memory_space<hbm>>
        %dma_wait3A_144 = tpu.memref_squeeze %dma_wait3A_143 : memref<1x1024xi32, #tpu.memory_space<hbm>> -> memref<1024xi32, #tpu.memory_space<hbm>>
        %dma_wait3A_145 = arith.constant 0 : i32
        %dma_wait3A_146 = tpu.memref_slice %arg7[%dma_wait3A_145] : memref<8208xi32, #tpu.memory_space<vmem>> -> memref<1024xi32, #tpu.memory_space<vmem>>
        tpu.wait_dma2 semaphore(%run_scoped3A : memref<!tpu.dma_semaphore, #tpu.memory_space<semaphore_mem>>) src(%dma_wait3A_146 : memref<1024xi32, #tpu.memory_space<vmem>>) dst(%dma_wait3A_144 : memref<1024xi32, #tpu.memory_space<hbm>>)
        tpu.yield
      }) : () -> ()
      %parallel_loop3A_123 = arith.constant 0 : i32
      %parallel_loop3A_124 = arith.constant 512 : i32
      %parallel_loop3A_125 = arith.constant 1 : i32
      scf.for %parallel_loop3A_129 = %parallel_loop3A_123 to %parallel_loop3A_124 step %parallel_loop3A_125  : i32 {
        %parallel_loop3A_130 = arith.constant 0.000000e+00 : f32
        %parallel_loop3A_131 = vector.broadcast %parallel_loop3A_130 : f32 to vector<16xf32>
        %parallel_loop3A_132 = arith.constant 16 : i32
        %parallel_loop3A_133 = arith.muli %parallel_loop3A_129, %parallel_loop3A_132 : i32
        %parallel_loop3A_134 = arith.index_cast %parallel_loop3A_133 : i32 to index
        %parallel_loop3A_135 = tpu.vector_load %arg11[%parallel_loop3A_134] {strides = array<i32>} : memref<8192xf32, #tpu.memory_space<vmem>>, vector<16xf32>,
        tpu.vector_store %arg11[%parallel_loop3A_134], %parallel_loop3A_131 {strides = array<i32>} : memref<8192xf32, #tpu.memory_space<vmem>>, vector<16xf32>,
      } {sc.loop_unroll_factor = 8 : i64, sc.parallel_access}
      %parallel_loop3A_126 = arith.constant 0 : i32
      %parallel_loop3A_127 = arith.constant 64 : i32
      %parallel_loop3A_128 = arith.constant 1 : i32
      scf.for %parallel_loop3A_129 = %parallel_loop3A_126 to %parallel_loop3A_127 step %parallel_loop3A_128  : i32 {
        %parallel_loop3A_130 = arith.constant 16 : i32
        %parallel_loop3A_131 = arith.muli %parallel_loop3A_129, %parallel_loop3A_130 : i32
        %parallel_loop3A_132 = arith.index_cast %parallel_loop3A_131 : i32 to index
        %parallel_loop3A_133 = tpu.vector_load %arg7[%parallel_loop3A_132] {strides = array<i32>} : memref<8208xi32, #tpu.memory_space<vmem>>, vector<16xi32>,
        tpu.vector_store_idx %arg11[%parallel_loop3A_133], %broadcast_in_dim3A_3 : memref<8192xf32, #tpu.memory_space<vmem>>[vector<16xi32>], vector<16xf32>,
      } {sc.loop_unroll_factor = 8 : i64, sc.parallel_access}
      "tpu.region"() ({
        %run_scoped3A = tpu.sem_alloc : memref<!tpu.dma_semaphore, #tpu.memory_space<semaphore_mem>>
        %dma_start3A = arith.constant 0 : i32
        %dma_start3A_129 = tpu.memref_slice %arg4[%add3A, %dma_start3A] : memref<4x8192xf32, #tpu.memory_space<hbm>> -> memref<1x8192xf32, #tpu.memory_space<hbm>>
        %dma_start3A_130 = tpu.memref_squeeze %dma_start3A_129 : memref<1x8192xf32, #tpu.memory_space<hbm>> -> memref<8192xf32, #tpu.memory_space<hbm>>
        %dma_start3A_131 = arith.constant 0 : i32
        %dma_start3A_132 = tpu.memref_slice %arg4[%add3A, %dma_start3A_131] : memref<4x8192xf32, #tpu.memory_space<hbm>> -> memref<1x8192xf32, #tpu.memory_space<hbm>>
        %dma_start3A_133 = tpu.memref_squeeze %dma_start3A_132 : memref<1x8192xf32, #tpu.memory_space<hbm>> -> memref<8192xf32, #tpu.memory_space<hbm>>
        tpu.enqueue_dma source(%arg11 : memref<8192xf32, #tpu.memory_space<vmem>>) target(%dma_start3A_133 : memref<8192xf32, #tpu.memory_space<hbm>>) target_semaphore(%run_scoped3A : memref<!tpu.dma_semaphore, #tpu.memory_space<semaphore_mem>>)
        %dma_wait3A = arith.constant 0 : i32
        %dma_wait3A_134 = tpu.memref_slice %arg4[%add3A, %dma_wait3A] : memref<4x8192xf32, #tpu.memory_space<hbm>> -> memref<1x8192xf32, #tpu.memory_space<hbm>>
        %dma_wait3A_135 = tpu.memref_squeeze %dma_wait3A_134 : memref<1x8192xf32, #tpu.memory_space<hbm>> -> memref<8192xf32, #tpu.memory_space<hbm>>
        %dma_wait3A_136 = arith.constant 0 : i32
        %dma_wait3A_137 = tpu.memref_slice %arg4[%add3A, %dma_wait3A_136] : memref<4x8192xf32, #tpu.memory_space<hbm>> -> memref<1x8192xf32, #tpu.memory_space<hbm>>
        %dma_wait3A_138 = tpu.memref_squeeze %dma_wait3A_137 : memref<1x8192xf32, #tpu.memory_space<hbm>> -> memref<8192xf32, #tpu.memory_space<hbm>>
        tpu.wait_dma2 semaphore(%run_scoped3A : memref<!tpu.dma_semaphore, #tpu.memory_space<semaphore_mem>>) src(%arg11 : memref<8192xf32, #tpu.memory_space<vmem>>) dst(%dma_wait3A_138 : memref<8192xf32, #tpu.memory_space<hbm>>)
        tpu.yield
      }) : () -> ()
    } else {
    }
    return
  }
}

module attributes {stable_mosaic.version = 14 : i64} {
  func.func @body(%arg0: i32, %arg1: memref<4096x768xf32, #tpu.memory_space<vmem>>, %arg2: memref<1x768xf32, #tpu.memory_space<vmem>>, %arg3: memref<1x4096xf32, #tpu.memory_space<vmem>>, %arg4: memref<1x4096xf32, #tpu.memory_space<vmem>>, %arg5: memref<1x4096xf32, #tpu.memory_space<vmem>>) attributes {dimension_semantics = [#tpu.dimension_semantics<arbitrary>], iteration_bounds = array<i64: 8>, scalar_prefetch = 0 : i64, scratch_operands = 2 : i64, tpu.core_type = #tpu.core_type<tc>, window_params = [{transform_indices = @transform_0, window_bounds = array<i64: 4096, 768>}, {pipeline_mode = #tpu.pipeline_mode<synchronous>, transform_indices = @transform_1, window_bounds = array<i64: 1, 768>}, {transform_indices = @transform_2, window_bounds = array<i64: 1, 4096>}]} {
    %get3A = arith.constant 0 : index
    %get3A_0 = arith.constant 0 : index
    %get3A_1 = vector.load %arg1[%get3A, %get3A_0] : memref<4096x768xf32, #tpu.memory_space<vmem>>, vector<4096x768xf32>
    %convert_element_type3A = arith.truncf %get3A_1 : vector<4096x768xf32> to vector<4096x768xbf16>
    %get3A_2 = arith.constant 0 : index
    %get3A_3 = arith.constant 0 : index
    %get3A_4 = vector.load %arg2[%get3A_2, %get3A_3] : memref<1x768xf32, #tpu.memory_space<vmem>>, vector<1x768xf32>
    %convert_element_type3A_5 = arith.truncf %get3A_4 : vector<1x768xf32> to vector<1x768xbf16>
    %slice3A = vector.extract_strided_slice %convert_element_type3A_5 {offsets = [0, 0], sizes = [1, 384], strides = [1, 1]} : vector<1x768xbf16> to vector<1x384xbf16>
    %slice3A_6 = vector.extract_strided_slice %convert_element_type3A {offsets = [0, 0], sizes = [4096, 384], strides = [1, 1]} : vector<4096x768xbf16> to vector<4096x384xbf16>
    %dot_general3A = arith.constant dense<0.000000e+00> : vector<1x4096xf32>
    %dot_general3A_7 = tpu.matmul %slice3A, %slice3A_6, %dot_general3A {dimension_numbers = #tpu.dot_dimension_numbers<[1], [1], [0], [0], [0, 0, 1, 0], [], []>, transpose_lhs_hint = false} : vector<1x384xbf16>, vector<4096x384xbf16>, vector<1x4096xf32> -> vector<1x4096xf32>
    %swap3A = arith.constant 0 : index
    %swap3A_8 = arith.constant 0 : index
    %swap3A_9 = vector.load %arg4[%swap3A, %swap3A_8] : memref<1x4096xf32, #tpu.memory_space<vmem>>, vector<1x4096xf32>
    tpu.vector_store %arg4[%swap3A, %swap3A_8], %dot_general3A_7 {strides = array<i32>} : memref<1x4096xf32, #tpu.memory_space<vmem>>, vector<1x4096xf32>,
    %slice3A_10 = vector.extract_strided_slice %convert_element_type3A_5 {offsets = [0, 384], sizes = [1, 384], strides = [1, 1]} : vector<1x768xbf16> to vector<1x384xbf16>
    %slice3A_11 = vector.extract_strided_slice %convert_element_type3A {offsets = [0, 384], sizes = [4096, 384], strides = [1, 1]} : vector<4096x768xbf16> to vector<4096x384xbf16>
    %dot_general3A_12 = arith.constant dense<0.000000e+00> : vector<1x4096xf32>
    %dot_general3A_13 = tpu.matmul %slice3A_10, %slice3A_11, %dot_general3A_12 {dimension_numbers = #tpu.dot_dimension_numbers<[1], [1], [0], [0], [0, 0, 1, 0], [], []>, transpose_lhs_hint = false} : vector<1x384xbf16>, vector<4096x384xbf16>, vector<1x4096xf32> -> vector<1x4096xf32>
    %swap3A_14 = arith.constant 0 : index
    %swap3A_15 = arith.constant 0 : index
    %swap3A_16 = vector.load %arg5[%swap3A_14, %swap3A_15] : memref<1x4096xf32, #tpu.memory_space<vmem>>, vector<1x4096xf32>
    tpu.vector_store %arg5[%swap3A_14, %swap3A_15], %dot_general3A_13 {strides = array<i32>} : memref<1x4096xf32, #tpu.memory_space<vmem>>, vector<1x4096xf32>,
    %get3A_17 = arith.constant 0 : index
    %get3A_18 = arith.constant 0 : index
    %get3A_19 = vector.load %arg4[%get3A_17, %get3A_18] : memref<1x4096xf32, #tpu.memory_space<vmem>>, vector<1x4096xf32>
    %get3A_20 = arith.constant 0 : index
    %get3A_21 = arith.constant 0 : index
    %get3A_22 = vector.load %arg5[%get3A_20, %get3A_21] : memref<1x4096xf32, #tpu.memory_space<vmem>>, vector<1x4096xf32>
    %add3A = arith.addf %get3A_19, %get3A_22 : vector<1x4096xf32>
    %swap3A_23 = arith.constant 0 : index
    %swap3A_24 = arith.constant 0 : index
    %swap3A_25 = vector.load %arg3[%swap3A_23, %swap3A_24] : memref<1x4096xf32, #tpu.memory_space<vmem>>, vector<1x4096xf32>
    tpu.vector_store %arg3[%swap3A_23, %swap3A_24], %add3A {strides = array<i32>} : memref<1x4096xf32, #tpu.memory_space<vmem>>, vector<1x4096xf32>,
    return
  }
  func.func @transform_0(%arg0: i32) -> (i32, i32) {
    %c0_i32 = arith.constant 0 : i32
    %c0_i32_0 = arith.constant 0 : i32
    return %arg0, %c0_i32 : i32, i32
  }
  func.func @transform_1(%arg0: i32) -> (i32, i32) {
    %c0_i32 = arith.constant 0 : i32
    %c0_i32_0 = arith.constant 0 : i32
    %c0_i32_1 = arith.constant 0 : i32
    return %c0_i32, %c0_i32_0 : i32, i32
  }
  func.func @transform_2(%arg0: i32) -> (i32, i32) {
    %c0_i32 = arith.constant 0 : i32
    %c0_i32_0 = arith.constant 0 : i32
    return %c0_i32, %arg0 : i32, i32
  }
}

</mosaic_0001>

<sc_bundles>
// kernel: kernel.4.cloned.1.call-start
scs
__scs_entry_jumppad:
0x0: {  	(pc) =	sbr.rel $0x88, $3  }
0x1: {  	(tag) =	ssettag $0x0;
	lr =	simm.s32 $0x1  }
0x2: {  	[smem:$0x3F9F] =	sst lr;
	_ =	strace $0xD0000000  }
0x3: {  	_ = 	snop  }
0x4: {  	_ = 	snop  }
0x5: {  	_ = 	snop  }
0x6: {  	_ = 	snop  }
0x7: {  	_ = 	snop  }
__scs_overlays_trampoline_lowered:
0x8: {  	[smem:$0x3FAE] =	sst s0  }
0x9: {  	[smem:$0x3FAF] =	sst s1  }
0xa: {  	[smem:$0x3FB0] =	sst s2  }
0xb: {  	[smem:$0x3FB1] =	sst s3  }
0xc: {  	[smem:$0x3FB2] =	sst s4  }
0xd: {  	[smem:$0x3FB3] =	sst s5  }
0xe: {  	[smem:$0x3FB4] =	sst s6  }
0xf: {  	[smem:$0x3FB5] =	sst s7  }
0x10: {  	[smem:$0x3FB6] =	sst s8  }
0x11: {  	[smem:$0x3FB7] =	sst s9;
	s0 =	simm.s32 @!p0 $0x0  }
0x12: {  	s1 =	sld [smem:$0x3F9D];
	s0 =	simm.s32 @p0 $0x1  }
0x13: {  	[smem:$0x3FB8] =	sst s0;
	s0 =	simm.s32 @!p1 $0x0  }
0x14: {  	s2 =	sld [smem:$0x3F9C];
	s0 =	simm.s32 @p1 $0x1  }
0x15: {  	[smem:$0x3FB9] =	sst s0;
	s0 =	simm.s32 @!p2 $0x0  }
0x16: {  	s3 =	sld [smem:$0x3FDB];
	s0 =	simm.s32 @p2 $0x1  }
0x17: {  	s4 =	simm.s32 $0x1BF5;
	[smem:$0x3FBB] =	sst s0  }
0x18: {  	s0 =	sld [smem:$0x3F9E];
	_ =	swait.ge [sflag:s4], $0x0  }
0x19: {  	s7 =	sld [smem:$0x3F9F]  }
0x1a: {  	s8 =	sadd.s32 $0xFFFFE003, lr  }
0x1b: {  	s9 =	sadd.s32 $0xFFFFFEF7, lr;
	s5 =	simm.s32 $0xFFFFFFFF;
	p2 =	slt.u32 s8, $0xFFFFF086  }
0x1c: {  	p1 =	slt.u32 s9, $0xF7A;
	s5 =	simm.s32 @!p2 $0x0  }
0x1d: {  	s5 =	simm.s32 @p1 $0x1;
	p0 =	seq.s32 s7, s2  }
0x1e: {  	s7 =	smul.u32 @!p0 $0xF7A, s2;
	p2 =	seq.s32 @!p0 s5, $0x0  }
0x1f: {  	s9 =	smul.u32 $0xF7A, s1;
	s8 =	simm.s32 @!p0 $0x1BF5;
	p2 =	por !p2, p0  }
0x20: {  	[sflag:s8] =	ssyncset.s32 @!p0 $0xFFFFF086;
	s6 =	sadd.s32 @!p0 s3, s7;
	s7 =	simm.s32 @!p0 $0x108  }
0x21: {  	s3 =	sadd.s32 s3, s9;
	s6 =	sadd.s32 @!p0 $0x88, s6;
	s7 =	simm.s32 @p2 $0x1082  }
0x22: {  	[simem:s7], [sflag:s8] =	dma.local @!p0 [hbm:s6], $0xF7A  }
0x23: {  	s9 =	sor.u32 $0xD0000000, s2;
	s6 =	simm.s32 $0x108;
	_ =	swait.ge @!p0 [sflag:s8], $0x0  }
0x24: {  	s3 =	sadd.s32 $0x88, s3;
	s6 =	simm.s32 @!p1 $0x1082;
	[sflag:s4] =	ssyncset.s32 $0xFFFFF086  }
0x25: {  	[simem:s6], [sflag:s4] =	dma.local [hbm:s3], $0xF7A  }
0x26: {  	[smem:$0x3F9F] =	sst s1;
	(tag) =	ssettag s2;
	_ =	strace s9  }
0x27: {  	s1 =	sld [smem:$0x3FAF]  }
0x28: {  	s2 =	sld [smem:$0x3FB0]  }
0x29: {  	s4 =	sld [smem:$0x3FB2]  }
0x2a: {  	p0 =	seq.s32 s5, $0x0;
	s5 =	sld [smem:$0x3FB3]  }
0x2b: {  	s6 =	sld [smem:$0x3FB4]  }
0x2c: {  	s7 =	sld [smem:$0x3FB5]  }
0x2d: {  	s3 =	simm.s32 $0x108;
	s8 =	sld [smem:$0x3FB6]  }
0x2e: {  	s3 =	simm.s32 @!p0 $0x1082;
	s9 =	sld [smem:$0x3FB7]  }
0x2f: {  	lr =	sadd.s32 s0, s3;
	s0 =	sld [smem:$0x3FAE]  }
0x30: {  	s3 =	sld [smem:$0x3FB1]  }
0x31: {  	[smem:$0x3FBA] =	sst s10  }
0x32: {  	s10 =	sld [smem:$0x3FB8];
	_ =	sdelay $0x3  }
0x33: {  	p0 =	seq.s32 s10, $0x1;
	s10 =	sld [smem:$0x3FBA];
	_ =	sdelay $0x3  }
0x34: {  	[smem:$0x3FBA] =	sst s10  }
0x35: {  	s10 =	sld [smem:$0x3FB9];
	_ =	sdelay $0x3  }
0x36: {  	p1 =	seq.s32 s10, $0x1;
	s10 =	sld [smem:$0x3FBA];
	_ =	sdelay $0x3  }
0x37: {  	[smem:$0x3FBA] =	sst s10  }
0x38: {  	s10 =	sld [smem:$0x3FBB]  }
0x39: {  	_ = 	snop;
	(pc) =	sbr.ind lr, $3  }
0x3a: {  	_ = 	snop  }
0x3b: {  	_ = 	snop  }
0x3c: {  	p2 =	seq.s32 s10, $0x1;
	s10 =	sld [smem:$0x3FBA]  }
0x3d: {  	_ =	shalt  }
0x3e: {  	_ =	shalt  }
0x3f: {  	_ =	shalt  }
0x40: {  	_ =	shalt  }
0x41: {  	_ =	shalt  }
0x42: {  	_ =	shalt  }
0x43: {  	_ =	shalt  }
0x44: {  	_ =	shalt  }
0x45: {  	_ =	shalt  }
0x46: {  	_ =	shalt  }
0x47: {  	_ =	shalt  }
0x48: {  	_ =	shalt  }
0x49: {  	_ =	shalt  }
0x4a: {  	_ =	shalt  }
0x4b: {  	_ =	shalt  }
0x4c: {  	_ =	shalt  }
0x4d: {  	_ =	shalt  }
0x4e: {  	_ =	shalt  }
0x4f: {  	_ =	shalt  }
0x50: {  	_ =	shalt  }
0x51: {  	_ =	shalt  }
0x52: {  	_ =	shalt  }
0x53: {  	_ =	shalt  }
0x54: {  	_ =	shalt  }
0x55: {  	_ =	shalt  }
0x56: {  	_ =	shalt  }
0x57: {  	_ =	shalt  }
0x58: {  	_ =	shalt  }
0x59: {  	_ =	shalt  }
0x5a: {  	_ =	shalt  }
0x5b: {  	_ =	shalt  }
0x5c: {  	_ =	shalt  }
0x5d: {  	_ =	shalt  }
0x5e: {  	_ =	shalt  }
0x5f: {  	_ =	shalt  }
0x60: {  	_ =	shalt  }
0x61: {  	_ =	shalt  }
0x62: {  	_ =	shalt  }
0x63: {  	_ =	shalt  }
0x64: {  	_ =	shalt  }
0x65: {  	_ =	shalt  }
0x66: {  	_ =	shalt  }
0x67: {  	_ =	shalt  }
0x68: {  	_ =	shalt  }
0x69: {  	_ =	shalt  }
0x6a: {  	_ =	shalt  }
0x6b: {  	_ =	shalt  }
0x6c: {  	_ =	shalt  }
0x6d: {  	_ =	shalt  }
0x6e: {  	_ =	shalt  }
0x6f: {  	_ =	shalt  }
0x70: {  	_ =	shalt  }
0x71: {  	_ =	shalt  }
0x72: {  	_ =	shalt  }
0x73: {  	_ =	shalt  }
0x74: {  	_ =	shalt  }
0x75: {  	_ =	shalt  }
0x76: {  	_ =	shalt  }
0x77: {  	_ =	shalt  }
0x78: {  	_ =	shalt  }
0x79: {  	_ =	shalt  }
0x7a: {  	_ =	shalt  }
0x7b: {  	_ =	shalt  }
0x7c: {  	_ =	shalt  }
0x7d: {  	_ =	shalt  }
0x7e: {  	_ =	shalt  }
0x7f: {  	_ =	shalt  }
0x80: {  	_ =	shalt  }
0x81: {  	_ =	shalt  }
0x82: {  	_ =	shalt  }
0x83: {  	_ =	shalt  }
0x84: {  	_ =	shalt  }
0x85: {  	_ =	shalt  }
0x86: {  	_ =	shalt  }
0x87: {  	_ =	shalt  }
.Lfunc_end0:
.L_simem_size_0:
called_computation_lowered:
.L_overlay_start_0:
0x88: {  	s2 =	sld [smem:$0x3FD9]  }
0x89: {  	s3 =	sld [smem:$0x3FFE];
	_ =	sdelay $0x1  }
0x8a: {  	s1 =	srdreg.scid  }
0x8b: {  	s0 =	sand.u32 $0x1, s1  }
0x8c: {  	s14 =	sshll.u32 s0, $0xA;
	s2 =	sadd.s32 s3, s2  }
0x8d: {  	s2 =	sadd.s32 s2, s14  }
0x8e: {  	[smem:$0x3FC6] =	sst s2  }
0x8f: {  	_ = 	snop  }
0x90: {  	s2 =	sld [smem:$0x3FD0];
	_ =	sdelay $0x2  }
0x91: {  	s15 =	simm.s32 $0xA;
	s4 =	simm.s32 $0x10  }
0x92: {  	[smem:s4], [sflag:s15] =	dma.local [hbm:s2], $0x1  }
0x93: {  	_ =	swait.eq [sflag:s15], $0x1  }
0x94: {  	[sflag:s15] =	ssyncset.done $0x0  }
0x95: {  	s16 =	sld [smem:$0x11];
	[sflag:s15] =	ssyncadd.s32 $0xFFFFFFFF  }
0x96: {  	s17 =	sld [smem:$0x12];
	(tm) =	ssettm $0x1  }
0x97: {  	s18 =	sld [smem:$0x3FFB];
	_ =	sdelay $0x3  }
0x98: {  	_ =	strace s18  }
0x99: {  	s4 =	sld [smem:$0x3FFC];
	_ =	sdelay $0x3  }
0x9a: {  	_ =	strace s4  }
0x9b: {  	s4 =	sld [smem:$0x3FFD];
	_ =	sdelay $0x3  }
0x9c: {  	_ =	strace s4  }
0x9d: {  	_ =	strace $0x8FFFFFFF  }
0x9e: {  	s19 =	sld [smem:$0x3FDB];
	_ =	sdelay $0x1  }
0x9f: {  	s5 =	simm.s32 $_scs_section_size  }
0xa0: {  	s6 =	simm.s32 $_size__tile_overlayer_lowered;
	s7 =	simm.s32 $_tile_overlayer_lowered  }
0xa1: {  	s22 =	simm.s32 $0x1BFF;
	s21 =	sshll.u32 s7, $0x1;
	s4 =	sadd.s32 s5, s19  }
0xa2: {  	s8 =	simm.s32 $0x0;
	s20 =	sshll.u32 s6, $0x1;
	s6 =	sadd.s32 s21, s4  }
0xa3: {  	[timem:s8], [sflag:s22] =	dma.local [hbm:s6], s20  }
0xa4: {  	_ =	swait.ge [sflag:s22], s20  }
0xa5: {  	s5 =	ssub.s32 $0x0, s20;
	[sflag:s22] =	ssyncset.done $0x0  }
0xa6: {  	[sflag:s22] =	ssyncadd.s32 s5;
	_ =	sdelay $0x1  }
0xa7: {  	s23 =	simm.s32 $0x1B8B  }
0xa8: {  	_ =	swait.ge [sflag:s23], $0x1  }
0xa9: {  	[sflag:s23] =	ssyncset.done $0x0  }
0xaa: {  	s25 =	simm.s32 $0x1B8E;
	s24 =	sld [smem:$0x3FFE];
	[sflag:s23] =	ssyncadd.s32 $0xFFFFFFFF  }
0xab: {  	s26 =	simm.s32 $execute0_lowered;
	[smem:$0x3FD2] =	sst s25  }
0xac: {  	s6 =	sshll.u32 s26, $0x1;
	_ =	strace $0x80000046;
	[dreg:$0x1] =	wrdreg $0xFFFFFFFF  }
0xad: {  	s28 =	simm.s32 $_size_execute0_lowered;
	s4 =	sadd.s32 s4, s6;
	[dreg:$0x0] =	wrdreg $0x0  }
0xae: {  	s6 =	sshll.u32 s28, $0x1;
	[dreg:$0x2] =	wrdreg s4  }
0xaf: {  	[dreg:$0x3] =	wrdreg s6  }
0xb0: {  	[dreg:$0x4] =	wrdreg $0xC0  }
0xb1: {  	_ =	task [dreg:s8], $0x5FFFF  }
0xb2: {  	[dreg:$0x1] =	wrdreg $0xFFFFFFFF  }
0xb3: {  	[dreg:$0x0] =	wrdreg $0x60  }
0xb4: {  	[dreg:$0x2] =	wrdreg s16  }
0xb5: {  	[dreg:$0x3] =	wrdreg s17  }
0xb6: {  	[dreg:$0x4] =	wrdreg s24  }
0xb7: {  	[dreg:$0x5] =	wrdreg $0x9  }
0xb8: {  	_ =	task.clear_ibuf [dreg:s8], $0x6FFFF;
	_ =	strace $0x90000046  }
0xb9: {  	s29 =	simm.s32 $0x9;
	_ =	strace $0x80000048  }
0xba: {  	_ =	swait.ge [sflag:s29], $0x1  }
0xbb: {  	[sflag:s29] =	ssyncadd.s32 $0xFFFFFFFF  }
0xbc: {  	_ =	strace $0x90000048  }
0xbd: {  	_ =	sfence  }
0xbe: {  	s30 =	sld [smem:$0x0];
	_ =	sdelay $0x2  }
0xbf: {  	s31 =	sshll.u32 s1, $0xD;
	s1 =	sshrl.u32 s1, $0x2  }
0xc0: {  	s3 =	sand.u32 $0x4000, s31;
	s1 =	sadd.s32 s1, s30  }
0xc1: {  	s0 =	sor.u32 s3, s0;
	s1 =	sshll.u32 s1, $0x11  }
0xc2: {  	s0 =	sor.u32 s1, s0  }
0xc3: {  	s0 =	sadd.s32 $0x8F2B, s0  }
0xc4: {  	[sflag:s0] =	ssyncadd.remote.s32 $0x1  }
0xc5: {  	_ =	sfence.sel $0xFFFF  }
0xc6: {  	[dreg:$0x0] =	wrdreg $0xFFFFFFFF;
	(pc) =	sbr.abs _section_cstart, $3  }
0xc7: {  	[dreg:$0x1] =	wrdreg $0xFFFFFFFF  }
0xc8: {  	_ =	task.clear_ibuf [dreg:s8], $0x2FFFF;
	_ =	strace $0x9FFFFFFF  }
0xc9: {  	(tm) =	ssettm $0x7FFFFFFF  }
tec
execute0_lowered:
.L_overlay_start_1:
0x0: {  	(tag) =	ssettag $0x1  }
0x1: {  	s1 =	stileid.u32  }
0x2: {  	p0 =	sgt.u32 s1, $0x1  }
.Ltmp0:
0x3: {  	s5 =	rddreg [dreg:$0x0];
	(pc) =	sbr.rel @p0 .LBB2_42-.Ltmp0, $4  }
0x4: {  	s3 =	rddreg [dreg:$0x1]  }
0x5: {  	s4 =	rddreg [dreg:$0x2];
	s2 =	simm.s32 $0x0  }
0x6: {  	[smem:$0x7FF] =	sst s2  }
0x7: {  	s0 =	rddreg [dreg:$0x3];
	_ =	strace $0x80000047  }
0x8: {  	s6 =	srdreg.scid;
	s7 =	sshll.u32 s1, $0x5  }
0x9: {  	s9 =	simm.s32 $0x1;
	s10 =	simm.s32 $0x2000;
	s11 =	simm.s32 $0x4080  }
0xa: {  	s12 =	simm.s32 $0xB200;
	s13 =	simm.s32 $0x6100;
	s6 =	sand.u32 $0x1, s6  }
0xb: {  	s14 =	simm.s32 $0x8180;
	s15 =	simm.s32 $0xA200;
	s8 =	sshll.u32 s6, $0x4  }
0xc: {  	s16 =	simm.s32 $0x0;
	s6 =	ssub.s32 $0x2, s6;
	s7 =	sor.u32 s8, s7  }
0xd: {  	v0 =	vimm.s32 $0x0;
	v1 =	vimm.s32 $0x7F000000;
	s31 =	sshrl.u32 s6, $0x1;
	s8 =	simm.s32 $0x200;
	s4 =	sadd.s32 s7, s4  }
0xe: {  	v2 =	vlaneseq.u32;
	v3 =	vimm.s32 $0x1;
	v4 =	vimm.s32 $0x7FFFFFFF;
	s3 =	sadd.s32 s3, s7;
	s6 =	ssub.s32 s6, s31;
	s5 =	sadd.s32 s5, s7  }
0xf: {  	v5 =	vimm.s32 $0xFFFFFFFF;
	v6 =	vimm.f32 $0.0e+00;
	v7 =	vimm.f32 $1.000000000e+00;
	s7 =	simm.s32 $0x80;
	s4 =	sadd.s32 $0x600, s4;
	s6 =	smax.u32 s6, $0x1  }
.LBB2_2:
0x10: {  	[tilespmem:s2], [sflag:$0x1] =	stream.strided.gather [hbm4b:s5+s7], $0x2000, s8, s7, $0x38;
	[tilespmem:$0xD200] =	vst v63  }
0x11: {  	_ =	swait.ge [sflag:s9], $0x2000  }
0x12: {  	[sflag:s9] =	ssyncset.done $0x0  }
0x13: {  	s18 =	simm.s32 $0xA240;
	[sflag:s9] =	ssyncadd.s32 $0xFFFFE000  }
0x14: {  	[tilespmem:s18+$0xFFFFFFC0] =	vst v0  }
0x15: {  	[tilespmem:s18+$0x30] =	vst v0  }
0x16: {  	[tilespmem:s18+$0x20] =	vst v0  }
0x17: {  	[tilespmem:s18+$0x10] =	vst v0  }
0x18: {  	[tilespmem:s18+$0x0] =	vst v0  }
0x19: {  	[tilespmem:s18+$0xFFFFFFF0] =	vst v0  }
0x1a: {  	s19 =	simm.s32 $0x0;
	[tilespmem:s18+$0xFFFFFFE0] =	vst v0  }
.LBB2_3:
0x1b: {  	s19 =	sadd.s32 $0x8, s19;
	[tilespmem:s18+$0xFFFFFFD0] =	vst v0;
	s18 =	sadd.s32 $0x80, s18;
	s17 =	simm.s32 $0x40  }
0x1c: {  	[tilespmem:s18+$0xFFFFFFC0] =	vst v0;
	p0 =	slt.u32 s19, $0xF8  }
0x1d: {  	[tilespmem:s18+$0x30] =	vst v0  }
.Ltmp1:
0x1e: {  	[tilespmem:s18+$0x20] =	vst v0;
	(pc) =	sbr.rel @p0 .LBB2_3-.Ltmp1, $4  }
0x1f: {  	[tilespmem:s18+$0x10] =	vst v0  }
0x20: {  	[tilespmem:s18+$0x0] =	vst v0  }
0x21: {  	[tilespmem:s18+$0xFFFFFFF0] =	vst v0  }
0x22: {  	[tilespmem:s18+$0xFFFFFFE0] =	vst v0  }
0x23: {  	[tilespmem:s18+$0xFFFFFFD0] =	vst v0  }
0x24: {  	v8 =	vld [tilespmem:s17+$0x10]  }
0x25: {  	v12 =	vld [tilespmem:s17+$0x30]  }
0x26: {  	v10 =	vld [tilespmem:s17+$0x0]  }
0x27: {  	v11 =	vld [tilespmem:s17+$0xFFFFFFE0]  }
0x28: {  	v16 =	vld [tilespmem:s17+$0x20]  }
0x29: {  	v15 =	vld [tilespmem:s17+$0xFFFFFFC0];
	_ =	sdelay $0x1  }
0x2a: {  	v9 =	vld [tilespmem:s17+$0xFFFFFFF0];
	vm0 =	vlt.s32 v8, $0x0;
	vm1 =	vlt.s32 v12, $0x0;
	vm2 =	vlt.s32 v10, $0x0  }
0x2b: {  	v13 =	vsel vm0, $0x0, v1;
	vm0 =	vlt.s32 v11, $0x0;
	v18 =	vsel vm1, $0x0, v1  }
0x2c: {  	vm1 =	vlt.s32 v16, $0x0;
	v13 =	vxor.u32 v8, v13;
	v14 =	vsel vm0, $0x0, v1  }
0x2d: {  	v8 =	vld [tilespmem:s17+$0xFFFFFFD0];
	vm0 =	vlt.s32 v15, $0x0;
	v12 =	vxor.u32 v12, v18;
	v18 =	vsel vm1, $0x0, v1  }
0x2e: {  	v11 =	vxor.u32 v11, v14;
	v17 =	vsel vm0, $0x0, v1;
	v14 =	vsel vm2, $0x0, v1  }
0x2f: {  	vm0 =	vlt.s32 v9, $0x0;
	v13 =	vshrl.u32 v13, $0x14;
	v12 =	vshrl.u32 v12, $0x14  }
0x30: {  	v18 =	vxor.u32 v16, v18;
	v11 =	vshrl.u32 v11, $0x14;
	v13 =	vand.u32 $0xFF0, v13  }
0x31: {  	v12 =	vand.u32 $0xFF0, v12;
	v16 =	vxor.u32 v15, v17;
	v15 =	vshrl.u32 v18, $0x14  }
0x32: {  	s18 =	simm.s32 $0xC0;
	s17 =	simm.s32 $0x0;
	v11 =	vand.u32 $0xFF0, v11;
	v12 =	vor.u32 v2, v12;
	vm1 =	vlt.s32 v8, $0x0  }
.LBB2_5:
0x33: {  	v17 =	vld [tilespmem:s18+$0x10];
	s17 =	sadd.s32 $0x8, s17;
	v16 =	vshrl.u32 v16, $0x14;
	v18 =	vsel vm0, $0x0, v1;
	v10 =	vxor.u32 v10, v14  }
0x34: {  	v19 =	vld [tilespmem:s18+$0x30];
	p0 =	slt.u32 s17, $0x1F8;
	v14 =	vand.u32 $0xFF0, v16;
	v16 =	vsel vm1, $0x0, v1;
	v10 =	vshrl.u32 v10, $0x14  }
0x35: {  	v9 =	vxor.u32 v9, v18;
	v20 =	vld [tilespmem:s18+$0xFFFFFFE0];
	v21 =	vor.u32 v2, v14;
	v14 =	vand.u32 $0xFF0, v10  }
0x36: {  	v13 =	vor.u32 v2, v13;
	v9 =	vshrl.u32 v9, $0x14;
	v10 =	vld [tilespmem:s18+$0x0];
	v14 =	vor.u32 v2, v14  }
0x37: {  	v15 =	vand.u32 $0xFF0, v15;
	v16 =	vxor.u32 v8, v16;
	v9 =	vand.u32 $0xFF0, v9;
	v18 =	vld [tilespmem:s18+$0xFFFFFFC0]  }
0x38: {  	v16 =	vshrl.u32 v16, $0x14;
	v22 =	vor.u32 v2, v9;
	v8 =	vld [tilespmem:s18+$0xFFFFFFD0];
	vm0 =	vlt.s32 v17, $0x0  }
0x39: {  	v24 =	vor.u32 v2, v11;
	v16 =	vand.u32 $0xFF0, v16;
	v9 =	vld [tilespmem:s18+$0xFFFFFFF0];
	v23 =	vsel vm0, $0x0, v1  }
0x3a: {  	s19 =	simm.s32 $0xA200;
	v16 =	vor.u32 v2, v16;
	vm0 =	vlt.s32 v20, $0x0;
	v17 =	vxor.u32 v17, v23;
	v23 =	vld [tilespmem:s18+$0x20]  }
0x3b: {  	v15 =	vor.u32 v2, v15;
	vm1 =	vlt.s32 v19, $0x0;
	v11 =	vsel vm0, $0x0, v1;
	[tilespmem:v12+s19+$0x0] =	vst.idx.add.s32.msk $0xffff, v3  }
0x3c: {  	vm2 =	vlt.s32 v10, $0x0;
	vm0 =	vlt.s32 v18, $0x0;
	v11 =	vxor.u32 v20, v11;
	[tilespmem:v14+s19+$0x0] =	vst.idx.add.s32.msk $0xffff, v3  }
0x3d: {  	v14 =	vsel vm2, $0x0, v1;
	v12 =	vsel vm0, $0x0, v1;
	v11 =	vshrl.u32 v11, $0x14;
	[tilespmem:v13+s19+$0x0] =	vst.idx.add.s32.msk $0xffff, v3  }
.Ltmp2:
0x3e: {  	v13 =	vsel vm1, $0x0, v1;
	v11 =	vand.u32 $0xFF0, v11;
	vm0 =	vlt.s32 v9, $0x0;
	[tilespmem:v24+s19+$0x0] =	vst.idx.add.s32.msk $0xffff, v3;
	(pc) =	sbr.rel @p0 .LBB2_5-.Ltmp2, $4  }
0x3f: {  	v17 =	vshrl.u32 v17, $0x14;
	v19 =	vxor.u32 v19, v13;
	vm1 =	vlt.s32 v23, $0x0;
	[tilespmem:v21+s19+$0x0] =	vst.idx.add.s32.msk $0xffff, v3  }
0x40: {  	v13 =	vand.u32 $0xFF0, v17;
	v19 =	vshrl.u32 v19, $0x14;
	v17 =	vsel vm1, $0x0, v1;
	[tilespmem:v16+s19+$0x0] =	vst.idx.add.s32.msk $0xffff, v3  }
0x41: {  	vm1 =	vlt.s32 v8, $0x0;
	v19 =	vand.u32 $0xFF0, v19;
	v17 =	vxor.u32 v23, v17;
	[tilespmem:v15+s19+$0x0] =	vst.idx.add.s32.msk $0xffff, v3  }
0x42: {  	s18 =	sadd.s32 $0x80, s18;
	v16 =	vxor.u32 v18, v12;
	v12 =	vor.u32 v2, v19;
	v15 =	vshrl.u32 v17, $0x14;
	[tilespmem:v22+s19+$0x0] =	vst.idx.add.s32.msk $0xffff, v3  }
0x43: {  	v10 =	vxor.u32 v10, v14;
	v61 =	vshrl.u32 v16, $0x14;
	v62 =	vsel vm1, $0x0, v1  }
0x44: {  	v17 =	vsel vm0, $0x0, v1;
	v13 =	vor.u32 v2, v13;
	v11 =	vor.u32 v2, v11  }
0x45: {  	v15 =	vand.u32 $0xFF0, v15;
	v10 =	vshrl.u32 v10, $0x14;
	v8 =	vxor.u32 v8, v62  }
0x46: {  	v14 =	vand.u32 $0xFF0, v61;
	v9 =	vxor.u32 v9, v17;
	v63 =	vor.u32 v2, v15  }
0x47: {  	v10 =	vand.u32 $0xFF0, v10;
	v8 =	vshrl.u32 v8, $0x14;
	v14 =	vor.u32 v2, v14  }
0x48: {  	[tilespmem:v12+s19+$0x0] =	vst.idx.add.s32.msk $0xffff, v3;
	v9 =	vshrl.u32 v9, $0x14;
	v10 =	vor.u32 v2, v10;
	v8 =	vand.u32 $0xFF0, v8  }
0x49: {  	v9 =	vand.u32 $0xFF0, v9;
	v8 =	vor.u32 v2, v8;
	[tilespmem:v13+s19+$0x0] =	vst.idx.add.s32.msk $0xffff, v3  }
0x4a: {  	v9 =	vor.u32 v2, v9;
	[tilespmem:v11+s19+$0x0] =	vst.idx.add.s32.msk $0xffff, v3  }
0x4b: {  	[tilespmem:v63+s19+$0x0] =	vst.idx.add.s32.msk $0xffff, v3  }
0x4c: {  	[tilespmem:v14+s19+$0x0] =	vst.idx.add.s32.msk $0xffff, v3  }
0x4d: {  	[tilespmem:v10+s19+$0x0] =	vst.idx.add.s32.msk $0xffff, v3  }
0x4e: {  	[tilespmem:v8+s19+$0x0] =	vst.idx.add.s32.msk $0xffff, v3  }
0x4f: {  	[tilespmem:v9+s19+$0x0] =	vst.idx.add.s32.msk $0xffff, v3  }
0x50: {  	v8 =	vld [tilespmem:s19+$0x0];
	_ =	sdelay $0x4  }
0x51: {  	(xrf0) =	vadd.scan.msk.s32 $0xffff, v8;
	_ =	sdelay $0x5  }
0x52: {  	s18 =	simm.s32 $0xA210;
	v8, _, _ =	vpop (xrf0)  }
0x53: {  	s30 =	simm.s32 $0xA220;
	(v2sf) =	vpush v8, $0xF;
	v8 =	vld [tilespmem:s18+$0x0]  }
0x54: {  	v9 =	vld [tilespmem:s30+$0x0];
	_ =	sdelay $0x3  }
0x55: {  	(xrf0) =	vadd.scan.msk.s32 $0xffff, v8  }
0x56: {  	(xrf0) =	vadd.scan.msk.s32 $0xffff, v9;
	_ =	sdelay $0x4  }
0x57: {  	s31 =	simm.s32 $0xA230;
	v9, _, _ =	vpop (xrf0)  }
0x58: {  	v8 =	vld [tilespmem:s31+$0x0];
	(v2sf) =	vpush v9, $0xF;
	v9, _, _ =	vpop (xrf0)  }
0x59: {  	(v2sf) =	vpush v9, $0xF;
	_ =	sdelay $0x3  }
0x5a: {  	s17 =	simm.s32 $0x0;
	s23 =	simm.s32 $0xA240;
	(xrf0) =	vadd.scan.msk.s32 $0xffff, v8  }
0x5b: {  	s22 =	simm.s32 $0x1;
	s21 =	simm.s32 $0x2;
	s20 =	simm.s32 $0x3;
	v8 =	vld [tilespmem:s23+$0x0]  }
0x5c: {  	p0 =	por $0x1, $0x1;
	s24 =	simm.s32 $0x5;
	s19 =	simm.s32 $0x0  }
0x5d: {  	s19 =	smov.u32 @p0 s19;
	s18 =	simm.s32 $0x4;
	s25 =	spop (v2sf)  }
.LBB2_7:
0x5e: {  	p0 =	seq.s32 s24, $0xFF  }
0x5f: {  	s17 =	sadd.s32 s17, s25;
	s25 =	smov.u32 s24;
	s24 =	sadd.s32 $0x1, s24  }
.Ltmp3:
0x60: {  	s23 =	sadd.s32 $0x10, s23;
	(xrf0) =	vadd.scan.msk.s32 $0xffff, v8;
	v9, _, _ =	vpop (xrf0);
	p1 =	slt.s32 s17, $0x400;
	(pc) =	sbr.rel @!p0 .LBB2_7-.Ltmp3, $3  }
0x61: {  	v8 =	vld [tilespmem:s23+$0x0];
	(v2sf) =	vpush v9, $0xF;
	s19 =	smov.u32 @p1 s22;
	s22 =	smov.u32 s21;
	s21 =	smov.u32 s20  }
0x62: {  	s20 =	smov.u32 s18;
	s18 =	smov.u32 s25;
	_ =	sdelay $0x2  }
0x63: {  	s25 =	spop (v2sf)  }
0x64: {  	(xrf0) =	vadd.scan.msk.s32 $0xffff, v8;
	_ =	sdelay $0x1  }
0x65: {  	v8, _, _ =	vpop (xrf0)  }
0x66: {  	(v2sf) =	vpush v8, $0xF;
	_ =	sdelay $0x2  }
0x67: {  	v8, _, _ =	vpop (xrf0)  }
0x68: {  	(v2sf) =	vpush v8, $0xF;
	_ =	sdelay $0x7  }
0x69: {  	s17 =	sadd.s32 s17, s25  }
0x6a: {  	s23 =	spop (v2sf);
	p0 =	slt.s32 s17, $0x400  }
0x6b: {  	s17 =	sadd.s32 s17, s23;
	s19 =	smov.u32 @p0 s22;
	s29 =	spop (v2sf)  }
0x6c: {  	p0 =	slt.s32 s17, $0x400;
	s17 =	sadd.s32 s17, s29;
	s30 =	spop (v2sf)  }
0x6d: {  	s19 =	smov.u32 @p0 s21;
	p0 =	slt.s32 s17, $0x400;
	s17 =	sadd.s32 s17, s30  }
0x6e: {  	s19 =	smov.u32 @p0 s20;
	p0 =	slt.s32 s17, $0x400  }
0x6f: {  	s17 =	simm.s32 $0x70;
	s19 =	smov.u32 @p0 s18  }
0x70: {  	s18 =	simm.s32 $0x40;
	v8 =	vmov s19;
	s19 =	simm.s32 $0x0;
	s31 =	spop (v2sf)  }
.LBB2_9:
0x71: {  	v9 =	vld [tilespmem:s18+$0xFFFFFFC0];
	_ =	sdelay $0x4  }
0x72: {  	vm0 =	vlt.s32 v9, $0x0  }
0x73: {  	v10 =	vsel vm0, $0x0, v4  }
0x74: {  	v9 =	vxor.u32 v9, v10  }
0x75: {  	v10 =	vshrl.u32 v9, $0x18  }
0x76: {  	vm13 =	vle.u32 v10, v8  }
0x77: {  	v10 =	vsel vm13, $0x1, v0  }
0x78: {  	(xrf0) =	vadd.scan.msk.s32 $0xffff, v10;
	_ =	sdelay $0x2  }
0x79: {  	v10 =	vmov s19  }
0x7a: {  	v10 =	vadd.s32 $0xFFFFFFFF, v10  }
0x7b: {  	v10 =	vbroadcast v10, $0x0  }
0x7c: {  	v11, _, _ =	vpop (xrf0)  }
0x7d: {  	v10 =	vadd.s32 v11, v10;
	_ =	sdelay $0x3  }
0x7e: {  	s20 =	sadd.s32 $0xFFFFFF90, s17;
	(v2sf) =	vpush v11, $0xF  }
0x7f: {  	[tilespmem:v10+s10+$0x0] =	vst.idx.msk vm13, v9;
	v9 =	vor.u32 s20, v2  }
0x80: {  	[tilespmem:v10+s11+$0x0] =	vst.idx.msk vm13, v9  }
0x81: {  	v9 =	vld [tilespmem:s18+$0xFFFFFFD0];
	_ =	sdelay $0x4  }
0x82: {  	vm14 =	vlt.s32 v9, $0x0  }
0x83: {  	v10 =	vsel vm14, $0x0, v4  }
0x84: {  	v9 =	vxor.u32 v9, v10  }
0x85: {  	v10 =	vshrl.u32 v9, $0x18  }
0x86: {  	vm15 =	vle.u32 v10, v8  }
0x87: {  	v10 =	vsel vm15, $0x1, v0  }
0x88: {  	(xrf0) =	vadd.scan.msk.s32 $0xffff, v10  }
0x89: {  	s26 =	spop (v2sf)  }
0x8a: {  	s28 =	sadd.s32 s19, s26  }
0x8b: {  	v10 =	vmov s28  }
0x8c: {  	v10 =	vadd.s32 $0xFFFFFFFF, v10  }
0x8d: {  	v10 =	vbroadcast v10, $0x0  }
0x8e: {  	v11, _, _ =	vpop (xrf0)  }
0x8f: {  	v10 =	vadd.s32 v11, v10;
	_ =	sdelay $0x3  }
0x90: {  	s29 =	sadd.s32 $0xFFFFFFA0, s17;
	(v2sf) =	vpush v11, $0xF  }
0x91: {  	[tilespmem:v10+s10+$0x0] =	vst.idx.msk vm15, v9;
	v9 =	vor.u32 s29, v2  }
0x92: {  	[tilespmem:v10+s11+$0x0] =	vst.idx.msk vm15, v9  }
0x93: {  	v9 =	vld [tilespmem:s18+$0xFFFFFFE0];
	_ =	sdelay $0x4  }
0x94: {  	vm4 =	vlt.s32 v9, $0x0  }
0x95: {  	v10 =	vsel vm4, $0x0, v4  }
0x96: {  	v9 =	vxor.u32 v9, v10  }
0x97: {  	v10 =	vshrl.u32 v9, $0x18  }
0x98: {  	vm5 =	vle.u32 v10, v8  }
0x99: {  	v10 =	vsel vm5, $0x1, v0  }
0x9a: {  	(xrf0) =	vadd.scan.msk.s32 $0xffff, v10  }
0x9b: {  	s30 =	spop (v2sf)  }
0x9c: {  	s19 =	sadd.s32 s28, s30  }
0x9d: {  	v10 =	vmov s19  }
0x9e: {  	v10 =	vadd.s32 $0xFFFFFFFF, v10  }
0x9f: {  	v10 =	vbroadcast v10, $0x0  }
0xa0: {  	v11, _, _ =	vpop (xrf0)  }
0xa1: {  	v10 =	vadd.s32 v11, v10;
	_ =	sdelay $0x3  }
0xa2: {  	s31 =	sadd.s32 $0xFFFFFFB0, s17;
	(v2sf) =	vpush v11, $0xF  }
0xa3: {  	[tilespmem:v10+s10+$0x0] =	vst.idx.msk vm5, v9;
	v9 =	vor.u32 s31, v2  }
0xa4: {  	[tilespmem:v10+s11+$0x0] =	vst.idx.msk vm5, v9  }
0xa5: {  	v9 =	vld [tilespmem:s18+$0xFFFFFFF0];
	_ =	sdelay $0x4  }
0xa6: {  	vm6 =	vlt.s32 v9, $0x0  }
0xa7: {  	v10 =	vsel vm6, $0x0, v4  }
0xa8: {  	v9 =	vxor.u32 v9, v10  }
0xa9: {  	v10 =	vshrl.u32 v9, $0x18  }
0xaa: {  	vm7 =	vle.u32 v10, v8  }
0xab: {  	v10 =	vsel vm7, $0x1, v0  }
0xac: {  	(xrf0) =	vadd.scan.msk.s32 $0xffff, v10  }
0xad: {  	s21 =	spop (v2sf)  }
0xae: {  	s19 =	sadd.s32 s19, s21  }
0xaf: {  	v10 =	vmov s19  }
0xb0: {  	v10 =	vadd.s32 $0xFFFFFFFF, v10  }
0xb1: {  	v10 =	vbroadcast v10, $0x0  }
0xb2: {  	v11, _, _ =	vpop (xrf0)  }
0xb3: {  	v10 =	vadd.s32 v11, v10;
	_ =	sdelay $0x3  }
0xb4: {  	s22 =	sadd.s32 $0xFFFFFFC0, s17;
	(v2sf) =	vpush v11, $0xF  }
0xb5: {  	[tilespmem:v10+s10+$0x0] =	vst.idx.msk vm7, v9;
	v9 =	vor.u32 s22, v2  }
0xb6: {  	[tilespmem:v10+s11+$0x0] =	vst.idx.msk vm7, v9  }
0xb7: {  	v9 =	vld [tilespmem:s18+$0x0];
	_ =	sdelay $0x4  }
0xb8: {  	vm8 =	vlt.s32 v9, $0x0  }
0xb9: {  	v10 =	vsel vm8, $0x0, v4  }
0xba: {  	v9 =	vxor.u32 v9, v10  }
0xbb: {  	v10 =	vshrl.u32 v9, $0x18  }
0xbc: {  	vm9 =	vle.u32 v10, v8  }
0xbd: {  	v10 =	vsel vm9, $0x1, v0  }
0xbe: {  	(xrf0) =	vadd.scan.msk.s32 $0xffff, v10  }
0xbf: {  	s23 =	spop (v2sf)  }
0xc0: {  	s19 =	sadd.s32 s19, s23  }
0xc1: {  	v10 =	vmov s19  }
0xc2: {  	v10 =	vadd.s32 $0xFFFFFFFF, v10  }
0xc3: {  	v10 =	vbroadcast v10, $0x0  }
0xc4: {  	v11, _, _ =	vpop (xrf0)  }
0xc5: {  	v10 =	vadd.s32 v11, v10;
	_ =	sdelay $0x3  }
0xc6: {  	s24 =	sadd.s32 $0xFFFFFFD0, s17;
	(v2sf) =	vpush v11, $0xF  }
0xc7: {  	[tilespmem:v10+s10+$0x0] =	vst.idx.msk vm9, v9;
	v9 =	vor.u32 s24, v2  }
0xc8: {  	[tilespmem:v10+s11+$0x0] =	vst.idx.msk vm9, v9  }
0xc9: {  	v9 =	vld [tilespmem:s18+$0x10];
	_ =	sdelay $0x4  }
0xca: {  	vm10 =	vlt.s32 v9, $0x0  }
0xcb: {  	v10 =	vsel vm10, $0x0, v4  }
0xcc: {  	v9 =	vxor.u32 v9, v10  }
0xcd: {  	v10 =	vshrl.u32 v9, $0x18  }
0xce: {  	vm11 =	vle.u32 v10, v8  }
0xcf: {  	v10 =	vsel vm11, $0x1, v0  }
0xd0: {  	(xrf0) =	vadd.scan.msk.s32 $0xffff, v10  }
0xd1: {  	s25 =	spop (v2sf)  }
0xd2: {  	s19 =	sadd.s32 s19, s25  }
0xd3: {  	v10 =	vmov s19  }
0xd4: {  	v10 =	vadd.s32 $0xFFFFFFFF, v10  }
0xd5: {  	v10 =	vbroadcast v10, $0x0  }
0xd6: {  	v11, _, _ =	vpop (xrf0)  }
0xd7: {  	v10 =	vadd.s32 v11, v10;
	_ =	sdelay $0x3  }
0xd8: {  	s26 =	sadd.s32 $0xFFFFFFE0, s17;
	(v2sf) =	vpush v11, $0xF  }
0xd9: {  	[tilespmem:v10+s10+$0x0] =	vst.idx.msk vm11, v9;
	v9 =	vor.u32 s26, v2  }
0xda: {  	[tilespmem:v10+s11+$0x0] =	vst.idx.msk vm11, v9  }
0xdb: {  	v9 =	vld [tilespmem:s18+$0x20];
	_ =	sdelay $0x4  }
0xdc: {  	vm12 =	vlt.s32 v9, $0x0  }
0xdd: {  	v10 =	vsel vm12, $0x0, v4  }
0xde: {  	v9 =	vxor.u32 v9, v10  }
0xdf: {  	v10 =	vshrl.u32 v9, $0x18  }
0xe0: {  	vm13 =	vle.u32 v10, v8  }
0xe1: {  	v10 =	vsel vm13, $0x1, v0  }
0xe2: {  	(xrf0) =	vadd.scan.msk.s32 $0xffff, v10  }
0xe3: {  	s28 =	spop (v2sf)  }
0xe4: {  	s19 =	sadd.s32 s19, s28  }
0xe5: {  	v10 =	vmov s19  }
0xe6: {  	v10 =	vadd.s32 $0xFFFFFFFF, v10  }
0xe7: {  	v10 =	vbroadcast v10, $0x0  }
0xe8: {  	v11, _, _ =	vpop (xrf0)  }
0xe9: {  	v10 =	vadd.s32 v11, v10;
	_ =	sdelay $0x3  }
0xea: {  	s29 =	sadd.s32 $0xFFFFFFF0, s17  }
0xeb: {  	[tilespmem:v10+s10+$0x0] =	vst.idx.msk vm13, v9;
	v9 =	vor.u32 s29, v2  }
0xec: {  	[tilespmem:v10+s11+$0x0] =	vst.idx.msk vm13, v9  }
0xed: {  	v9 =	vld [tilespmem:s18+$0x30];
	_ =	sdelay $0x4  }
0xee: {  	vm14 =	vlt.s32 v9, $0x0  }
0xef: {  	v10 =	vsel vm14, $0x0, v4  }
0xf0: {  	(v2sf) =	vpush v11, $0xF;
	v9 =	vxor.u32 v9, v10  }
0xf1: {  	v10 =	vshrl.u32 v9, $0x18  }
0xf2: {  	vm15 =	vle.u32 v10, v8  }
0xf3: {  	v10 =	vsel vm15, $0x1, v0  }
0xf4: {  	(xrf0) =	vadd.scan.msk.s32 $0xffff, v10;
	_ =	sdelay $0x5  }
0xf5: {  	v10, _, _ =	vpop (xrf0)  }
0xf6: {  	(v2sf) =	vpush v10, $0xF;
	_ =	sdelay $0x3  }
0xf7: {  	s30 =	spop (v2sf)  }
0xf8: {  	s19 =	sadd.s32 s19, s30  }
0xf9: {  	v11 =	vmov s19  }
0xfa: {  	v11 =	vadd.s32 $0xFFFFFFFF, v11  }
0xfb: {  	v11 =	vbroadcast v11, $0x0;
	_ =	sdelay $0x1  }
0xfc: {  	v10 =	vadd.s32 v10, v11  }
0xfd: {  	p0 =	sne.s32 s17, $0x1FF0  }
.Ltmp4:
0xfe: {  	_ = 	snop;
	(pc) =	sbr.rel @p0 .LBB2_9-.Ltmp4, $3  }
0xff: {  	_ =	sdelay $0x1  }
0x100: {  	[tilespmem:v10+s10+$0x0] =	vst.idx.msk vm15, v9;
	v9 =	vor.u32 s17, v2;
	s31 =	spop (v2sf)  }
0x101: {  	s18 =	sadd.s32 $0x80, s18;
	s17 =	sadd.s32 $0x80, s17;
	[tilespmem:v10+s11+$0x0] =	vst.idx.msk vm15, v9;
	s19 =	sadd.s32 s19, s31  }
0x102: {  	[tilespmem:s19+$0x2000] =	vst v5  }
0x103: {  	[tilespmem:s19+$0x4080] =	vst v0;
	s17 =	simm.s32 $0xA240  }
0x104: {  	[tilespmem:s17+$0xFFFFFFC0] =	vst v0  }
0x105: {  	[tilespmem:s17+$0x30] =	vst v0  }
0x106: {  	[tilespmem:s17+$0x20] =	vst v0  }
0x107: {  	[tilespmem:s17+$0x10] =	vst v0  }
0x108: {  	[tilespmem:s17+$0x0] =	vst v0  }
0x109: {  	[tilespmem:s17+$0xFFFFFFF0] =	vst v0  }
0x10a: {  	s18 =	simm.s32 $0x0;
	[tilespmem:s17+$0xFFFFFFE0] =	vst v0  }
.LBB2_11:
0x10b: {  	s18 =	sadd.s32 $0x8, s18;
	[tilespmem:s17+$0xFFFFFFD0] =	vst v0;
	s17 =	sadd.s32 $0x80, s17  }
0x10c: {  	[tilespmem:s17+$0xFFFFFFC0] =	vst v0;
	p0 =	slt.u32 s18, $0xF8  }
0x10d: {  	[tilespmem:s17+$0x30] =	vst v0  }
.Ltmp5:
0x10e: {  	[tilespmem:s17+$0x20] =	vst v0;
	(pc) =	sbr.rel @p0 .LBB2_11-.Ltmp5, $4  }
0x10f: {  	[tilespmem:s17+$0x10] =	vst v0  }
0x110: {  	[tilespmem:s17+$0x0] =	vst v0  }
0x111: {  	[tilespmem:s17+$0xFFFFFFF0] =	vst v0  }
0x112: {  	[tilespmem:s17+$0xFFFFFFE0] =	vst v0  }
0x113: {  	s31 =	sadd.s32 $0xF, s19  }
0x114: {  	[tilespmem:s17+$0xFFFFFFD0] =	vst v0;
	s17 =	sshrl.u32 s31, $0x4  }
0x115: {  	p0 =	sne.s32 s17, $0x0  }
.Ltmp6:
0x116: {  	_ = 	snop;
	(pc) =	sbr.rel @!p0 .LBB2_13-.Ltmp6, $1  }
0x117: {  	_ =	sdelay $0x3  }
0x118: {  	v9 =	vmul.u32 s17, v2  }
0x119: {  	p3 =	seq.s32 s17, $0x1  }
.Ltmp7:
0x11a: {  	_ = 	snop;
	(pc) =	sbr.rel @p3 .LBB2_44-.Ltmp7, $3  }
0x11b: {  	_ =	sdelay $0x1  }
0x11c: {  	s18 =	simm.s32 $0x0  }
0x11d: {  	s19 =	simm.s32 $0x1;
	p1 =	por $0x0, $0x0;
	p2 =	por $0x0, $0x0;
	v8 =	vadd.s32 $0x1, v9;
	v11 =	vld.idx.msk [tilespmem:v9+s10+$0x0], $0xffff  }
0x11e: {  	v9 =	vadd.s32 s18, v8;
	p3 =	seq.s32 s17, $0x2  }
.Ltmp8:
0x11f: {  	_ = 	snop;
	(pc) =	sbr.rel @p3 .LBB2_46-.Ltmp8, $2  }
0x120: {  	_ =	sdelay $0x2  }
0x121: {  	s18 =	simm.s32 $0x2;
	p1 =	por $0x1, $0x1;
	v10 =	vshll.u32 v11, $0x4;
	v12 =	vld.idx.msk [tilespmem:v9+s10+$0x0], $0xffff  }
0x122: {  	v11 =	vadd.s32 s19, v8;
	p3 =	seq.s32 s17, $0x3  }
.Ltmp9:
0x123: {  	v9 =	vor.u32 v2, v10;
	(pc) =	sbr.rel @p3 .LBB2_48-.Ltmp9, $2  }
0x124: {  	v9 =	vand.u32 $0xFFF, v9;
	_ =	sdelay $0x2  }
0x125: {  	s19 =	simm.s32 $0x3;
	p2 =	por $0x1, $0x1;
	v10 =	vshll.u32 v12, $0x4;
	v11 =	vld.idx.msk [tilespmem:v11+s10+$0x0], $0xffff  }
.LBB2_49:
0x126: {  	v12 =	vadd.s32 s18, v8;
	s18 =	smov.u32 s19;
	s19 =	sadd.s32 $0x1, s19  }
0x127: {  	v10 =	vor.u32 v2, v10;
	[tilespmem:v9+s15+$0x0] =	vst.idx.add.s32.msk $0xffff, v3;
	p3 =	seq.s32 s17, s19  }
.Ltmp10:
0x128: {  	v9 =	vand.u32 $0xFFF, v10;
	(pc) =	sbr.rel @!p3 .LBB2_49-.Ltmp10, $2  }
0x129: {  	_ =	sdelay $0x2  }
0x12a: {  	v10 =	vshll.u32 v11, $0x4;
	v11 =	vld.idx.msk [tilespmem:v12+s10+$0x0], $0xffff  }
0x12b: {  	_ =	sdelay $0x3  }
0x12c: {  	v12 =	vmov v11  }
.LBB2_51:
0x12d: {  	v8 =	vor.u32 @p1 v2, v10  }
0x12e: {  	v63 =	vshll.u32 v12, $0x4;
	v8 =	vand.u32 @p1 $0xFFF, v8  }
0x12f: {  	v10 =	vor.u32 v2, v63;
	v8 =	vpsel p1, v8, v0  }
0x130: {  	v10 =	vand.u32 $0xFFF, v10;
	_ =	sdelay $0x2  }
0x131: {  	[tilespmem:v9+s15+$0x0] =	vst.idx.add.s32.msk @p2 $0xffff, v3  }
0x132: {  	[tilespmem:v8+s15+$0x0] =	vst.idx.add.s32.msk @p1 $0xffff, v3  }
0x133: {  	[tilespmem:v10+s15+$0x0] =	vst.idx.add.s32.msk $0xffff, v3  }
.LBB2_13:
0x134: {  	s20 =	simm.s32 $0x0  }
0x135: {  	v8 =	vld [tilespmem:s20+$0xA200];
	_ =	sdelay $0x4  }
0x136: {  	v9 =	vld [tilespmem:s20+$0xA210];
	(xrf0) =	vadd.scan.msk.s32 $0xffff, v8;
	_ =	sdelay $0x1  }
0x137: {  	v10 =	vld [tilespmem:s20+$0xA220];
	_ =	sdelay $0x2  }
0x138: {  	(xrf0) =	vadd.scan.msk.s32 $0xffff, v9  }
0x139: {  	v11 =	vld [tilespmem:s20+$0xA230];
	v13, _, _ =	vpop (xrf0)  }
0x13a: {  	(xrf0) =	vadd.scan.msk.s32 $0xffff, v10;
	(v2sf) =	vpush v13, $0xF  }
0x13b: {  	v12 =	vld [tilespmem:s20+$0xA240]  }
0x13c: {  	v15 =	vld [tilespmem:s20+$0xA250]  }
0x13d: {  	v17 =	vld [tilespmem:s20+$0xA260]  }
0x13e: {  	v14, _, _ =	vpop (xrf0);
	(xrf0) =	vadd.scan.msk.s32 $0xffff, v11  }
0x13f: {  	(v2sf) =	vpush v14, $0xF  }
0x140: {  	v16, _, _ =	vpop (xrf0);
	(xrf0) =	vadd.scan.msk.s32 $0xffff, v12  }
0x141: {  	(v2sf) =	vpush v16, $0xF;
	(xrf0) =	vadd.scan.msk.s32 $0xffff, v15  }
0x142: {  	(xrf0) =	vadd.scan.msk.s32 $0xffff, v17;
	_ =	sdelay $0x1  }
0x143: {  	v19 =	vld [tilespmem:s20+$0xA270];
	v18, _, _ =	vpop (xrf0)  }
0x144: {  	(v2sf) =	vpush v18, $0xF  }
0x145: {  	s18 =	simm.s32 $0x0;
	v20, _, _ =	vpop (xrf0)  }
0x146: {  	v8 =	vsub.s32 s18, v8;
	(v2sf) =	vpush v20, $0xF;
	v21, _, _ =	vpop (xrf0)  }
0x147: {  	v8 =	vadd.s32 v13, v8;
	(v2sf) =	vpush v21, $0xF;
	v13, _, _ =	vpop (xrf0)  }
0x148: {  	(xrf0) =	vadd.scan.msk.s32 $0xffff, v19;
	s19 =	spop (v2sf);
	(v2sf) =	vpush v13, $0xF;
	_ =	sdelay $0x1  }
0x149: {  	s18 =	simm.s32 $0x80;
	[tilespmem:s20+$0xA200] =	vst v8  }
0x14a: {  	v14 =	vsub.s32 v14, v9;
	v9 =	vld [tilespmem:s18+$0xA200];
	s19 =	sadd.s32 $0x0, s19  }
0x14b: {  	v8 =	vadd.s32 s19, v14  }
0x14c: {  	s21 =	spop (v2sf);
	[tilespmem:s20+$0xA210] =	vst v8  }
0x14d: {  	v10 =	vsub.s32 v16, v10;
	s19 =	sadd.s32 s19, s21;
	v14, _, _ =	vpop (xrf0);
	v16 =	vld [tilespmem:s18+$0xA210]  }
0x14e: {  	s26 =	spop (v2sf);
	v8 =	vadd.s32 s19, v10;
	(v2sf) =	vpush v14, $0xF  }
0x14f: {  	(xrf0) =	vadd.scan.msk.s32 $0xffff, v9;
	s19 =	sadd.s32 s19, s26;
	[tilespmem:s20+$0xA220] =	vst v8;
	v8 =	vsub.s32 v18, v11  }
0x150: {  	v18 =	vld [tilespmem:s18+$0xA220];
	v8 =	vadd.s32 s19, v8  }
0x151: {  	[tilespmem:s20+$0xA230] =	vst v8  }
0x152: {  	s28 =	spop (v2sf);
	v8 =	vld [tilespmem:s18+$0xA230];
	(xrf0) =	vadd.scan.msk.s32 $0xffff, v16  }
0x153: {  	v10 =	vsub.s32 v20, v12;
	s19 =	sadd.s32 s19, s28  }
0x154: {  	s29 =	spop (v2sf);
	v10 =	vadd.s32 s19, v10  }
0x155: {  	v12 =	vsub.s32 v13, v17;
	v13, _, _ =	vpop (xrf0);
	v11 =	vsub.s32 v21, v15;
	s19 =	sadd.s32 s19, s29;
	s30 =	spop (v2sf);
	[tilespmem:s20+$0xA240] =	vst v10;
	(xrf0) =	vadd.scan.msk.s32 $0xffff, v18  }
0x156: {  	v11 =	vadd.s32 s19, v11;
	v10 =	vld [tilespmem:s18+$0xA240];
	s31 =	spop (v2sf);
	(v2sf) =	vpush v13, $0xF  }
0x157: {  	[tilespmem:s20+$0xA250] =	vst v11;
	(xrf0) =	vadd.scan.msk.s32 $0xffff, v8  }
0x158: {  	v11 =	vld [tilespmem:s18+$0xA250];
	v15, _, _ =	vpop (xrf0)  }
0x159: {  	s19 =	sadd.s32 s19, s30;
	(v2sf) =	vpush v15, $0xF  }
0x15a: {  	v12 =	vadd.s32 s19, v12  }
0x15b: {  	v17 =	vsub.s32 v14, v19;
	[tilespmem:s20+$0xA260] =	vst v12;
	s21 =	sadd.s32 s19, s31;
	v14 =	vsub.s32 v15, v16;
	v15, _, _ =	vpop (xrf0);
	(xrf0) =	vadd.scan.msk.s32 $0xffff, v10  }
0x15c: {  	v12 =	vld [tilespmem:s18+$0xA260];
	v17 =	vadd.s32 s21, v17;
	(v2sf) =	vpush v15, $0xF  }
0x15d: {  	s19 =	simm.s32 $0x400;
	v16 =	vsub.s32 v15, v18;
	(xrf0) =	vadd.scan.msk.s32 $0xffff, v11;
	v15, _, _ =	vpop (xrf0);
	[tilespmem:s20+$0xA270] =	vst v17;
	s22 =	spop (v2sf)  }
.LBB2_14:
0x15e: {  	p1 =	seq.s32 s19, $0x3E00  }
0x15f: {  	v17 =	vld [tilespmem:s18+$0xA270];
	(v2sf) =	vpush v15, $0xF;
	s21 =	sadd.s32 s21, s22;
	s20 =	smov.u32 s19;
	s19 =	sadd.s32 $0x200, s19  }
0x160: {  	v9 =	vsub.s32 s21, v9  }
0x161: {  	v9 =	vadd.s32 v13, v9;
	v13, _, _ =	vpop (xrf0);
	(xrf0) =	vadd.scan.msk.s32 $0xffff, v12  }
0x162: {  	[tilespmem:s18+$0xA200] =	vst v9;
	v10 =	vsub.s32 v13, v10;
	(v2sf) =	vpush v13, $0xF;
	_ =	sdelay $0x1  }
0x163: {  	v9, _, _ =	vpop (xrf0);
	(xrf0) =	vadd.scan.msk.s32 $0xffff, v17  }
0x164: {  	s20 =	sshra.s32 s20, $0x2;
	v11 =	vsub.s32 v9, v11;
	s22 =	spop (v2sf);
	(v2sf) =	vpush v9, $0xF  }
0x165: {  	v9 =	vld [tilespmem:s20+$0xA200];
	s21 =	sadd.s32 s21, s22  }
0x166: {  	v13 =	vadd.s32 s21, v14;
	v14, _, _ =	vpop (xrf0)  }
0x167: {  	[tilespmem:s18+$0xA210] =	vst v13;
	v12 =	vsub.s32 v14, v12;
	s22 =	spop (v2sf);
	(v2sf) =	vpush v14, $0xF  }
0x168: {  	v14 =	vld [tilespmem:s20+$0xA210];
	s21 =	sadd.s32 s21, s22  }
0x169: {  	v13 =	vadd.s32 s21, v16;
	v16, _, _ =	vpop (xrf0)  }
0x16a: {  	(xrf0) =	vadd.scan.msk.s32 $0xffff, v9;
	[tilespmem:s18+$0xA220] =	vst v13;
	v17 =	vsub.s32 v16, v17;
	s22 =	spop (v2sf);
	(v2sf) =	vpush v16, $0xF  }
0x16b: {  	v8 =	vsub.s32 v15, v8;
	v16 =	vld [tilespmem:s20+$0xA220];
	s21 =	sadd.s32 s21, s22  }
0x16c: {  	v8 =	vadd.s32 s21, v8  }
0x16d: {  	(xrf0) =	vadd.scan.msk.s32 $0xffff, v14;
	[tilespmem:s18+$0xA230] =	vst v8;
	s22 =	spop (v2sf)  }
0x16e: {  	v8 =	vld [tilespmem:s20+$0xA230];
	s21 =	sadd.s32 s21, s22  }
0x16f: {  	v10 =	vadd.s32 s21, v10  }
0x170: {  	v13, _, _ =	vpop (xrf0);
	(xrf0) =	vadd.scan.msk.s32 $0xffff, v16;
	[tilespmem:s18+$0xA240] =	vst v10;
	s22 =	spop (v2sf)  }
0x171: {  	v10 =	vld [tilespmem:s20+$0xA240];
	(v2sf) =	vpush v13, $0xF;
	s21 =	sadd.s32 s21, s22  }
0x172: {  	v11 =	vadd.s32 s21, v11  }
0x173: {  	v15, _, _ =	vpop (xrf0);
	(xrf0) =	vadd.scan.msk.s32 $0xffff, v8;
	[tilespmem:s18+$0xA250] =	vst v11;
	s22 =	spop (v2sf)  }
0x174: {  	v14 =	vsub.s32 v15, v14;
	v11 =	vld [tilespmem:s20+$0xA250];
	(v2sf) =	vpush v15, $0xF;
	s21 =	sadd.s32 s21, s22  }
.Ltmp11:
0x175: {  	v12 =	vadd.s32 s21, v12;
	(pc) =	sbr.rel @!p1 .LBB2_14-.Ltmp11, $4  }
0x176: {  	v15, _, _ =	vpop (xrf0);
	(xrf0) =	vadd.scan.msk.s32 $0xffff, v10;
	[tilespmem:s18+$0xA260] =	vst v12;
	s22 =	spop (v2sf)  }
0x177: {  	v16 =	vsub.s32 v15, v16;
	v12 =	vld [tilespmem:s20+$0xA260];
	(v2sf) =	vpush v15, $0xF;
	s21 =	sadd.s32 s21, s22  }
0x178: {  	v17 =	vadd.s32 s21, v17  }
0x179: {  	v15, _, _ =	vpop (xrf0);
	(xrf0) =	vadd.scan.msk.s32 $0xffff, v11;
	[tilespmem:s18+$0xA270] =	vst v17;
	s22 =	spop (v2sf);
	s18 =	smov.u32 s20  }
0x17a: {  	v17 =	vld [tilespmem:s18+$0xA270];
	_ =	sdelay $0x1  }
0x17b: {  	(xrf0) =	vadd.scan.msk.s32 $0xffff, v12;
	_ =	sdelay $0x2  }
0x17c: {  	(xrf0) =	vadd.scan.msk.s32 $0xffff, v17  }
0x17d: {  	(v2sf) =	vpush v15, $0xF;
	v18, _, _ =	vpop (xrf0)  }
0x17e: {  	(v2sf) =	vpush v18, $0xF;
	v19, _, _ =	vpop (xrf0)  }
0x17f: {  	(v2sf) =	vpush v19, $0xF;
	v20, _, _ =	vpop (xrf0)  }
0x180: {  	(v2sf) =	vpush v20, $0xF;
	_ =	sdelay $0x1  }
0x181: {  	v21, _, _ =	vpop (xrf0)  }
0x182: {  	(v2sf) =	vpush v21, $0xF;
	_ =	sdelay $0x4  }
0x183: {  	s19 =	sadd.s32 s21, s22  }
0x184: {  	v9 =	vsub.s32 s19, v9;
	s20 =	spop (v2sf)  }
0x185: {  	v9 =	vadd.s32 v13, v9;
	s19 =	sadd.s32 s19, s20;
	s24 =	spop (v2sf)  }
0x186: {  	[tilespmem:s18+$0xA200] =	vst v9;
	v59 =	vadd.s32 s19, v14;
	s19 =	sadd.s32 s19, s24;
	s25 =	spop (v2sf)  }
0x187: {  	v8 =	vsub.s32 v15, v8;
	[tilespmem:s18+$0xA210] =	vst v59;
	v60 =	vadd.s32 s19, v16;
	s19 =	sadd.s32 s19, s25;
	s26 =	spop (v2sf)  }
0x188: {  	v10 =	vsub.s32 v18, v10;
	[tilespmem:s18+$0xA220] =	vst v60;
	v8 =	vadd.s32 s19, v8;
	s19 =	sadd.s32 s19, s26;
	s28 =	spop (v2sf)  }
.Ltmp12:
0x189: {  	v61 =	vsub.s32 v19, v11;
	[tilespmem:s18+$0xA230] =	vst v8;
	v8 =	vadd.s32 s19, v10;
	s19 =	sadd.s32 s19, s28;
	s29 =	spop (v2sf);
	(pc) =	sbr.rel @!p0 .LBB2_16-.Ltmp12, $4  }
0x18a: {  	v62 =	vsub.s32 v20, v12;
	[tilespmem:s18+$0xA240] =	vst v8;
	v8 =	vadd.s32 s19, v61;
	s19 =	sadd.s32 s19, s29;
	s30 =	spop (v2sf)  }
0x18b: {  	v63 =	vsub.s32 v21, v17;
	[tilespmem:s18+$0xA250] =	vst v8;
	v8 =	vadd.s32 s19, v62;
	s19 =	sadd.s32 s19, s30  }
0x18c: {  	[tilespmem:s18+$0xA260] =	vst v8;
	v8 =	vadd.s32 s19, v63  }
0x18d: {  	[tilespmem:s18+$0xA270] =	vst v8;
	s31 =	spop (v2sf)  }
0x18e: {  	v8 =	vmul.u32 s17, v2  }
0x18f: {  	s18 =	simm.s32 $0x0  }
0x190: {  	v10 =	vadd.s32 s18, v8;
	_ =	sdelay $0x4  }
0x191: {  	v9 =	vld.idx.msk [tilespmem:v10+s10+$0x0], $0xffff;
	_ =	sdelay $0x4  }
0x192: {  	v11 =	vshll.u32 v9, $0x4  }
0x193: {  	v11 =	vor.u32 v2, v11  }
0x194: {  	p1 =	seq.s32 s17, $0x1;
	v11 =	vand.u32 $0xFFF, v11  }
.Ltmp13:
0x195: {  	_ = 	snop;
	(pc) =	sbr.rel @p1 .LBB2_54-.Ltmp13, $3  }
0x196: {  	_ =	sdelay $0x1  }
0x197: {  	v10 =	vld.idx.msk [tilespmem:v10+s11+$0x0], $0xffff  }
0x198: {  	s18 =	simm.s32 $0x1;
	v12 =	vld.idx.msk [tilespmem:v11+s15+$0x0], $0xffff  }
.LBB2_53:
0x199: {  	_ =	sdelay $0x4  }
0x19a: {  	v13 =	vadd.s32 s18, v8;
	_ =	sdelay $0x1  }
0x19b: {  	s18 =	sadd.s32 $0x1, s18;
	[tilespmem:v12+s13+$0x0] =	vst.idx.msk $0xffff, v9  }
0x19c: {  	p1 =	seq.s32 s17, s18;
	[tilespmem:v12+s14+$0x0] =	vst.idx.msk $0xffff, v10  }
0x19d: {  	[tilespmem:v11+s15+$0x0] =	vst.idx.add.s32.msk $0xffff, v3  }
0x19e: {  	v9 =	vld.idx.msk [tilespmem:v13+s10+$0x0], $0xffff  }
0x19f: {  	v10 =	vld.idx.msk [tilespmem:v13+s11+$0x0], $0xffff;
	_ =	sdelay $0x4  }
0x1a0: {  	v11 =	vshll.u32 v9, $0x4  }
0x1a1: {  	v11 =	vor.u32 v2, v11  }
0x1a2: {  	v11 =	vand.u32 $0xFFF, v11  }
.Ltmp14:
0x1a3: {  	(pc) =	sbr.rel @!p1 .LBB2_53-.Ltmp14, $2  }
0x1a4: {  	_ =	sdelay $0x2  }
0x1a5: {  	v12 =	vld.idx.msk [tilespmem:v11+s15+$0x0], $0xffff  }
.LBB2_54:
0x1a6: {  	_ =	sdelay $0x7  }
0x1a7: {  	[tilespmem:v12+s13+$0x0] =	vst.idx.msk $0xffff, v9  }
0x1a8: {  	[tilespmem:v12+s14+$0x0] =	vst.idx.msk $0xffff, v10  }
0x1a9: {  	[tilespmem:v11+s15+$0x0] =	vst.idx.add.s32.msk $0xffff, v3  }
.LBB2_16:
0x1aa: {  	s18 =	simm.s32 $0xA240  }
0x1ab: {  	[tilespmem:s18+$0xFFFFFFC0] =	vst v0  }
0x1ac: {  	[tilespmem:s18+$0x30] =	vst v0  }
0x1ad: {  	[tilespmem:s18+$0x20] =	vst v0  }
0x1ae: {  	[tilespmem:s18+$0x10] =	vst v0  }
0x1af: {  	[tilespmem:s18+$0x0] =	vst v0  }
0x1b0: {  	[tilespmem:s18+$0xFFFFFFF0] =	vst v0  }
0x1b1: {  	s19 =	simm.s32 $0x0;
	[tilespmem:s18+$0xFFFFFFE0] =	vst v0  }
.LBB2_17:
0x1b2: {  	s19 =	sadd.s32 $0x8, s19;
	[tilespmem:s18+$0xFFFFFFD0] =	vst v0;
	s18 =	sadd.s32 $0x80, s18  }
0x1b3: {  	[tilespmem:s18+$0xFFFFFFC0] =	vst v0;
	p1 =	slt.u32 s19, $0xF8  }
0x1b4: {  	[tilespmem:s18+$0x30] =	vst v0  }
.Ltmp15:
0x1b5: {  	[tilespmem:s18+$0x20] =	vst v0;
	(pc) =	sbr.rel @p1 .LBB2_17-.Ltmp15, $4  }
0x1b6: {  	[tilespmem:s18+$0x10] =	vst v0  }
0x1b7: {  	[tilespmem:s18+$0x0] =	vst v0  }
0x1b8: {  	[tilespmem:s18+$0xFFFFFFF0] =	vst v0  }
0x1b9: {  	[tilespmem:s18+$0xFFFFFFE0] =	vst v0  }
.Ltmp16:
0x1ba: {  	(pc) =	sbr.rel @!p0 .LBB2_19-.Ltmp16, $2  }
0x1bb: {  	_ =	sdelay $0x2  }
0x1bc: {  	[tilespmem:s18+$0xFFFFFFD0] =	vst v0  }
0x1bd: {  	v9 =	vmul.u32 s17, v2  }
0x1be: {  	p3 =	seq.s32 s17, $0x1  }
.Ltmp17:
0x1bf: {  	_ = 	snop;
	(pc) =	sbr.rel @p3 .LBB2_56-.Ltmp17, $3  }
0x1c0: {  	_ =	sdelay $0x1  }
0x1c1: {  	s18 =	simm.s32 $0x0  }
0x1c2: {  	s19 =	simm.s32 $0x1;
	p1 =	por $0x0, $0x0;
	p2 =	por $0x0, $0x0;
	v8 =	vadd.s32 $0x1, v9;
	v11 =	vld.idx.msk [tilespmem:v9+s13+$0x0], $0xffff  }
0x1c3: {  	v9 =	vadd.s32 s18, v8;
	p3 =	seq.s32 s17, $0x2  }
.Ltmp18:
0x1c4: {  	_ = 	snop;
	(pc) =	sbr.rel @p3 .LBB2_58-.Ltmp18, $2  }
0x1c5: {  	_ =	sdelay $0x2  }
0x1c6: {  	s18 =	simm.s32 $0x2;
	p1 =	por $0x1, $0x1;
	v10 =	vshrl.u32 v11, $0x4;
	v12 =	vld.idx.msk [tilespmem:v9+s13+$0x0], $0xffff  }
0x1c7: {  	v11 =	vadd.s32 s19, v8;
	p3 =	seq.s32 s17, $0x3  }
.Ltmp19:
0x1c8: {  	v9 =	vand.u32 $0xFF0, v10;
	(pc) =	sbr.rel @p3 .LBB2_60-.Ltmp19, $2  }
0x1c9: {  	v9 =	vor.u32 v2, v9;
	_ =	sdelay $0x2  }
0x1ca: {  	s19 =	simm.s32 $0x3;
	p2 =	por $0x1, $0x1;
	v10 =	vshrl.u32 v12, $0x4;
	v11 =	vld.idx.msk [tilespmem:v11+s13+$0x0], $0xffff  }
.LBB2_61:
0x1cb: {  	v12 =	vadd.s32 s18, v8;
	s18 =	smov.u32 s19;
	s19 =	sadd.s32 $0x1, s19  }
0x1cc: {  	v10 =	vand.u32 $0xFF0, v10;
	[tilespmem:v9+s15+$0x0] =	vst.idx.add.s32.msk $0xffff, v3;
	p3 =	seq.s32 s17, s19  }
.Ltmp20:
0x1cd: {  	v9 =	vor.u32 v2, v10;
	(pc) =	sbr.rel @!p3 .LBB2_61-.Ltmp20, $2  }
0x1ce: {  	_ =	sdelay $0x2  }
0x1cf: {  	v10 =	vshrl.u32 v11, $0x4;
	v11 =	vld.idx.msk [tilespmem:v12+s13+$0x0], $0xffff  }
0x1d0: {  	_ =	sdelay $0x3  }
0x1d1: {  	v12 =	vmov v11  }
.LBB2_63:
0x1d2: {  	v8 =	vand.u32 @p1 $0xFF0, v10  }
0x1d3: {  	v63 =	vshrl.u32 v12, $0x4;
	v8 =	vor.u32 @p1 v2, v8  }
0x1d4: {  	v10 =	vand.u32 $0xFF0, v63;
	v8 =	vpsel p1, v8, v0  }
0x1d5: {  	v10 =	vor.u32 v2, v10;
	_ =	sdelay $0x2  }
0x1d6: {  	[tilespmem:v9+s15+$0x0] =	vst.idx.add.s32.msk @p2 $0xffff, v3  }
0x1d7: {  	[tilespmem:v8+s15+$0x0] =	vst.idx.add.s32.msk @p1 $0xffff, v3  }
0x1d8: {  	[tilespmem:v10+s15+$0x0] =	vst.idx.add.s32.msk $0xffff, v3  }
.LBB2_19:
0x1d9: {  	s20 =	simm.s32 $0x0  }
0x1da: {  	v8 =	vld [tilespmem:s20+$0xA200];
	_ =	sdelay $0x4  }
0x1db: {  	v9 =	vld [tilespmem:s20+$0xA210];
	(xrf0) =	vadd.scan.msk.s32 $0xffff, v8;
	_ =	sdelay $0x1  }
0x1dc: {  	v10 =	vld [tilespmem:s20+$0xA220];
	_ =	sdelay $0x2  }
0x1dd: {  	(xrf0) =	vadd.scan.msk.s32 $0xffff, v9  }
0x1de: {  	v11 =	vld [tilespmem:s20+$0xA230];
	v13, _, _ =	vpop (xrf0)  }
0x1df: {  	(xrf0) =	vadd.scan.msk.s32 $0xffff, v10;
	(v2sf) =	vpush v13, $0xF  }
0x1e0: {  	v12 =	vld [tilespmem:s20+$0xA240]  }
0x1e1: {  	v15 =	vld [tilespmem:s20+$0xA250]  }
0x1e2: {  	v17 =	vld [tilespmem:s20+$0xA260]  }
0x1e3: {  	v14, _, _ =	vpop (xrf0);
	(xrf0) =	vadd.scan.msk.s32 $0xffff, v11  }
0x1e4: {  	(v2sf) =	vpush v14, $0xF  }
0x1e5: {  	v16, _, _ =	vpop (xrf0);
	(xrf0) =	vadd.scan.msk.s32 $0xffff, v12  }
0x1e6: {  	(v2sf) =	vpush v16, $0xF;
	(xrf0) =	vadd.scan.msk.s32 $0xffff, v15  }
0x1e7: {  	(xrf0) =	vadd.scan.msk.s32 $0xffff, v17;
	_ =	sdelay $0x1  }
0x1e8: {  	v19 =	vld [tilespmem:s20+$0xA270];
	v18, _, _ =	vpop (xrf0)  }
0x1e9: {  	(v2sf) =	vpush v18, $0xF  }
0x1ea: {  	s18 =	simm.s32 $0x0;
	v20, _, _ =	vpop (xrf0)  }
0x1eb: {  	v8 =	vsub.s32 s18, v8;
	(v2sf) =	vpush v20, $0xF;
	v21, _, _ =	vpop (xrf0)  }
0x1ec: {  	v8 =	vadd.s32 v13, v8;
	(v2sf) =	vpush v21, $0xF;
	v13, _, _ =	vpop (xrf0)  }
0x1ed: {  	(xrf0) =	vadd.scan.msk.s32 $0xffff, v19;
	s19 =	spop (v2sf);
	(v2sf) =	vpush v13, $0xF;
	_ =	sdelay $0x1  }
0x1ee: {  	s18 =	simm.s32 $0x80;
	[tilespmem:s20+$0xA200] =	vst v8  }
0x1ef: {  	v14 =	vsub.s32 v14, v9;
	v9 =	vld [tilespmem:s18+$0xA200];
	s19 =	sadd.s32 $0x0, s19  }
0x1f0: {  	v8 =	vadd.s32 s19, v14  }
0x1f1: {  	s21 =	spop (v2sf);
	[tilespmem:s20+$0xA210] =	vst v8  }
0x1f2: {  	v10 =	vsub.s32 v16, v10;
	s19 =	sadd.s32 s19, s21;
	v14, _, _ =	vpop (xrf0);
	v16 =	vld [tilespmem:s18+$0xA210]  }
0x1f3: {  	s26 =	spop (v2sf);
	v8 =	vadd.s32 s19, v10;
	(v2sf) =	vpush v14, $0xF  }
0x1f4: {  	(xrf0) =	vadd.scan.msk.s32 $0xffff, v9;
	s19 =	sadd.s32 s19, s26;
	[tilespmem:s20+$0xA220] =	vst v8;
	v8 =	vsub.s32 v18, v11  }
0x1f5: {  	v18 =	vld [tilespmem:s18+$0xA220];
	v8 =	vadd.s32 s19, v8  }
0x1f6: {  	[tilespmem:s20+$0xA230] =	vst v8  }
0x1f7: {  	s28 =	spop (v2sf);
	v8 =	vld [tilespmem:s18+$0xA230];
	(xrf0) =	vadd.scan.msk.s32 $0xffff, v16  }
0x1f8: {  	v10 =	vsub.s32 v20, v12;
	s19 =	sadd.s32 s19, s28  }
0x1f9: {  	s29 =	spop (v2sf);
	v10 =	vadd.s32 s19, v10  }
0x1fa: {  	v12 =	vsub.s32 v13, v17;
	v13, _, _ =	vpop (xrf0);
	v11 =	vsub.s32 v21, v15;
	s19 =	sadd.s32 s19, s29;
	s30 =	spop (v2sf);
	[tilespmem:s20+$0xA240] =	vst v10;
	(xrf0) =	vadd.scan.msk.s32 $0xffff, v18  }
0x1fb: {  	v11 =	vadd.s32 s19, v11;
	v10 =	vld [tilespmem:s18+$0xA240];
	s31 =	spop (v2sf);
	(v2sf) =	vpush v13, $0xF  }
0x1fc: {  	[tilespmem:s20+$0xA250] =	vst v11;
	(xrf0) =	vadd.scan.msk.s32 $0xffff, v8  }
0x1fd: {  	v11 =	vld [tilespmem:s18+$0xA250];
	v15, _, _ =	vpop (xrf0)  }
0x1fe: {  	s19 =	sadd.s32 s19, s30;
	(v2sf) =	vpush v15, $0xF  }
0x1ff: {  	v12 =	vadd.s32 s19, v12  }
0x200: {  	v17 =	vsub.s32 v14, v19;
	[tilespmem:s20+$0xA260] =	vst v12;
	s21 =	sadd.s32 s19, s31;
	v14 =	vsub.s32 v15, v16;
	v15, _, _ =	vpop (xrf0);
	(xrf0) =	vadd.scan.msk.s32 $0xffff, v10  }
0x201: {  	v12 =	vld [tilespmem:s18+$0xA260];
	v17 =	vadd.s32 s21, v17;
	(v2sf) =	vpush v15, $0xF  }
0x202: {  	s19 =	simm.s32 $0x400;
	v16 =	vsub.s32 v15, v18;
	(xrf0) =	vadd.scan.msk.s32 $0xffff, v11;
	v15, _, _ =	vpop (xrf0);
	[tilespmem:s20+$0xA270] =	vst v17;
	s22 =	spop (v2sf)  }
.LBB2_20:
0x203: {  	p1 =	seq.s32 s19, $0x3E00  }
0x204: {  	v17 =	vld [tilespmem:s18+$0xA270];
	(v2sf) =	vpush v15, $0xF;
	s21 =	sadd.s32 s21, s22;
	s20 =	smov.u32 s19;
	s19 =	sadd.s32 $0x200, s19  }
0x205: {  	v9 =	vsub.s32 s21, v9  }
0x206: {  	v9 =	vadd.s32 v13, v9;
	v13, _, _ =	vpop (xrf0);
	(xrf0) =	vadd.scan.msk.s32 $0xffff, v12  }
0x207: {  	[tilespmem:s18+$0xA200] =	vst v9;
	v10 =	vsub.s32 v13, v10;
	(v2sf) =	vpush v13, $0xF;
	_ =	sdelay $0x1  }
0x208: {  	v9, _, _ =	vpop (xrf0);
	(xrf0) =	vadd.scan.msk.s32 $0xffff, v17  }
0x209: {  	s20 =	sshra.s32 s20, $0x2;
	v11 =	vsub.s32 v9, v11;
	s22 =	spop (v2sf);
	(v2sf) =	vpush v9, $0xF  }
0x20a: {  	v9 =	vld [tilespmem:s20+$0xA200];
	s21 =	sadd.s32 s21, s22  }
0x20b: {  	v13 =	vadd.s32 s21, v14;
	v14, _, _ =	vpop (xrf0)  }
0x20c: {  	[tilespmem:s18+$0xA210] =	vst v13;
	v12 =	vsub.s32 v14, v12;
	s22 =	spop (v2sf);
	(v2sf) =	vpush v14, $0xF  }
0x20d: {  	v14 =	vld [tilespmem:s20+$0xA210];
	s21 =	sadd.s32 s21, s22  }
0x20e: {  	v13 =	vadd.s32 s21, v16;
	v16, _, _ =	vpop (xrf0)  }
0x20f: {  	(xrf0) =	vadd.scan.msk.s32 $0xffff, v9;
	[tilespmem:s18+$0xA220] =	vst v13;
	v17 =	vsub.s32 v16, v17;
	s22 =	spop (v2sf);
	(v2sf) =	vpush v16, $0xF  }
0x210: {  	v8 =	vsub.s32 v15, v8;
	v16 =	vld [tilespmem:s20+$0xA220];
	s21 =	sadd.s32 s21, s22  }
0x211: {  	v8 =	vadd.s32 s21, v8  }
0x212: {  	(xrf0) =	vadd.scan.msk.s32 $0xffff, v14;
	[tilespmem:s18+$0xA230] =	vst v8;
	s22 =	spop (v2sf)  }
0x213: {  	v8 =	vld [tilespmem:s20+$0xA230];
	s21 =	sadd.s32 s21, s22  }
0x214: {  	v10 =	vadd.s32 s21, v10  }
0x215: {  	v13, _, _ =	vpop (xrf0);
	(xrf0) =	vadd.scan.msk.s32 $0xffff, v16;
	[tilespmem:s18+$0xA240] =	vst v10;
	s22 =	spop (v2sf)  }
0x216: {  	v10 =	vld [tilespmem:s20+$0xA240];
	(v2sf) =	vpush v13, $0xF;
	s21 =	sadd.s32 s21, s22  }
0x217: {  	v11 =	vadd.s32 s21, v11  }
0x218: {  	v15, _, _ =	vpop (xrf0);
	(xrf0) =	vadd.scan.msk.s32 $0xffff, v8;
	[tilespmem:s18+$0xA250] =	vst v11;
	s22 =	spop (v2sf)  }
0x219: {  	v14 =	vsub.s32 v15, v14;
	v11 =	vld [tilespmem:s20+$0xA250];
	(v2sf) =	vpush v15, $0xF;
	s21 =	sadd.s32 s21, s22  }
.Ltmp21:
0x21a: {  	v12 =	vadd.s32 s21, v12;
	(pc) =	sbr.rel @!p1 .LBB2_20-.Ltmp21, $4  }
0x21b: {  	v15, _, _ =	vpop (xrf0);
	(xrf0) =	vadd.scan.msk.s32 $0xffff, v10;
	[tilespmem:s18+$0xA260] =	vst v12;
	s22 =	spop (v2sf)  }
0x21c: {  	v16 =	vsub.s32 v15, v16;
	v12 =	vld [tilespmem:s20+$0xA260];
	(v2sf) =	vpush v15, $0xF;
	s21 =	sadd.s32 s21, s22  }
0x21d: {  	v17 =	vadd.s32 s21, v17  }
0x21e: {  	v15, _, _ =	vpop (xrf0);
	(xrf0) =	vadd.scan.msk.s32 $0xffff, v11;
	[tilespmem:s18+$0xA270] =	vst v17;
	s22 =	spop (v2sf);
	s18 =	smov.u32 s20  }
0x21f: {  	v17 =	vld [tilespmem:s18+$0xA270];
	_ =	sdelay $0x1  }
0x220: {  	(xrf0) =	vadd.scan.msk.s32 $0xffff, v12;
	_ =	sdelay $0x2  }
0x221: {  	(xrf0) =	vadd.scan.msk.s32 $0xffff, v17  }
0x222: {  	(v2sf) =	vpush v15, $0xF;
	v18, _, _ =	vpop (xrf0)  }
0x223: {  	(v2sf) =	vpush v18, $0xF;
	v19, _, _ =	vpop (xrf0)  }
0x224: {  	(v2sf) =	vpush v19, $0xF;
	v20, _, _ =	vpop (xrf0)  }
0x225: {  	(v2sf) =	vpush v20, $0xF;
	_ =	sdelay $0x1  }
0x226: {  	v21, _, _ =	vpop (xrf0)  }
0x227: {  	(v2sf) =	vpush v21, $0xF;
	_ =	sdelay $0x4  }
0x228: {  	s19 =	sadd.s32 s21, s22  }
0x229: {  	v9 =	vsub.s32 s19, v9;
	s20 =	spop (v2sf)  }
0x22a: {  	v9 =	vadd.s32 v13, v9;
	s19 =	sadd.s32 s19, s20;
	s24 =	spop (v2sf)  }
0x22b: {  	[tilespmem:s18+$0xA200] =	vst v9;
	v59 =	vadd.s32 s19, v14;
	s19 =	sadd.s32 s19, s24;
	s25 =	spop (v2sf)  }
0x22c: {  	v8 =	vsub.s32 v15, v8;
	[tilespmem:s18+$0xA210] =	vst v59;
	v60 =	vadd.s32 s19, v16;
	s19 =	sadd.s32 s19, s25;
	s26 =	spop (v2sf)  }
0x22d: {  	v10 =	vsub.s32 v18, v10;
	[tilespmem:s18+$0xA220] =	vst v60;
	v8 =	vadd.s32 s19, v8;
	s19 =	sadd.s32 s19, s26;
	s28 =	spop (v2sf)  }
.Ltmp22:
0x22e: {  	v61 =	vsub.s32 v19, v11;
	[tilespmem:s18+$0xA230] =	vst v8;
	v8 =	vadd.s32 s19, v10;
	s19 =	sadd.s32 s19, s28;
	s29 =	spop (v2sf);
	(pc) =	sbr.rel @!p0 .LBB2_22-.Ltmp22, $4  }
0x22f: {  	v62 =	vsub.s32 v20, v12;
	[tilespmem:s18+$0xA240] =	vst v8;
	v8 =	vadd.s32 s19, v61;
	s19 =	sadd.s32 s19, s29;
	s30 =	spop (v2sf)  }
0x230: {  	v63 =	vsub.s32 v21, v17;
	[tilespmem:s18+$0xA250] =	vst v8;
	v8 =	vadd.s32 s19, v62;
	s19 =	sadd.s32 s19, s30  }
0x231: {  	[tilespmem:s18+$0xA260] =	vst v8;
	v8 =	vadd.s32 s19, v63  }
0x232: {  	[tilespmem:s18+$0xA270] =	vst v8;
	s31 =	spop (v2sf)  }
0x233: {  	v8 =	vmul.u32 s17, v2  }
0x234: {  	s18 =	simm.s32 $0x0  }
0x235: {  	v10 =	vadd.s32 s18, v8;
	_ =	sdelay $0x4  }
0x236: {  	v9 =	vld.idx.msk [tilespmem:v10+s13+$0x0], $0xffff;
	_ =	sdelay $0x4  }
0x237: {  	v11 =	vshrl.u32 v9, $0x4  }
0x238: {  	v11 =	vand.u32 $0xFF0, v11  }
0x239: {  	p1 =	seq.s32 s17, $0x1;
	v11 =	vor.u32 v2, v11  }
.Ltmp23:
0x23a: {  	_ = 	snop;
	(pc) =	sbr.rel @p1 .LBB2_66-.Ltmp23, $3  }
0x23b: {  	_ =	sdelay $0x1  }
0x23c: {  	v10 =	vld.idx.msk [tilespmem:v10+s14+$0x0], $0xffff  }
0x23d: {  	s18 =	simm.s32 $0x1;
	v12 =	vld.idx.msk [tilespmem:v11+s15+$0x0], $0xffff  }
.LBB2_65:
0x23e: {  	_ =	sdelay $0x4  }
0x23f: {  	v13 =	vadd.s32 s18, v8;
	_ =	sdelay $0x1  }
0x240: {  	s18 =	sadd.s32 $0x1, s18;
	[tilespmem:v12+s10+$0x0] =	vst.idx.msk $0xffff, v9  }
0x241: {  	p1 =	seq.s32 s17, s18;
	[tilespmem:v12+s11+$0x0] =	vst.idx.msk $0xffff, v10  }
0x242: {  	[tilespmem:v11+s15+$0x0] =	vst.idx.add.s32.msk $0xffff, v3  }
0x243: {  	v9 =	vld.idx.msk [tilespmem:v13+s13+$0x0], $0xffff  }
0x244: {  	v10 =	vld.idx.msk [tilespmem:v13+s14+$0x0], $0xffff;
	_ =	sdelay $0x4  }
0x245: {  	v11 =	vshrl.u32 v9, $0x4  }
0x246: {  	v11 =	vand.u32 $0xFF0, v11  }
0x247: {  	v11 =	vor.u32 v2, v11  }
.Ltmp24:
0x248: {  	(pc) =	sbr.rel @!p1 .LBB2_65-.Ltmp24, $2  }
0x249: {  	_ =	sdelay $0x2  }
0x24a: {  	v12 =	vld.idx.msk [tilespmem:v11+s15+$0x0], $0xffff  }
.LBB2_66:
0x24b: {  	_ =	sdelay $0x7  }
0x24c: {  	[tilespmem:v12+s10+$0x0] =	vst.idx.msk $0xffff, v9  }
0x24d: {  	[tilespmem:v12+s11+$0x0] =	vst.idx.msk $0xffff, v10  }
0x24e: {  	[tilespmem:v11+s15+$0x0] =	vst.idx.add.s32.msk $0xffff, v3  }
.LBB2_22:
0x24f: {  	s18 =	simm.s32 $0xA240  }
0x250: {  	[tilespmem:s18+$0xFFFFFFC0] =	vst v0  }
0x251: {  	[tilespmem:s18+$0x30] =	vst v0  }
0x252: {  	[tilespmem:s18+$0x20] =	vst v0  }
0x253: {  	[tilespmem:s18+$0x10] =	vst v0  }
0x254: {  	[tilespmem:s18+$0x0] =	vst v0  }
0x255: {  	[tilespmem:s18+$0xFFFFFFF0] =	vst v0  }
0x256: {  	s19 =	simm.s32 $0x0;
	[tilespmem:s18+$0xFFFFFFE0] =	vst v0  }
.LBB2_23:
0x257: {  	s19 =	sadd.s32 $0x8, s19;
	[tilespmem:s18+$0xFFFFFFD0] =	vst v0;
	s18 =	sadd.s32 $0x80, s18  }
0x258: {  	[tilespmem:s18+$0xFFFFFFC0] =	vst v0;
	p1 =	slt.u32 s19, $0xF8  }
0x259: {  	[tilespmem:s18+$0x30] =	vst v0  }
.Ltmp25:
0x25a: {  	[tilespmem:s18+$0x20] =	vst v0;
	(pc) =	sbr.rel @p1 .LBB2_23-.Ltmp25, $4  }
0x25b: {  	[tilespmem:s18+$0x10] =	vst v0  }
0x25c: {  	[tilespmem:s18+$0x0] =	vst v0  }
0x25d: {  	[tilespmem:s18+$0xFFFFFFF0] =	vst v0  }
0x25e: {  	[tilespmem:s18+$0xFFFFFFE0] =	vst v0  }
.Ltmp26:
0x25f: {  	(pc) =	sbr.rel @!p0 .LBB2_25-.Ltmp26, $2  }
0x260: {  	_ =	sdelay $0x2  }
0x261: {  	[tilespmem:s18+$0xFFFFFFD0] =	vst v0  }
0x262: {  	v9 =	vmul.u32 s17, v2  }
0x263: {  	p3 =	seq.s32 s17, $0x1  }
.Ltmp27:
0x264: {  	_ = 	snop;
	(pc) =	sbr.rel @p3 .LBB2_68-.Ltmp27, $3  }
0x265: {  	_ =	sdelay $0x1  }
0x266: {  	s18 =	simm.s32 $0x0  }
0x267: {  	s19 =	simm.s32 $0x1;
	p1 =	por $0x0, $0x0;
	p2 =	por $0x0, $0x0;
	v8 =	vadd.s32 $0x1, v9;
	v11 =	vld.idx.msk [tilespmem:v9+s10+$0x0], $0xffff  }
0x268: {  	v9 =	vadd.s32 s18, v8;
	p3 =	seq.s32 s17, $0x2  }
.Ltmp28:
0x269: {  	_ = 	snop;
	(pc) =	sbr.rel @p3 .LBB2_70-.Ltmp28, $2  }
0x26a: {  	_ =	sdelay $0x2  }
0x26b: {  	s18 =	simm.s32 $0x2;
	p1 =	por $0x1, $0x1;
	v10 =	vshrl.u32 v11, $0xC;
	v12 =	vld.idx.msk [tilespmem:v9+s10+$0x0], $0xffff  }
0x26c: {  	v11 =	vadd.s32 s19, v8;
	p3 =	seq.s32 s17, $0x3  }
.Ltmp29:
0x26d: {  	v9 =	vand.u32 $0xFF0, v10;
	(pc) =	sbr.rel @p3 .LBB2_72-.Ltmp29, $2  }
0x26e: {  	v9 =	vor.u32 v2, v9;
	_ =	sdelay $0x2  }
0x26f: {  	s19 =	simm.s32 $0x3;
	p2 =	por $0x1, $0x1;
	v10 =	vshrl.u32 v12, $0xC;
	v11 =	vld.idx.msk [tilespmem:v11+s10+$0x0], $0xffff  }
.LBB2_73:
0x270: {  	v12 =	vadd.s32 s18, v8;
	s18 =	smov.u32 s19;
	s19 =	sadd.s32 $0x1, s19  }
0x271: {  	v10 =	vand.u32 $0xFF0, v10;
	[tilespmem:v9+s15+$0x0] =	vst.idx.add.s32.msk $0xffff, v3;
	p3 =	seq.s32 s17, s19  }
.Ltmp30:
0x272: {  	v9 =	vor.u32 v2, v10;
	(pc) =	sbr.rel @!p3 .LBB2_73-.Ltmp30, $2  }
0x273: {  	_ =	sdelay $0x2  }
0x274: {  	v10 =	vshrl.u32 v11, $0xC;
	v11 =	vld.idx.msk [tilespmem:v12+s10+$0x0], $0xffff  }
0x275: {  	_ =	sdelay $0x3  }
0x276: {  	v12 =	vmov v11  }
.LBB2_75:
0x277: {  	v8 =	vand.u32 @p1 $0xFF0, v10  }
0x278: {  	v63 =	vshrl.u32 v12, $0xC;
	v8 =	vor.u32 @p1 v2, v8  }
0x279: {  	v10 =	vand.u32 $0xFF0, v63;
	v8 =	vpsel p1, v8, v0  }
0x27a: {  	v10 =	vor.u32 v2, v10;
	_ =	sdelay $0x2  }
0x27b: {  	[tilespmem:v9+s15+$0x0] =	vst.idx.add.s32.msk @p2 $0xffff, v3  }
0x27c: {  	[tilespmem:v8+s15+$0x0] =	vst.idx.add.s32.msk @p1 $0xffff, v3  }
0x27d: {  	[tilespmem:v10+s15+$0x0] =	vst.idx.add.s32.msk $0xffff, v3  }
.LBB2_25:
0x27e: {  	s20 =	simm.s32 $0x0  }
0x27f: {  	v8 =	vld [tilespmem:s20+$0xA200];
	_ =	sdelay $0x4  }
0x280: {  	v9 =	vld [tilespmem:s20+$0xA210];
	(xrf0) =	vadd.scan.msk.s32 $0xffff, v8;
	_ =	sdelay $0x1  }
0x281: {  	v10 =	vld [tilespmem:s20+$0xA220];
	_ =	sdelay $0x2  }
0x282: {  	(xrf0) =	vadd.scan.msk.s32 $0xffff, v9  }
0x283: {  	v11 =	vld [tilespmem:s20+$0xA230];
	v13, _, _ =	vpop (xrf0)  }
0x284: {  	(xrf0) =	vadd.scan.msk.s32 $0xffff, v10;
	(v2sf) =	vpush v13, $0xF  }
0x285: {  	v12 =	vld [tilespmem:s20+$0xA240]  }
0x286: {  	v15 =	vld [tilespmem:s20+$0xA250]  }
0x287: {  	v17 =	vld [tilespmem:s20+$0xA260]  }
0x288: {  	v14, _, _ =	vpop (xrf0);
	(xrf0) =	vadd.scan.msk.s32 $0xffff, v11  }
0x289: {  	(v2sf) =	vpush v14, $0xF  }
0x28a: {  	v16, _, _ =	vpop (xrf0);
	(xrf0) =	vadd.scan.msk.s32 $0xffff, v12  }
0x28b: {  	(v2sf) =	vpush v16, $0xF;
	(xrf0) =	vadd.scan.msk.s32 $0xffff, v15  }
0x28c: {  	(xrf0) =	vadd.scan.msk.s32 $0xffff, v17;
	_ =	sdelay $0x1  }
0x28d: {  	v19 =	vld [tilespmem:s20+$0xA270];
	v18, _, _ =	vpop (xrf0)  }
0x28e: {  	(v2sf) =	vpush v18, $0xF  }
0x28f: {  	s18 =	simm.s32 $0x0;
	v20, _, _ =	vpop (xrf0)  }
0x290: {  	v8 =	vsub.s32 s18, v8;
	(v2sf) =	vpush v20, $0xF;
	v21, _, _ =	vpop (xrf0)  }
0x291: {  	v8 =	vadd.s32 v13, v8;
	(v2sf) =	vpush v21, $0xF;
	v13, _, _ =	vpop (xrf0)  }
0x292: {  	(xrf0) =	vadd.scan.msk.s32 $0xffff, v19;
	s19 =	spop (v2sf);
	(v2sf) =	vpush v13, $0xF;
	_ =	sdelay $0x1  }
0x293: {  	s18 =	simm.s32 $0x80;
	[tilespmem:s20+$0xA200] =	vst v8  }
0x294: {  	v14 =	vsub.s32 v14, v9;
	v9 =	vld [tilespmem:s18+$0xA200];
	s19 =	sadd.s32 $0x0, s19  }
0x295: {  	v8 =	vadd.s32 s19, v14  }
0x296: {  	s21 =	spop (v2sf);
	[tilespmem:s20+$0xA210] =	vst v8  }
0x297: {  	v10 =	vsub.s32 v16, v10;
	s19 =	sadd.s32 s19, s21;
	v14, _, _ =	vpop (xrf0);
	v16 =	vld [tilespmem:s18+$0xA210]  }
0x298: {  	s26 =	spop (v2sf);
	v8 =	vadd.s32 s19, v10;
	(v2sf) =	vpush v14, $0xF  }
0x299: {  	(xrf0) =	vadd.scan.msk.s32 $0xffff, v9;
	s19 =	sadd.s32 s19, s26;
	[tilespmem:s20+$0xA220] =	vst v8;
	v8 =	vsub.s32 v18, v11  }
0x29a: {  	v18 =	vld [tilespmem:s18+$0xA220];
	v8 =	vadd.s32 s19, v8  }
0x29b: {  	[tilespmem:s20+$0xA230] =	vst v8  }
0x29c: {  	s28 =	spop (v2sf);
	v8 =	vld [tilespmem:s18+$0xA230];
	(xrf0) =	vadd.scan.msk.s32 $0xffff, v16  }
0x29d: {  	v10 =	vsub.s32 v20, v12;
	s19 =	sadd.s32 s19, s28  }
0x29e: {  	s29 =	spop (v2sf);
	v10 =	vadd.s32 s19, v10  }
0x29f: {  	v12 =	vsub.s32 v13, v17;
	v13, _, _ =	vpop (xrf0);
	v11 =	vsub.s32 v21, v15;
	s19 =	sadd.s32 s19, s29;
	s30 =	spop (v2sf);
	[tilespmem:s20+$0xA240] =	vst v10;
	(xrf0) =	vadd.scan.msk.s32 $0xffff, v18  }
0x2a0: {  	v11 =	vadd.s32 s19, v11;
	v10 =	vld [tilespmem:s18+$0xA240];
	s31 =	spop (v2sf);
	(v2sf) =	vpush v13, $0xF  }
0x2a1: {  	[tilespmem:s20+$0xA250] =	vst v11;
	(xrf0) =	vadd.scan.msk.s32 $0xffff, v8  }
0x2a2: {  	v11 =	vld [tilespmem:s18+$0xA250];
	v15, _, _ =	vpop (xrf0)  }
0x2a3: {  	s19 =	sadd.s32 s19, s30;
	(v2sf) =	vpush v15, $0xF  }
0x2a4: {  	v12 =	vadd.s32 s19, v12  }
0x2a5: {  	v17 =	vsub.s32 v14, v19;
	[tilespmem:s20+$0xA260] =	vst v12;
	s21 =	sadd.s32 s19, s31;
	v14 =	vsub.s32 v15, v16;
	v15, _, _ =	vpop (xrf0);
	(xrf0) =	vadd.scan.msk.s32 $0xffff, v10  }
0x2a6: {  	v12 =	vld [tilespmem:s18+$0xA260];
	v17 =	vadd.s32 s21, v17;
	(v2sf) =	vpush v15, $0xF  }
0x2a7: {  	s19 =	simm.s32 $0x400;
	v16 =	vsub.s32 v15, v18;
	(xrf0) =	vadd.scan.msk.s32 $0xffff, v11;
	v15, _, _ =	vpop (xrf0);
	[tilespmem:s20+$0xA270] =	vst v17;
	s22 =	spop (v2sf)  }
.LBB2_26:
0x2a8: {  	p1 =	seq.s32 s19, $0x3E00  }
0x2a9: {  	v17 =	vld [tilespmem:s18+$0xA270];
	(v2sf) =	vpush v15, $0xF;
	s21 =	sadd.s32 s21, s22;
	s20 =	smov.u32 s19;
	s19 =	sadd.s32 $0x200, s19  }
0x2aa: {  	v9 =	vsub.s32 s21, v9  }
0x2ab: {  	v9 =	vadd.s32 v13, v9;
	v13, _, _ =	vpop (xrf0);
	(xrf0) =	vadd.scan.msk.s32 $0xffff, v12  }
0x2ac: {  	[tilespmem:s18+$0xA200] =	vst v9;
	v10 =	vsub.s32 v13, v10;
	(v2sf) =	vpush v13, $0xF;
	_ =	sdelay $0x1  }
0x2ad: {  	v9, _, _ =	vpop (xrf0);
	(xrf0) =	vadd.scan.msk.s32 $0xffff, v17  }
0x2ae: {  	s20 =	sshra.s32 s20, $0x2;
	v11 =	vsub.s32 v9, v11;
	s22 =	spop (v2sf);
	(v2sf) =	vpush v9, $0xF  }
0x2af: {  	v9 =	vld [tilespmem:s20+$0xA200];
	s21 =	sadd.s32 s21, s22  }
0x2b0: {  	v13 =	vadd.s32 s21, v14;
	v14, _, _ =	vpop (xrf0)  }
0x2b1: {  	[tilespmem:s18+$0xA210] =	vst v13;
	v12 =	vsub.s32 v14, v12;
	s22 =	spop (v2sf);
	(v2sf) =	vpush v14, $0xF  }
0x2b2: {  	v14 =	vld [tilespmem:s20+$0xA210];
	s21 =	sadd.s32 s21, s22  }
0x2b3: {  	v13 =	vadd.s32 s21, v16;
	v16, _, _ =	vpop (xrf0)  }
0x2b4: {  	(xrf0) =	vadd.scan.msk.s32 $0xffff, v9;
	[tilespmem:s18+$0xA220] =	vst v13;
	v17 =	vsub.s32 v16, v17;
	s22 =	spop (v2sf);
	(v2sf) =	vpush v16, $0xF  }
0x2b5: {  	v8 =	vsub.s32 v15, v8;
	v16 =	vld [tilespmem:s20+$0xA220];
	s21 =	sadd.s32 s21, s22  }
0x2b6: {  	v8 =	vadd.s32 s21, v8  }
0x2b7: {  	(xrf0) =	vadd.scan.msk.s32 $0xffff, v14;
	[tilespmem:s18+$0xA230] =	vst v8;
	s22 =	spop (v2sf)  }
0x2b8: {  	v8 =	vld [tilespmem:s20+$0xA230];
	s21 =	sadd.s32 s21, s22  }
0x2b9: {  	v10 =	vadd.s32 s21, v10  }
0x2ba: {  	v13, _, _ =	vpop (xrf0);
	(xrf0) =	vadd.scan.msk.s32 $0xffff, v16;
	[tilespmem:s18+$0xA240] =	vst v10;
	s22 =	spop (v2sf)  }
0x2bb: {  	v10 =	vld [tilespmem:s20+$0xA240];
	(v2sf) =	vpush v13, $0xF;
	s21 =	sadd.s32 s21, s22  }
0x2bc: {  	v11 =	vadd.s32 s21, v11  }
0x2bd: {  	v15, _, _ =	vpop (xrf0);
	(xrf0) =	vadd.scan.msk.s32 $0xffff, v8;
	[tilespmem:s18+$0xA250] =	vst v11;
	s22 =	spop (v2sf)  }
0x2be: {  	v14 =	vsub.s32 v15, v14;
	v11 =	vld [tilespmem:s20+$0xA250];
	(v2sf) =	vpush v15, $0xF;
	s21 =	sadd.s32 s21, s22  }
.Ltmp31:
0x2bf: {  	v12 =	vadd.s32 s21, v12;
	(pc) =	sbr.rel @!p1 .LBB2_26-.Ltmp31, $4  }
0x2c0: {  	v15, _, _ =	vpop (xrf0);
	(xrf0) =	vadd.scan.msk.s32 $0xffff, v10;
	[tilespmem:s18+$0xA260] =	vst v12;
	s22 =	spop (v2sf)  }
0x2c1: {  	v16 =	vsub.s32 v15, v16;
	v12 =	vld [tilespmem:s20+$0xA260];
	(v2sf) =	vpush v15, $0xF;
	s21 =	sadd.s32 s21, s22  }
0x2c2: {  	v17 =	vadd.s32 s21, v17  }
0x2c3: {  	v15, _, _ =	vpop (xrf0);
	(xrf0) =	vadd.scan.msk.s32 $0xffff, v11;
	[tilespmem:s18+$0xA270] =	vst v17;
	s22 =	spop (v2sf);
	s18 =	smov.u32 s20  }
0x2c4: {  	v17 =	vld [tilespmem:s18+$0xA270];
	_ =	sdelay $0x1  }
0x2c5: {  	(xrf0) =	vadd.scan.msk.s32 $0xffff, v12;
	_ =	sdelay $0x2  }
0x2c6: {  	(xrf0) =	vadd.scan.msk.s32 $0xffff, v17  }
0x2c7: {  	(v2sf) =	vpush v15, $0xF;
	v18, _, _ =	vpop (xrf0)  }
0x2c8: {  	(v2sf) =	vpush v18, $0xF;
	v19, _, _ =	vpop (xrf0)  }
0x2c9: {  	(v2sf) =	vpush v19, $0xF;
	v20, _, _ =	vpop (xrf0)  }
0x2ca: {  	(v2sf) =	vpush v20, $0xF;
	_ =	sdelay $0x1  }
0x2cb: {  	v21, _, _ =	vpop (xrf0)  }
0x2cc: {  	(v2sf) =	vpush v21, $0xF;
	_ =	sdelay $0x4  }
0x2cd: {  	s19 =	sadd.s32 s21, s22  }
0x2ce: {  	v9 =	vsub.s32 s19, v9;
	s20 =	spop (v2sf)  }
0x2cf: {  	v9 =	vadd.s32 v13, v9;
	s19 =	sadd.s32 s19, s20;
	s24 =	spop (v2sf)  }
0x2d0: {  	[tilespmem:s18+$0xA200] =	vst v9;
	v59 =	vadd.s32 s19, v14;
	s19 =	sadd.s32 s19, s24;
	s25 =	spop (v2sf)  }
0x2d1: {  	v8 =	vsub.s32 v15, v8;
	[tilespmem:s18+$0xA210] =	vst v59;
	v60 =	vadd.s32 s19, v16;
	s19 =	sadd.s32 s19, s25;
	s26 =	spop (v2sf)  }
0x2d2: {  	v10 =	vsub.s32 v18, v10;
	[tilespmem:s18+$0xA220] =	vst v60;
	v8 =	vadd.s32 s19, v8;
	s19 =	sadd.s32 s19, s26;
	s28 =	spop (v2sf)  }
.Ltmp32:
0x2d3: {  	v61 =	vsub.s32 v19, v11;
	[tilespmem:s18+$0xA230] =	vst v8;
	v8 =	vadd.s32 s19, v10;
	s19 =	sadd.s32 s19, s28;
	s29 =	spop (v2sf);
	(pc) =	sbr.rel @!p0 .LBB2_28-.Ltmp32, $4  }
0x2d4: {  	v62 =	vsub.s32 v20, v12;
	[tilespmem:s18+$0xA240] =	vst v8;
	v8 =	vadd.s32 s19, v61;
	s19 =	sadd.s32 s19, s29;
	s30 =	spop (v2sf)  }
0x2d5: {  	v63 =	vsub.s32 v21, v17;
	[tilespmem:s18+$0xA250] =	vst v8;
	v8 =	vadd.s32 s19, v62;
	s19 =	sadd.s32 s19, s30  }
0x2d6: {  	[tilespmem:s18+$0xA260] =	vst v8;
	v8 =	vadd.s32 s19, v63  }
0x2d7: {  	[tilespmem:s18+$0xA270] =	vst v8;
	s31 =	spop (v2sf)  }
0x2d8: {  	v8 =	vmul.u32 s17, v2  }
0x2d9: {  	s18 =	simm.s32 $0x0  }
0x2da: {  	v10 =	vadd.s32 s18, v8;
	_ =	sdelay $0x4  }
0x2db: {  	v9 =	vld.idx.msk [tilespmem:v10+s10+$0x0], $0xffff;
	_ =	sdelay $0x4  }
0x2dc: {  	v11 =	vshrl.u32 v9, $0xC  }
0x2dd: {  	v11 =	vand.u32 $0xFF0, v11  }
0x2de: {  	p1 =	seq.s32 s17, $0x1;
	v11 =	vor.u32 v2, v11  }
.Ltmp33:
0x2df: {  	_ = 	snop;
	(pc) =	sbr.rel @p1 .LBB2_78-.Ltmp33, $3  }
0x2e0: {  	_ =	sdelay $0x1  }
0x2e1: {  	v10 =	vld.idx.msk [tilespmem:v10+s11+$0x0], $0xffff  }
0x2e2: {  	s18 =	simm.s32 $0x1;
	v12 =	vld.idx.msk [tilespmem:v11+s15+$0x0], $0xffff  }
.LBB2_77:
0x2e3: {  	_ =	sdelay $0x4  }
0x2e4: {  	v13 =	vadd.s32 s18, v8;
	_ =	sdelay $0x1  }
0x2e5: {  	s18 =	sadd.s32 $0x1, s18;
	[tilespmem:v12+s13+$0x0] =	vst.idx.msk $0xffff, v9  }
0x2e6: {  	p1 =	seq.s32 s17, s18;
	[tilespmem:v12+s14+$0x0] =	vst.idx.msk $0xffff, v10  }
0x2e7: {  	[tilespmem:v11+s15+$0x0] =	vst.idx.add.s32.msk $0xffff, v3  }
0x2e8: {  	v9 =	vld.idx.msk [tilespmem:v13+s10+$0x0], $0xffff  }
0x2e9: {  	v10 =	vld.idx.msk [tilespmem:v13+s11+$0x0], $0xffff;
	_ =	sdelay $0x4  }
0x2ea: {  	v11 =	vshrl.u32 v9, $0xC  }
0x2eb: {  	v11 =	vand.u32 $0xFF0, v11  }
0x2ec: {  	v11 =	vor.u32 v2, v11  }
.Ltmp34:
0x2ed: {  	(pc) =	sbr.rel @!p1 .LBB2_77-.Ltmp34, $2  }
0x2ee: {  	_ =	sdelay $0x2  }
0x2ef: {  	v12 =	vld.idx.msk [tilespmem:v11+s15+$0x0], $0xffff  }
.LBB2_78:
0x2f0: {  	_ =	sdelay $0x7  }
0x2f1: {  	[tilespmem:v12+s13+$0x0] =	vst.idx.msk $0xffff, v9  }
0x2f2: {  	[tilespmem:v12+s14+$0x0] =	vst.idx.msk $0xffff, v10  }
0x2f3: {  	[tilespmem:v11+s15+$0x0] =	vst.idx.add.s32.msk $0xffff, v3  }
.LBB2_28:
0x2f4: {  	s18 =	simm.s32 $0xA240  }
0x2f5: {  	[tilespmem:s18+$0xFFFFFFC0] =	vst v0  }
0x2f6: {  	[tilespmem:s18+$0x30] =	vst v0  }
0x2f7: {  	[tilespmem:s18+$0x20] =	vst v0  }
0x2f8: {  	[tilespmem:s18+$0x10] =	vst v0  }
0x2f9: {  	[tilespmem:s18+$0x0] =	vst v0  }
0x2fa: {  	[tilespmem:s18+$0xFFFFFFF0] =	vst v0  }
0x2fb: {  	s19 =	simm.s32 $0x0;
	[tilespmem:s18+$0xFFFFFFE0] =	vst v0  }
.LBB2_29:
0x2fc: {  	s19 =	sadd.s32 $0x8, s19;
	[tilespmem:s18+$0xFFFFFFD0] =	vst v0;
	s18 =	sadd.s32 $0x80, s18  }
0x2fd: {  	[tilespmem:s18+$0xFFFFFFC0] =	vst v0;
	p1 =	slt.u32 s19, $0xF8  }
0x2fe: {  	[tilespmem:s18+$0x30] =	vst v0  }
.Ltmp35:
0x2ff: {  	[tilespmem:s18+$0x20] =	vst v0;
	(pc) =	sbr.rel @p1 .LBB2_29-.Ltmp35, $4  }
0x300: {  	[tilespmem:s18+$0x10] =	vst v0  }
0x301: {  	[tilespmem:s18+$0x0] =	vst v0  }
0x302: {  	[tilespmem:s18+$0xFFFFFFF0] =	vst v0  }
0x303: {  	[tilespmem:s18+$0xFFFFFFE0] =	vst v0  }
.Ltmp36:
0x304: {  	(pc) =	sbr.rel @!p0 .LBB2_31-.Ltmp36, $2  }
0x305: {  	_ =	sdelay $0x2  }
0x306: {  	[tilespmem:s18+$0xFFFFFFD0] =	vst v0  }
0x307: {  	v9 =	vmul.u32 s17, v2  }
0x308: {  	p2 =	seq.s32 s17, $0x1  }
.Ltmp37:
0x309: {  	_ = 	snop;
	(pc) =	sbr.rel @p2 .LBB2_80-.Ltmp37, $3  }
0x30a: {  	_ =	sdelay $0x1  }
0x30b: {  	s18 =	simm.s32 $0x0  }
0x30c: {  	s19 =	simm.s32 $0x1;
	p0 =	por $0x0, $0x0;
	p1 =	por $0x0, $0x0;
	v8 =	vadd.s32 $0x1, v9;
	v11 =	vld.idx.msk [tilespmem:v9+s13+$0x0], $0xffff  }
0x30d: {  	v9 =	vadd.s32 s18, v8;
	p2 =	seq.s32 s17, $0x2  }
.Ltmp38:
0x30e: {  	_ = 	snop;
	(pc) =	sbr.rel @p2 .LBB2_82-.Ltmp38, $2  }
0x30f: {  	_ =	sdelay $0x2  }
0x310: {  	s18 =	simm.s32 $0x2;
	p0 =	por $0x1, $0x1;
	v10 =	vshrl.u32 v11, $0x14;
	v12 =	vld.idx.msk [tilespmem:v9+s13+$0x0], $0xffff  }
0x311: {  	v11 =	vadd.s32 s19, v8;
	p2 =	seq.s32 s17, $0x3  }
.Ltmp39:
0x312: {  	v9 =	vand.u32 $0xFF0, v10;
	(pc) =	sbr.rel @p2 .LBB2_84-.Ltmp39, $2  }
0x313: {  	v9 =	vor.u32 v2, v9;
	_ =	sdelay $0x2  }
0x314: {  	s19 =	simm.s32 $0x3;
	p1 =	por $0x1, $0x1;
	v10 =	vshrl.u32 v12, $0x14;
	v11 =	vld.idx.msk [tilespmem:v11+s13+$0x0], $0xffff  }
.LBB2_85:
0x315: {  	v12 =	vadd.s32 s18, v8;
	s18 =	smov.u32 s19;
	s19 =	sadd.s32 $0x1, s19  }
0x316: {  	v10 =	vand.u32 $0xFF0, v10;
	[tilespmem:v9+s15+$0x0] =	vst.idx.add.s32.msk $0xffff, v3;
	p2 =	seq.s32 s17, s19  }
.Ltmp40:
0x317: {  	v9 =	vor.u32 v2, v10;
	(pc) =	sbr.rel @!p2 .LBB2_85-.Ltmp40, $2  }
0x318: {  	_ =	sdelay $0x2  }
0x319: {  	v10 =	vshrl.u32 v11, $0x14;
	v11 =	vld.idx.msk [tilespmem:v12+s13+$0x0], $0xffff  }
0x31a: {  	_ =	sdelay $0x3  }
0x31b: {  	v12 =	vmov v11  }
.LBB2_87:
0x31c: {  	v8 =	vand.u32 @p0 $0xFF0, v10  }
0x31d: {  	v63 =	vshrl.u32 v12, $0x14;
	v8 =	vor.u32 @p0 v2, v8  }
0x31e: {  	v10 =	vand.u32 $0xFF0, v63;
	v8 =	vpsel p0, v8, v0  }
0x31f: {  	v10 =	vor.u32 v2, v10;
	_ =	sdelay $0x2  }
0x320: {  	[tilespmem:v9+s15+$0x0] =	vst.idx.add.s32.msk @p1 $0xffff, v3  }
0x321: {  	[tilespmem:v8+s15+$0x0] =	vst.idx.add.s32.msk @p0 $0xffff, v3  }
0x322: {  	[tilespmem:v10+s15+$0x0] =	vst.idx.add.s32.msk $0xffff, v3  }
.LBB2_31:
0x323: {  	s20 =	simm.s32 $0x0  }
0x324: {  	v8 =	vld [tilespmem:s20+$0xA200];
	_ =	sdelay $0x4  }
0x325: {  	v9 =	vld [tilespmem:s20+$0xA210];
	(xrf0) =	vadd.scan.msk.s32 $0xffff, v8;
	_ =	sdelay $0x1  }
0x326: {  	v10 =	vld [tilespmem:s20+$0xA220];
	_ =	sdelay $0x2  }
0x327: {  	(xrf0) =	vadd.scan.msk.s32 $0xffff, v9  }
0x328: {  	v11 =	vld [tilespmem:s20+$0xA230];
	v13, _, _ =	vpop (xrf0)  }
0x329: {  	(xrf0) =	vadd.scan.msk.s32 $0xffff, v10;
	(v2sf) =	vpush v13, $0xF  }
0x32a: {  	v12 =	vld [tilespmem:s20+$0xA240]  }
0x32b: {  	v15 =	vld [tilespmem:s20+$0xA250]  }
0x32c: {  	v17 =	vld [tilespmem:s20+$0xA260]  }
0x32d: {  	v14, _, _ =	vpop (xrf0);
	(xrf0) =	vadd.scan.msk.s32 $0xffff, v11  }
0x32e: {  	(v2sf) =	vpush v14, $0xF  }
0x32f: {  	v16, _, _ =	vpop (xrf0);
	(xrf0) =	vadd.scan.msk.s32 $0xffff, v12  }
0x330: {  	(v2sf) =	vpush v16, $0xF;
	(xrf0) =	vadd.scan.msk.s32 $0xffff, v15  }
0x331: {  	(xrf0) =	vadd.scan.msk.s32 $0xffff, v17;
	_ =	sdelay $0x1  }
0x332: {  	v19 =	vld [tilespmem:s20+$0xA270];
	v18, _, _ =	vpop (xrf0)  }
0x333: {  	(v2sf) =	vpush v18, $0xF  }
0x334: {  	s18 =	simm.s32 $0x0;
	v20, _, _ =	vpop (xrf0)  }
0x335: {  	v8 =	vsub.s32 s18, v8;
	(v2sf) =	vpush v20, $0xF;
	v21, _, _ =	vpop (xrf0)  }
0x336: {  	v8 =	vadd.s32 v13, v8;
	(v2sf) =	vpush v21, $0xF;
	v13, _, _ =	vpop (xrf0)  }
0x337: {  	(xrf0) =	vadd.scan.msk.s32 $0xffff, v19;
	s19 =	spop (v2sf);
	(v2sf) =	vpush v13, $0xF;
	_ =	sdelay $0x1  }
0x338: {  	s18 =	simm.s32 $0x80;
	[tilespmem:s20+$0xA200] =	vst v8  }
0x339: {  	v14 =	vsub.s32 v14, v9;
	v9 =	vld [tilespmem:s18+$0xA200];
	s19 =	sadd.s32 $0x0, s19  }
0x33a: {  	v8 =	vadd.s32 s19, v14  }
0x33b: {  	s21 =	spop (v2sf);
	[tilespmem:s20+$0xA210] =	vst v8  }
0x33c: {  	v10 =	vsub.s32 v16, v10;
	s19 =	sadd.s32 s19, s21;
	v14, _, _ =	vpop (xrf0);
	v16 =	vld [tilespmem:s18+$0xA210]  }
0x33d: {  	s26 =	spop (v2sf);
	v8 =	vadd.s32 s19, v10;
	(v2sf) =	vpush v14, $0xF  }
0x33e: {  	(xrf0) =	vadd.scan.msk.s32 $0xffff, v9;
	s19 =	sadd.s32 s19, s26;
	[tilespmem:s20+$0xA220] =	vst v8;
	v8 =	vsub.s32 v18, v11  }
0x33f: {  	v18 =	vld [tilespmem:s18+$0xA220];
	v8 =	vadd.s32 s19, v8  }
0x340: {  	[tilespmem:s20+$0xA230] =	vst v8  }
0x341: {  	s28 =	spop (v2sf);
	v8 =	vld [tilespmem:s18+$0xA230];
	(xrf0) =	vadd.scan.msk.s32 $0xffff, v16  }
0x342: {  	v10 =	vsub.s32 v20, v12;
	s19 =	sadd.s32 s19, s28  }
0x343: {  	s29 =	spop (v2sf);
	v10 =	vadd.s32 s19, v10  }
0x344: {  	v12 =	vsub.s32 v13, v17;
	v13, _, _ =	vpop (xrf0);
	v11 =	vsub.s32 v21, v15;
	s19 =	sadd.s32 s19, s29;
	s30 =	spop (v2sf);
	[tilespmem:s20+$0xA240] =	vst v10;
	(xrf0) =	vadd.scan.msk.s32 $0xffff, v18  }
0x345: {  	v11 =	vadd.s32 s19, v11;
	v10 =	vld [tilespmem:s18+$0xA240];
	s31 =	spop (v2sf);
	(v2sf) =	vpush v13, $0xF  }
0x346: {  	[tilespmem:s20+$0xA250] =	vst v11;
	(xrf0) =	vadd.scan.msk.s32 $0xffff, v8  }
0x347: {  	v11 =	vld [tilespmem:s18+$0xA250];
	v15, _, _ =	vpop (xrf0)  }
0x348: {  	s19 =	sadd.s32 s19, s30;
	(v2sf) =	vpush v15, $0xF  }
0x349: {  	v12 =	vadd.s32 s19, v12  }
0x34a: {  	v17 =	vsub.s32 v14, v19;
	[tilespmem:s20+$0xA260] =	vst v12;
	s21 =	sadd.s32 s19, s31;
	v14 =	vsub.s32 v15, v16;
	v15, _, _ =	vpop (xrf0);
	(xrf0) =	vadd.scan.msk.s32 $0xffff, v10  }
0x34b: {  	v12 =	vld [tilespmem:s18+$0xA260];
	v17 =	vadd.s32 s21, v17;
	(v2sf) =	vpush v15, $0xF  }
0x34c: {  	s19 =	simm.s32 $0x400;
	v16 =	vsub.s32 v15, v18;
	(xrf0) =	vadd.scan.msk.s32 $0xffff, v11;
	v15, _, _ =	vpop (xrf0);
	[tilespmem:s20+$0xA270] =	vst v17;
	s22 =	spop (v2sf)  }
.LBB2_32:
0x34d: {  	p0 =	seq.s32 s19, $0x3E00  }
0x34e: {  	v17 =	vld [tilespmem:s18+$0xA270];
	(v2sf) =	vpush v15, $0xF;
	s21 =	sadd.s32 s21, s22;
	s20 =	smov.u32 s19;
	s19 =	sadd.s32 $0x200, s19  }
0x34f: {  	v9 =	vsub.s32 s21, v9  }
0x350: {  	v9 =	vadd.s32 v13, v9;
	v13, _, _ =	vpop (xrf0);
	(xrf0) =	vadd.scan.msk.s32 $0xffff, v12  }
0x351: {  	[tilespmem:s18+$0xA200] =	vst v9;
	v10 =	vsub.s32 v13, v10;
	(v2sf) =	vpush v13, $0xF;
	_ =	sdelay $0x1  }
0x352: {  	v9, _, _ =	vpop (xrf0);
	(xrf0) =	vadd.scan.msk.s32 $0xffff, v17  }
0x353: {  	s20 =	sshra.s32 s20, $0x2;
	v11 =	vsub.s32 v9, v11;
	s22 =	spop (v2sf);
	(v2sf) =	vpush v9, $0xF  }
0x354: {  	v9 =	vld [tilespmem:s20+$0xA200];
	s21 =	sadd.s32 s21, s22  }
0x355: {  	v13 =	vadd.s32 s21, v14;
	v14, _, _ =	vpop (xrf0)  }
0x356: {  	[tilespmem:s18+$0xA210] =	vst v13;
	v12 =	vsub.s32 v14, v12;
	s22 =	spop (v2sf);
	(v2sf) =	vpush v14, $0xF  }
0x357: {  	v14 =	vld [tilespmem:s20+$0xA210];
	s21 =	sadd.s32 s21, s22  }
0x358: {  	v13 =	vadd.s32 s21, v16;
	v16, _, _ =	vpop (xrf0)  }
0x359: {  	(xrf0) =	vadd.scan.msk.s32 $0xffff, v9;
	[tilespmem:s18+$0xA220] =	vst v13;
	v17 =	vsub.s32 v16, v17;
	s22 =	spop (v2sf);
	(v2sf) =	vpush v16, $0xF  }
0x35a: {  	v8 =	vsub.s32 v15, v8;
	v16 =	vld [tilespmem:s20+$0xA220];
	s21 =	sadd.s32 s21, s22  }
0x35b: {  	v8 =	vadd.s32 s21, v8  }
0x35c: {  	(xrf0) =	vadd.scan.msk.s32 $0xffff, v14;
	[tilespmem:s18+$0xA230] =	vst v8;
	s22 =	spop (v2sf)  }
0x35d: {  	v8 =	vld [tilespmem:s20+$0xA230];
	s21 =	sadd.s32 s21, s22  }
0x35e: {  	v10 =	vadd.s32 s21, v10  }
0x35f: {  	v13, _, _ =	vpop (xrf0);
	(xrf0) =	vadd.scan.msk.s32 $0xffff, v16;
	[tilespmem:s18+$0xA240] =	vst v10;
	s22 =	spop (v2sf)  }
0x360: {  	v10 =	vld [tilespmem:s20+$0xA240];
	(v2sf) =	vpush v13, $0xF;
	s21 =	sadd.s32 s21, s22  }
0x361: {  	v11 =	vadd.s32 s21, v11  }
0x362: {  	v15, _, _ =	vpop (xrf0);
	(xrf0) =	vadd.scan.msk.s32 $0xffff, v8;
	[tilespmem:s18+$0xA250] =	vst v11;
	s22 =	spop (v2sf)  }
0x363: {  	v14 =	vsub.s32 v15, v14;
	v11 =	vld [tilespmem:s20+$0xA250];
	(v2sf) =	vpush v15, $0xF;
	s21 =	sadd.s32 s21, s22  }
.Ltmp41:
0x364: {  	v12 =	vadd.s32 s21, v12;
	(pc) =	sbr.rel @!p0 .LBB2_32-.Ltmp41, $4  }
0x365: {  	v15, _, _ =	vpop (xrf0);
	(xrf0) =	vadd.scan.msk.s32 $0xffff, v10;
	[tilespmem:s18+$0xA260] =	vst v12;
	s22 =	spop (v2sf)  }
0x366: {  	v16 =	vsub.s32 v15, v16;
	v12 =	vld [tilespmem:s20+$0xA260];
	(v2sf) =	vpush v15, $0xF;
	s21 =	sadd.s32 s21, s22  }
0x367: {  	v17 =	vadd.s32 s21, v17  }
0x368: {  	v15, _, _ =	vpop (xrf0);
	(xrf0) =	vadd.scan.msk.s32 $0xffff, v11;
	[tilespmem:s18+$0xA270] =	vst v17;
	s22 =	spop (v2sf);
	s18 =	smov.u32 s20  }
0x369: {  	v17 =	vld [tilespmem:s18+$0xA270];
	_ =	sdelay $0x1  }
0x36a: {  	(xrf0) =	vadd.scan.msk.s32 $0xffff, v12;
	_ =	sdelay $0x2  }
0x36b: {  	(xrf0) =	vadd.scan.msk.s32 $0xffff, v17  }
0x36c: {  	(v2sf) =	vpush v15, $0xF;
	v18, _, _ =	vpop (xrf0)  }
0x36d: {  	(v2sf) =	vpush v18, $0xF;
	v19, _, _ =	vpop (xrf0)  }
0x36e: {  	(v2sf) =	vpush v19, $0xF;
	v20, _, _ =	vpop (xrf0)  }
0x36f: {  	(v2sf) =	vpush v20, $0xF;
	_ =	sdelay $0x1  }
0x370: {  	v21, _, _ =	vpop (xrf0)  }
0x371: {  	(v2sf) =	vpush v21, $0xF;
	_ =	sdelay $0x4  }
0x372: {  	s19 =	sadd.s32 s21, s22  }
0x373: {  	v9 =	vsub.s32 s19, v9;
	s20 =	spop (v2sf)  }
0x374: {  	v9 =	vadd.s32 v13, v9;
	s19 =	sadd.s32 s19, s20;
	s24 =	spop (v2sf)  }
0x375: {  	[tilespmem:s18+$0xA200] =	vst v9;
	v59 =	vadd.s32 s19, v14;
	s19 =	sadd.s32 s19, s24;
	s25 =	spop (v2sf)  }
0x376: {  	v8 =	vsub.s32 v15, v8;
	[tilespmem:s18+$0xA210] =	vst v59;
	v60 =	vadd.s32 s19, v16;
	s19 =	sadd.s32 s19, s25;
	s26 =	spop (v2sf)  }
0x377: {  	p0 =	seq.s32 s17, $0x0;
	v10 =	vsub.s32 v18, v10;
	[tilespmem:s18+$0xA220] =	vst v60;
	v8 =	vadd.s32 s19, v8;
	s19 =	sadd.s32 s19, s26;
	s28 =	spop (v2sf)  }
.Ltmp42:
0x378: {  	v61 =	vsub.s32 v19, v11;
	[tilespmem:s18+$0xA230] =	vst v8;
	v8 =	vadd.s32 s19, v10;
	s19 =	sadd.s32 s19, s28;
	s29 =	spop (v2sf);
	(pc) =	sbr.rel @p0 .LBB2_37-.Ltmp42, $4  }
0x379: {  	v62 =	vsub.s32 v20, v12;
	[tilespmem:s18+$0xA240] =	vst v8;
	v8 =	vadd.s32 s19, v61;
	s19 =	sadd.s32 s19, s29;
	s30 =	spop (v2sf)  }
0x37a: {  	v63 =	vsub.s32 v21, v17;
	[tilespmem:s18+$0xA250] =	vst v8;
	v8 =	vadd.s32 s19, v62;
	s19 =	sadd.s32 s19, s30  }
0x37b: {  	[tilespmem:s18+$0xA260] =	vst v8;
	v8 =	vadd.s32 s19, v63  }
0x37c: {  	[tilespmem:s18+$0xA270] =	vst v8;
	s31 =	spop (v2sf)  }
0x37d: {  	v8 =	vmul.u32 s17, v2  }
0x37e: {  	s18 =	simm.s32 $0x0  }
0x37f: {  	v10 =	vadd.s32 s18, v8;
	_ =	sdelay $0x4  }
0x380: {  	v9 =	vld.idx.msk [tilespmem:v10+s13+$0x0], $0xffff;
	_ =	sdelay $0x4  }
0x381: {  	v11 =	vshrl.u32 v9, $0x14  }
0x382: {  	v11 =	vand.u32 $0xFF0, v11  }
0x383: {  	p0 =	sne.s32 s17, $0x1;
	v11 =	vor.u32 v2, v11  }
.Ltmp43:
0x384: {  	_ = 	snop;
	(pc) =	sbr.rel @!p0 .LBB2_36-.Ltmp43, $3  }
0x385: {  	_ =	sdelay $0x1  }
0x386: {  	v10 =	vld.idx.msk [tilespmem:v10+s14+$0x0], $0xffff  }
0x387: {  	s18 =	simm.s32 $0x1;
	v12 =	vld.idx.msk [tilespmem:v11+s15+$0x0], $0xffff  }
.LBB2_35:
0x388: {  	_ =	sdelay $0x4  }
0x389: {  	v13 =	vadd.s32 s18, v8;
	_ =	sdelay $0x1  }
0x38a: {  	s18 =	sadd.s32 $0x1, s18;
	[tilespmem:v12+s10+$0x0] =	vst.idx.msk $0xffff, v9  }
0x38b: {  	p0 =	sne.s32 s17, s18;
	[tilespmem:v12+s11+$0x0] =	vst.idx.msk $0xffff, v10  }
0x38c: {  	[tilespmem:v11+s15+$0x0] =	vst.idx.add.s32.msk $0xffff, v3  }
0x38d: {  	v9 =	vld.idx.msk [tilespmem:v13+s13+$0x0], $0xffff  }
0x38e: {  	v10 =	vld.idx.msk [tilespmem:v13+s14+$0x0], $0xffff;
	_ =	sdelay $0x4  }
0x38f: {  	v11 =	vshrl.u32 v9, $0x14  }
0x390: {  	v11 =	vand.u32 $0xFF0, v11  }
0x391: {  	v11 =	vor.u32 v2, v11  }
.Ltmp44:
0x392: {  	(pc) =	sbr.rel @p0 .LBB2_35-.Ltmp44, $2  }
0x393: {  	_ =	sdelay $0x2  }
0x394: {  	v12 =	vld.idx.msk [tilespmem:v11+s15+$0x0], $0xffff  }
.LBB2_36:
0x395: {  	_ =	sdelay $0x7  }
0x396: {  	[tilespmem:v12+s10+$0x0] =	vst.idx.msk $0xffff, v9  }
0x397: {  	[tilespmem:v12+s11+$0x0] =	vst.idx.msk $0xffff, v10  }
0x398: {  	[tilespmem:v11+s15+$0x0] =	vst.idx.add.s32.msk $0xffff, v3  }
.LBB2_37:
0x399: {  	[hbm4b:s3+s7] =	stream.strided.scatter [tilespmem:s11], [sflag:$0x1], $0x400, s8, s7, $0x38;
	[tilespmem:$0xD200] =	vst v63  }
0x39a: {  	_ =	swait.ge [sflag:s9], $0x400  }
0x39b: {  	[sflag:s9] =	ssyncset.done $0x0  }
0x39c: {  	s17 =	simm.s32 $0xB240;
	[sflag:s9] =	ssyncadd.s32 $0xFFFFFC00  }
0x39d: {  	[tilespmem:s17+$0xFFFFFFC0] =	vst v6  }
0x39e: {  	[tilespmem:s17+$0x30] =	vst v6  }
0x39f: {  	[tilespmem:s17+$0x20] =	vst v6  }
0x3a0: {  	[tilespmem:s17+$0x10] =	vst v6  }
0x3a1: {  	[tilespmem:s17+$0x0] =	vst v6  }
0x3a2: {  	[tilespmem:s17+$0xFFFFFFF0] =	vst v6  }
0x3a3: {  	s19 =	simm.s32 $0x0;
	[tilespmem:s17+$0xFFFFFFE0] =	vst v6  }
.LBB2_38:
0x3a4: {  	s19 =	sadd.s32 $0x8, s19;
	[tilespmem:s17+$0xFFFFFFD0] =	vst v6;
	s17 =	sadd.s32 $0x80, s17;
	s18 =	simm.s32 $0x40C0  }
0x3a5: {  	[tilespmem:s17+$0xFFFFFFC0] =	vst v6;
	p0 =	slt.u32 s19, $0x1F8  }
0x3a6: {  	[tilespmem:s17+$0x30] =	vst v6  }
.Ltmp45:
0x3a7: {  	[tilespmem:s17+$0x20] =	vst v6;
	(pc) =	sbr.rel @p0 .LBB2_38-.Ltmp45, $4  }
0x3a8: {  	[tilespmem:s17+$0x10] =	vst v6  }
0x3a9: {  	[tilespmem:s17+$0x0] =	vst v6  }
0x3aa: {  	[tilespmem:s17+$0xFFFFFFF0] =	vst v6  }
0x3ab: {  	[tilespmem:s17+$0xFFFFFFE0] =	vst v6  }
0x3ac: {  	[tilespmem:s17+$0xFFFFFFD0] =	vst v6  }
0x3ad: {  	v8 =	vld [tilespmem:s18+$0x30]  }
0x3ae: {  	v9 =	vld [tilespmem:s18+$0xFFFFFFD0]  }
0x3af: {  	v10 =	vld [tilespmem:s18+$0xFFFFFFE0]  }
0x3b0: {  	v11 =	vld [tilespmem:s18+$0xFFFFFFF0]  }
0x3b1: {  	v12 =	vld [tilespmem:s18+$0x0]  }
0x3b2: {  	v13 =	vld [tilespmem:s18+$0x10]  }
0x3b3: {  	v14 =	vld [tilespmem:s18+$0x20]  }
0x3b4: {  	s17 =	simm.s32 $0x0;
	v15 =	vld [tilespmem:s18+$0xFFFFFFC0];
	s18 =	simm.s32 $0x4140  }
.LBB2_40:
0x3b5: {  	s17 =	sadd.s32 $0x8, s17;
	[tilespmem:v8+s12+$0x0] =	vst.idx.msk $0xffff, v7;
	v8 =	vld [tilespmem:s18+$0x30]  }
0x3b6: {  	p0 =	slt.u32 s17, $0x38;
	[tilespmem:v9+s12+$0x0] =	vst.idx.msk $0xffff, v7;
	v9 =	vld [tilespmem:s18+$0xFFFFFFD0]  }
0x3b7: {  	[tilespmem:v10+s12+$0x0] =	vst.idx.msk $0xffff, v7;
	v10 =	vld [tilespmem:s18+$0xFFFFFFE0]  }
.Ltmp46:
0x3b8: {  	[tilespmem:v11+s12+$0x0] =	vst.idx.msk $0xffff, v7;
	v11 =	vld [tilespmem:s18+$0xFFFFFFF0];
	(pc) =	sbr.rel @p0 .LBB2_40-.Ltmp46, $4  }
0x3b9: {  	[tilespmem:v12+s12+$0x0] =	vst.idx.msk $0xffff, v7;
	v12 =	vld [tilespmem:s18+$0x0]  }
0x3ba: {  	[tilespmem:v13+s12+$0x0] =	vst.idx.msk $0xffff, v7;
	v13 =	vld [tilespmem:s18+$0x10]  }
0x3bb: {  	[tilespmem:v14+s12+$0x0] =	vst.idx.msk $0xffff, v7;
	v14 =	vld [tilespmem:s18+$0x20]  }
0x3bc: {  	[tilespmem:v15+s12+$0x0] =	vst.idx.msk $0xffff, v7;
	v15 =	vld [tilespmem:s18+$0xFFFFFFC0];
	s18 =	sadd.s32 $0x80, s18  }
0x3bd: {  	_ =	sdelay $0x3  }
0x3be: {  	[tilespmem:v8+s12+$0x0] =	vst.idx.msk $0xffff, v7  }
0x3bf: {  	[tilespmem:v9+s12+$0x0] =	vst.idx.msk $0xffff, v7  }
0x3c0: {  	[tilespmem:v10+s12+$0x0] =	vst.idx.msk $0xffff, v7  }
0x3c1: {  	[tilespmem:v11+s12+$0x0] =	vst.idx.msk $0xffff, v7  }
0x3c2: {  	[tilespmem:v12+s12+$0x0] =	vst.idx.msk $0xffff, v7  }
0x3c3: {  	[tilespmem:v13+s12+$0x0] =	vst.idx.msk $0xffff, v7  }
0x3c4: {  	s16 =	sadd.s32 $0x1, s16;
	[tilespmem:v14+s12+$0x0] =	vst.idx.msk $0xffff, v7  }
0x3c5: {  	p0 =	sne.s32 s16, s6;
	[tilespmem:v15+s12+$0x0] =	vst.idx.msk $0xffff, v7  }
0x3c6: {  	[hbm4b:s4+s7] =	stream.strided.scatter [tilespmem:s12], [sflag:$0x1], $0x2000, s8, s7, $0x38;
	[tilespmem:$0xD200] =	vst v63  }
.Ltmp47:
0x3c7: {  	_ = 	snop;
	(pc) =	sbr.rel @p0 .LBB2_2-.Ltmp47, $4  }
.Ltmp48:
0x3c8: {  	_ = 	snop;
	(pc) =	sbr.rel @!p0 .LBB2_42-.Ltmp48, $4  }
0x3c9: {  	_ =	swait.ge [sflag:s9], $0x2000  }
0x3ca: {  	[sflag:s9] =	ssyncset.done $0x0  }
0x3cb: {  	[sflag:s9] =	ssyncadd.s32 $0xFFFFE000  }
0x3cc: {  	_ = 	snop  }
.LBB2_44:
.Ltmp49:
0x3cd: {  	_ = 	snop;
	(pc) =	sbr.rel .LBB2_51-.Ltmp49, $2  }
0x3ce: {  	_ =	sdelay $0x2  }
0x3cf: {  	v12 =	vmov v11  }
.LBB2_56:
.Ltmp50:
0x3d0: {  	_ = 	snop;
	(pc) =	sbr.rel .LBB2_63-.Ltmp50, $2  }
0x3d1: {  	_ =	sdelay $0x2  }
0x3d2: {  	v12 =	vmov v11  }
.LBB2_68:
.Ltmp51:
0x3d3: {  	_ = 	snop;
	(pc) =	sbr.rel .LBB2_75-.Ltmp51, $2  }
0x3d4: {  	_ =	sdelay $0x2  }
0x3d5: {  	v12 =	vmov v11  }
.LBB2_80:
.Ltmp52:
0x3d6: {  	_ = 	snop;
	(pc) =	sbr.rel .LBB2_87-.Ltmp52, $2  }
0x3d7: {  	_ =	sdelay $0x2  }
0x3d8: {  	v12 =	vmov v11  }
.LBB2_46:
.Ltmp53:
0x3d9: {  	(pc) =	sbr.rel .LBB2_51-.Ltmp53, $2  }
0x3da: {  	_ =	sdelay $0x2  }
0x3db: {  	_ = 	snop  }
.LBB2_58:
.Ltmp54:
0x3dc: {  	(pc) =	sbr.rel .LBB2_63-.Ltmp54, $2  }
0x3dd: {  	_ =	sdelay $0x2  }
0x3de: {  	_ = 	snop  }
.LBB2_70:
.Ltmp55:
0x3df: {  	(pc) =	sbr.rel .LBB2_75-.Ltmp55, $2  }
0x3e0: {  	_ =	sdelay $0x2  }
0x3e1: {  	_ = 	snop  }
.LBB2_82:
.Ltmp56:
0x3e2: {  	(pc) =	sbr.rel .LBB2_87-.Ltmp56, $2  }
0x3e3: {  	_ =	sdelay $0x2  }
0x3e4: {  	_ = 	snop  }
.LBB2_48:
.Ltmp57:
0x3e5: {  	_ = 	snop;
	(pc) =	sbr.rel .LBB2_51-.Ltmp57, $2  }
0x3e6: {  	_ =	sdelay $0x2  }
0x3e7: {  	v12 =	vmov v11  }
.LBB2_60:
.Ltmp58:
0x3e8: {  	_ = 	snop;
	(pc) =	sbr.rel .LBB2_63-.Ltmp58, $2  }
0x3e9: {  	_ =	sdelay $0x2  }
0x3ea: {  	v12 =	vmov v11  }
.LBB2_72:
.Ltmp59:
0x3eb: {  	_ = 	snop;
	(pc) =	sbr.rel .LBB2_75-.Ltmp59, $2  }
0x3ec: {  	_ =	sdelay $0x2  }
0x3ed: {  	v12 =	vmov v11  }
.LBB2_84:
.Ltmp60:
0x3ee: {  	_ = 	snop;
	(pc) =	sbr.rel .LBB2_87-.Ltmp60, $2  }
0x3ef: {  	_ =	sdelay $0x2  }
0x3f0: {  	v12 =	vmov v11  }
.LBB2_42:
0x3f1: {  	_ =	sfence.sel $0x180000  }
0x3f2: {  	[bflag:$0x0] =	sbarrier.arrive $0xFFFF  }
0x3f3: {  	p0 =	sne.s32 s1, $0x0;
	_ =	strace $0x90000047  }
0x3f4: {  	s0 =	sadd.s32 @!p0 $0x100000, s0;
	[bflag:$0x2] =	sbarrier.arrive $0xFFFF  }
0x3f5: {  	[sflag:s0] =	ssyncadd.tile.s32 @!p0 $0x1;
	_ =	shalt  }
.Lfunc_end2:
_tile_overlayer_lowered:
.L_overlay_start_2:
0x3f6: {  	(tag) =	ssettag $0x2  }
0x3f7: {  	s0 =	rddreg [dreg:$0x0];
	s2 =	stileid.u32  }
0x3f8: {  	s1 =	rddreg [dreg:$0x1];
	p0 =	sne.s32 s2, $0x0  }
0x3f9: {  	s3 =	rddreg [dreg:$0x2];
	[bflag:$0x3] =	sbarrier.arrive $0xFFFF;
	s2 =	simm.s32 @!p0 $0x1C01  }
0x3fa: {  	[timem:s3], [sflag:s2] =	dma.local @!p0 [hbm:s0], s1  }
0x3fb: {  	s0 =	simm.s32 @!p0 $0x1  }
0x3fc: {  	_ =	swait.ge @!p0 [sflag:s0], s1  }
0x3fd: {  	s1 =	ssub.s32 @!p0 $0x0, s1;
	[sflag:s0] =	ssyncset.done @!p0 $0x0  }
0x3fe: {  	[sflag:s0] =	ssyncadd.s32 @!p0 s1  }
0x3ff: {  	[bflag:$0x3] =	sbarrier.arrive $0xFFFF  }
0x400: {  	_ =	shalt  }

</sc_bundles>
